<compile_context>
chip_gen: v7x
topology: tpu7x:2x2x1
jax: 0.10.2.dev20260603
libtpu: 0.0.44.dev20260713+nightly
codegen_flags: <defaults>
</compile_context>

<pallas_src>
import functools

import jax
import jax.numpy as jnp
from jax import lax
from jax.experimental import pallas as pl
from jax.experimental.pallas import tpu as pltpu
from jax.experimental.pallas import tpu_sc as plsc

B, T, L, H, D = 64, 64, 577, 12, 768
LNC = L - 1
K = LNC // 2
KP1 = K + 1
NIDX = 512
CHUNK = 128
NW = 32


def _score_kernel(ca_ref, tm_ref, im_ref, ts_ref, idx_ref, mask_ref):
    X = ca_ref[0]

    acc = X[:, 0:8, :]
    for g in range(1, 8):
        acc = acc + X[:, 8 * g:8 * g + 8, :]
    t1 = acc[:, 4:8, :] + acc[:, 0:4, :]
    t2 = t1[:, 2:4, :] + t1[:, 0:2, :]
    S = t2[:, 1, :] + t2[:, 0, :]

    t_len = jnp.sum(tm_ref[...])
    Sd = S / t_len

    ts_ref[0] = Sd.T

    A = Sd[0:4, :] + Sd[8:12, :]
    a = Sd[4:8, :] + A
    bb = a[2:4, :] + a[0:2, :]
    c = bb[1:2, :] + bb[0:1, :]
    scores = c / jnp.float32(12.0)
    s_nc = scores[:, 1:]

    col = s_nc.T

    krow = jnp.broadcast_to(
        lax.bitcast_convert_type(s_nc, jnp.int32), (LNC, LNC))
    kcol = jnp.broadcast_to(
        lax.bitcast_convert_type(col, jnp.int32), (LNC, LNC))
    ii = lax.broadcasted_iota(jnp.int32, (LNC, LNC), 0)
    jj = lax.broadcasted_iota(jnp.int32, (LNC, LNC), 1)
    tri = jnp.where(jj < ii, 1, 0)
    G = (krow - kcol + tri) > 0
    ones = jnp.ones((LNC, 1), jnp.int8)
    rank = lax.dot_general(G.astype(jnp.int8), ones,
                           (((1,), (0,)), ((), ())),
                           preferred_element_type=jnp.int32)

    NP = 384
    rr_l = lax.broadcasted_iota(jnp.int32, (LNC, NP), 1)
    rr = jnp.where(rr_l < KP1, rr_l, rr_l - KP1)
    P2 = (jnp.broadcast_to(rank + 1, (LNC, NP)) == rr).astype(jnp.int8)

    idx_i = lax.broadcasted_iota(jnp.int32, (1, LNC), 1)
    idx_hi = (idx_i // 64).astype(jnp.int8)
    idx_lo = (idx_i % 64).astype(jnp.int8)
    mask_row = im_ref[0][:, 1:].astype(jnp.int8)
    lhs = jnp.concatenate([idx_hi, idx_lo, mask_row], axis=0)
    packed = lax.dot_general(lhs, P2, (((1,), (0,)), ((), ())),
                             preferred_element_type=jnp.int32)
    top_shift = packed[0:1, :] * 64 + packed[1:2, :]
    gmask = packed[2:3, :].astype(jnp.float32)

    lane = lax.broadcasted_iota(jnp.int32, (1, NP), 1)
    lane_t = jnp.where(lane < KP1, lane, lane - KP1)
    gidx = jnp.where(lane_t == 0, 0, 1 + top_shift)
    gidx = jnp.concatenate(
        [gidx, jnp.zeros((1, NIDX - NP), jnp.int32)], axis=1)
    idx_ref[...] = gidx[0]

    cls_mask = im_ref[0, 0, 0]
    mrow = jnp.where(lane == 0, cls_mask, gmask)
    mask_ref[0] = mrow[:, :KP1]


def _tc_scores(cross_attn, text_mask, image_mask):
    return pl.pallas_call(
        _score_kernel,
        grid=(B,),
        in_specs=[
            pl.BlockSpec((1, H, T, L), lambda b: (b, 0, 0, 0)),
            pl.BlockSpec((1, 1, T), lambda b: (b, 0, 0)),
            pl.BlockSpec((1, 1, L), lambda b: (b, 0, 0)),
        ],
        out_specs=[
            pl.BlockSpec((1, L, H), lambda b: (b, 0, 0)),
            pl.BlockSpec((NIDX,), lambda b: (b,)),
            pl.BlockSpec((1, 1, KP1), lambda b: (b, 0, 0)),
        ],
        out_shape=[
            jax.ShapeDtypeStruct((B, L, H), jnp.float32),
            jax.ShapeDtypeStruct((B * NIDX,), jnp.int32),
            jax.ShapeDtypeStruct((B, 1, KP1), jnp.float32),
        ],
    )(cross_attn, text_mask.reshape(B, 1, T), image_mask.reshape(B, 1, L))


GCH = 64
NCH = 5
NTAIL = KP1 - 4 * GCH


def _make_sc_gather():
    mesh = plsc.VectorSubcoreMesh(core_axis_name="c", subcore_axis_name="s")

    @functools.partial(
        pl.kernel,
        mesh=mesh,
        out_type=jax.ShapeDtypeStruct((B, KP1, D), jnp.float32),
        scratch_types=[
            pltpu.VMEM((3 * CHUNK,), jnp.int32),
            pltpu.VMEM((GCH, D), jnp.float32),
            pltpu.VMEM((GCH, D), jnp.float32),
            pltpu.VMEM((GCH,), jnp.int32),
            pltpu.SemaphoreType.DMA,
            pltpu.SemaphoreType.DMA,
        ],
    )
    def sc_gather(img_hbm, idx_hbm, out_hbm, idx_v, rows_a, rows_b, wtail,
                  sem_a, sem_b):
        w = lax.axis_index("s") * 2 + lax.axis_index("c")

        i16 = lax.broadcasted_iota(jnp.int32, (16,), 0)
        for k in range(GCH // 16):
            v = i16 + 16 * k
            wtail[pl.ds(16 * k, 16)] = jnp.where(
                v < NTAIL, v + 4 * GCH, v - NTAIL)

        bufs = (rows_a, rows_b)
        sems = (sem_a, sem_b)
        for bo in range(2):
            b = w * 2 + bo
            imgb = img_hbm.at[b]
            outb = out_hbm.at[b]
            for k in range(3):
                pltpu.sync_copy(
                    idx_hbm.at[pl.ds(b * NIDX + k * CHUNK, CHUNK)],
                    idx_v.at[pl.ds(k * CHUNK, CHUNK)])

            copies = []
            for ch in range(NCH):
                copies.append(pltpu.make_async_copy(
                    imgb.at[idx_v.at[pl.ds(ch * GCH, GCH)]],
                    bufs[ch % 2], sems[ch % 2]))
            copies[0].start()
            for ch in range(NCH):
                if ch + 1 < NCH:
                    copies[ch + 1].start()
                copies[ch].wait()
                if ch < NCH - 1:
                    pltpu.sync_copy(bufs[ch % 2],
                                    outb.at[pl.ds(ch * GCH, GCH)])
                else:
                    pltpu.async_copy(bufs[ch % 2], outb.at[wtail],
                                     sems[ch % 2]).wait()

    return sc_gather


_SC_GATHER_CACHE = []


def kernel(layer_idx, text_states, text_mask, image_states, image_mask,
           cross_attn, previous_keep_mask):
    token_scores, gidx, new_mask = _tc_scores(cross_attn, text_mask, image_mask)
    if not _SC_GATHER_CACHE:
        _SC_GATHER_CACHE.append(_make_sc_gather())
    new_img_states = _SC_GATHER_CACHE[0](image_states, gidx)
    new_img_mask = new_mask.reshape(B, KP1)
    return (new_img_states, new_img_mask, previous_keep_mask, token_scores)

# --- scband reference (transcript-rebuilt; emitter-appended) ---
"""Pipeline reference for scband-token-reducer-73272142069917 (READ-ONLY COPY).

The authoritative reference and input builder live on the scoring server;
editing this copy changes nothing except your own understanding.
"""

import jax, jax.numpy as jnp
import numpy as np

KEEP_RATIO = 0.5

def setup_inputs(seed: int = 0) -> dict:
    key = jax.random.key(seed)
    ks = jax.random.split(key, 4)
    B, T, L, H, D = 64, 64, 577, 12, 768
    return {
        "layer_idx": 3,
        "text_states": jax.random.normal(ks[0], (B, T, D), dtype=jnp.float32),
        "text_mask": jnp.ones((B, T), dtype=jnp.float32),
        "image_states": jax.random.normal(ks[1], (B, L, D), dtype=jnp.float32),
        "image_mask": jnp.ones((B, L), dtype=jnp.float32),
        "cross_attn": jax.random.uniform(ks[2], (B, H, T, L), dtype=jnp.float32),
        "previous_keep_mask": jnp.ones((B, L), dtype=jnp.float32),
    }

def reference(layer_idx, text_states, text_mask, image_states, image_mask, cross_attn, previous_keep_mask):
    # cls token split
    cls_states = image_states[:, :1]
    cls_mask = image_mask[:, :1]
    image_states_no_cls = image_states[:, 1:]
    mask_no_cls = image_mask[:, 1:]
    # t_len: [B, 1, 1]
    t_len = jnp.sum(text_mask, axis=1, keepdims=True)[..., None]
    # cross_attn: [B, H, T, L] -> sum over text dim -> [B, H, L] -> transpose -> [B, L, H]
    attn_scores = jnp.transpose(jnp.sum(cross_attn, axis=2) / t_len, (0, 2, 1))
    token_scores = attn_scores  # [B, L, H]
    # reduce heads, drop cls, keep top-k image tokens by cross-attention score
    scores = jnp.mean(token_scores, axis=-1)  # [B, L]
    scores_no_cls = scores[:, 1:]
    k = int(KEEP_RATIO * scores_no_cls.shape[1])
    _, top_idx = jax.lax.top_k(scores_no_cls, k)  # [B, k]
    gathered_states = jnp.take_along_axis(image_states_no_cls, top_idx[..., None], axis=1)
    gathered_mask = jnp.take_along_axis(mask_no_cls, top_idx, axis=1)
    new_img_states = jnp.concatenate([cls_states, gathered_states], axis=1)  # [B, k+1, D]
    new_img_mask = jnp.concatenate([cls_mask, gathered_mask], axis=1)  # [B, k+1]
    return (new_img_states, new_img_mask, previous_keep_mask, token_scores)

if __name__ == "__main__":
    import jax
    _d = setup_inputs()
    print(jax.jit(kernel)(*tuple(_d.values())))

</pallas_src>

<mosaic_0001>
#map = affine_map<(d0, d1) -> (0, 0, 0)>
#map1 = affine_map<(d0, d1) -> (0)>
module attributes {stable_mosaic.version = 14 : i64} {
  func.func @sc_gather(%arg0: i32, %arg1: i32, %arg2: memref<64x577x768xf32, #tpu.memory_space<hbm>>, %arg3: memref<32768xi32, #tpu.memory_space<hbm>>, %arg4: memref<64x289x768xf32, #tpu.memory_space<hbm>>, %arg5: memref<384xi32, #tpu.memory_space<vmem>>, %arg6: memref<64x768xf32, #tpu.memory_space<vmem>>, %arg7: memref<64x768xf32, #tpu.memory_space<vmem>>, %arg8: memref<64xi32, #tpu.memory_space<vmem>>, %arg9: memref<!tpu.dma_semaphore, #tpu.memory_space<semaphore_mem>>, %arg10: memref<!tpu.dma_semaphore, #tpu.memory_space<semaphore_mem>>) attributes {dimension_semantics = [#tpu.dimension_semantics<core_parallel>, #tpu.dimension_semantics<subcore_parallel>], iteration_bounds = array<i64: 2, 16>, scalar_prefetch = 0 : i64, scratch_operands = 6 : i64, tpu.core_type = #tpu.core_type<sc_vector_subcore>, window_params = [{transform_indices = #map}, {transform_indices = #map1}, {transform_indices = #map}]} {
    %mul3A = arith.constant 2 : i32
    %mul3A_0 = arith.muli %arg1, %mul3A : i32
    %add3A = arith.addi %mul3A_0, %arg0 : i32
    %iota3A = tpu.iota {dimensions = array<i32: 0>} : vector<16xi32>
    %add3A_1 = arith.constant 0 : i32
    %add3A_2 = vector.broadcast %add3A_1 : i32 to vector<16xi32>
    %add3A_3 = arith.addi %iota3A, %add3A_2 : vector<16xi32>
    %lt3A = arith.constant 33 : i32
    %lt3A_4 = vector.broadcast %lt3A : i32 to vector<16xi32>
    %lt3A_5 = arith.cmpi slt, %add3A_3, %lt3A_4 : vector<16xi32>
    %add3A_6 = arith.constant 256 : i32
    %add3A_7 = vector.broadcast %add3A_6 : i32 to vector<16xi32>
    %add3A_8 = arith.addi %add3A_3, %add3A_7 : vector<16xi32>
    %sub3A = arith.constant 33 : i32
    %sub3A_9 = vector.broadcast %sub3A : i32 to vector<16xi32>
    %sub3A_10 = arith.subi %add3A_3, %sub3A_9 : vector<16xi32>
    %select_n3A = arith.select %lt3A_5, %add3A_8, %sub3A_10 : vector<16xi1>, vector<16xi32>
    %swap3A = arith.constant 0 : index
    %swap3A_11 = tpu.vector_load %arg8[%swap3A] {strides = array<i32>} : memref<64xi32, #tpu.memory_space<vmem>>, vector<16xi32>,
    %swap3A_12 = vector.shape_cast %swap3A_11 : vector<16xi32> to vector<16xi32>
    %swap3A_13 = vector.shape_cast %select_n3A : vector<16xi32> to vector<16xi32>
    tpu.vector_store %arg8[%swap3A], %swap3A_13 {strides = array<i32>} : memref<64xi32, #tpu.memory_space<vmem>>, vector<16xi32>,
    %add3A_14 = arith.constant 16 : i32
    %add3A_15 = vector.broadcast %add3A_14 : i32 to vector<16xi32>
    %add3A_16 = arith.addi %iota3A, %add3A_15 : vector<16xi32>
    %lt3A_17 = arith.constant 33 : i32
    %lt3A_18 = vector.broadcast %lt3A_17 : i32 to vector<16xi32>
    %lt3A_19 = arith.cmpi slt, %add3A_16, %lt3A_18 : vector<16xi32>
    %add3A_20 = arith.constant 256 : i32
    %add3A_21 = vector.broadcast %add3A_20 : i32 to vector<16xi32>
    %add3A_22 = arith.addi %add3A_16, %add3A_21 : vector<16xi32>
    %sub3A_23 = arith.constant 33 : i32
    %sub3A_24 = vector.broadcast %sub3A_23 : i32 to vector<16xi32>
    %sub3A_25 = arith.subi %add3A_16, %sub3A_24 : vector<16xi32>
    %select_n3A_26 = arith.select %lt3A_19, %add3A_22, %sub3A_25 : vector<16xi1>, vector<16xi32>
    %swap3A_27 = arith.constant 16 : index
    %swap3A_28 = tpu.vector_load %arg8[%swap3A_27] {strides = array<i32>} : memref<64xi32, #tpu.memory_space<vmem>>, vector<16xi32>,
    %swap3A_29 = vector.shape_cast %swap3A_28 : vector<16xi32> to vector<16xi32>
    %swap3A_30 = vector.shape_cast %select_n3A_26 : vector<16xi32> to vector<16xi32>
    tpu.vector_store %arg8[%swap3A_27], %swap3A_30 {strides = array<i32>} : memref<64xi32, #tpu.memory_space<vmem>>, vector<16xi32>,
    %add3A_31 = arith.constant 32 : i32
    %add3A_32 = vector.broadcast %add3A_31 : i32 to vector<16xi32>
    %add3A_33 = arith.addi %iota3A, %add3A_32 : vector<16xi32>
    %lt3A_34 = arith.constant 33 : i32
    %lt3A_35 = vector.broadcast %lt3A_34 : i32 to vector<16xi32>
    %lt3A_36 = arith.cmpi slt, %add3A_33, %lt3A_35 : vector<16xi32>
    %add3A_37 = arith.constant 256 : i32
    %add3A_38 = vector.broadcast %add3A_37 : i32 to vector<16xi32>
    %add3A_39 = arith.addi %add3A_33, %add3A_38 : vector<16xi32>
    %sub3A_40 = arith.constant 33 : i32
    %sub3A_41 = vector.broadcast %sub3A_40 : i32 to vector<16xi32>
    %sub3A_42 = arith.subi %add3A_33, %sub3A_41 : vector<16xi32>
    %select_n3A_43 = arith.select %lt3A_36, %add3A_39, %sub3A_42 : vector<16xi1>, vector<16xi32>
    %swap3A_44 = arith.constant 32 : index
    %swap3A_45 = tpu.vector_load %arg8[%swap3A_44] {strides = array<i32>} : memref<64xi32, #tpu.memory_space<vmem>>, vector<16xi32>,
    %swap3A_46 = vector.shape_cast %swap3A_45 : vector<16xi32> to vector<16xi32>
    %swap3A_47 = vector.shape_cast %select_n3A_43 : vector<16xi32> to vector<16xi32>
    tpu.vector_store %arg8[%swap3A_44], %swap3A_47 {strides = array<i32>} : memref<64xi32, #tpu.memory_space<vmem>>, vector<16xi32>,
    %add3A_48 = arith.constant 48 : i32
    %add3A_49 = vector.broadcast %add3A_48 : i32 to vector<16xi32>
    %add3A_50 = arith.addi %iota3A, %add3A_49 : vector<16xi32>
    %lt3A_51 = arith.constant 33 : i32
    %lt3A_52 = vector.broadcast %lt3A_51 : i32 to vector<16xi32>
    %lt3A_53 = arith.cmpi slt, %add3A_50, %lt3A_52 : vector<16xi32>
    %add3A_54 = arith.constant 256 : i32
    %add3A_55 = vector.broadcast %add3A_54 : i32 to vector<16xi32>
    %add3A_56 = arith.addi %add3A_50, %add3A_55 : vector<16xi32>
    %sub3A_57 = arith.constant 33 : i32
    %sub3A_58 = vector.broadcast %sub3A_57 : i32 to vector<16xi32>
    %sub3A_59 = arith.subi %add3A_50, %sub3A_58 : vector<16xi32>
    %select_n3A_60 = arith.select %lt3A_53, %add3A_56, %sub3A_59 : vector<16xi1>, vector<16xi32>
    %swap3A_61 = arith.constant 48 : index
    %swap3A_62 = tpu.vector_load %arg8[%swap3A_61] {strides = array<i32>} : memref<64xi32, #tpu.memory_space<vmem>>, vector<16xi32>,
    %swap3A_63 = vector.shape_cast %swap3A_62 : vector<16xi32> to vector<16xi32>
    %swap3A_64 = vector.shape_cast %select_n3A_60 : vector<16xi32> to vector<16xi32>
    tpu.vector_store %arg8[%swap3A_61], %swap3A_64 {strides = array<i32>} : memref<64xi32, #tpu.memory_space<vmem>>, vector<16xi32>,
    %mul3A_65 = arith.constant 2 : i32
    %mul3A_66 = arith.muli %add3A, %mul3A_65 : i32
    %add3A_67 = arith.constant 0 : i32
    %add3A_68 = arith.addi %mul3A_66, %add3A_67 : i32
    %mul3A_69 = arith.constant 512 : i32
    %mul3A_70 = arith.muli %add3A_68, %mul3A_69 : i32
    %add3A_71 = arith.constant 0 : i32
    %add3A_72 = arith.addi %mul3A_70, %add3A_71 : i32
    "tpu.region"() ({
      %run_scoped3A = tpu.sem_alloc : memref<!tpu.dma_semaphore, #tpu.memory_space<semaphore_mem>>
      %dma_start3A_303 = arith.constant 0 : i32
      %dma_start3A_304 = tpu.memref_slice %arg5[%dma_start3A_303] : memref<384xi32, #tpu.memory_space<vmem>> -> memref<128xi32, #tpu.memory_space<vmem>>
      %dma_start3A_305 = tpu.memref_slice %arg3[%add3A_72] : memref<32768xi32, #tpu.memory_space<hbm>> -> memref<128xi32, #tpu.memory_space<hbm>>
      %dma_start3A_306 = arith.constant 0 : i32
      %dma_start3A_307 = tpu.memref_slice %arg5[%dma_start3A_306] : memref<384xi32, #tpu.memory_space<vmem>> -> memref<128xi32, #tpu.memory_space<vmem>>
      %dma_start3A_308 = tpu.memref_slice %arg3[%add3A_72] : memref<32768xi32, #tpu.memory_space<hbm>> -> memref<128xi32, #tpu.memory_space<hbm>>
      tpu.enqueue_dma source(%dma_start3A_308 : memref<128xi32, #tpu.memory_space<hbm>>) target(%dma_start3A_307 : memref<128xi32, #tpu.memory_space<vmem>>) target_semaphore(%run_scoped3A : memref<!tpu.dma_semaphore, #tpu.memory_space<semaphore_mem>>)
      %dma_wait3A_309 = arith.constant 0 : i32
      %dma_wait3A_310 = tpu.memref_slice %arg5[%dma_wait3A_309] : memref<384xi32, #tpu.memory_space<vmem>> -> memref<128xi32, #tpu.memory_space<vmem>>
      %dma_wait3A_311 = tpu.memref_slice %arg3[%add3A_72] : memref<32768xi32, #tpu.memory_space<hbm>> -> memref<128xi32, #tpu.memory_space<hbm>>
      %dma_wait3A_312 = arith.constant 0 : i32
      %dma_wait3A_313 = tpu.memref_slice %arg5[%dma_wait3A_312] : memref<384xi32, #tpu.memory_space<vmem>> -> memref<128xi32, #tpu.memory_space<vmem>>
      %dma_wait3A_314 = tpu.memref_slice %arg3[%add3A_72] : memref<32768xi32, #tpu.memory_space<hbm>> -> memref<128xi32, #tpu.memory_space<hbm>>
      tpu.wait_dma2 semaphore(%run_scoped3A : memref<!tpu.dma_semaphore, #tpu.memory_space<semaphore_mem>>) src(%dma_wait3A_314 : memref<128xi32, #tpu.memory_space<hbm>>) dst(%dma_wait3A_313 : memref<128xi32, #tpu.memory_space<vmem>>)
      tpu.yield
    }) : () -> ()
    %mul3A_73 = arith.constant 512 : i32
    %mul3A_74 = arith.muli %add3A_68, %mul3A_73 : i32
    %add3A_75 = arith.constant 128 : i32
    %add3A_76 = arith.addi %mul3A_74, %add3A_75 : i32
    "tpu.region"() ({
      %run_scoped3A = tpu.sem_alloc : memref<!tpu.dma_semaphore, #tpu.memory_space<semaphore_mem>>
      %dma_start3A_303 = arith.constant 128 : i32
      %dma_start3A_304 = tpu.memref_slice %arg5[%dma_start3A_303] : memref<384xi32, #tpu.memory_space<vmem>> -> memref<128xi32, #tpu.memory_space<vmem>>
      %dma_start3A_305 = tpu.memref_slice %arg3[%add3A_76] : memref<32768xi32, #tpu.memory_space<hbm>> -> memref<128xi32, #tpu.memory_space<hbm>>
      %dma_start3A_306 = arith.constant 128 : i32
      %dma_start3A_307 = tpu.memref_slice %arg5[%dma_start3A_306] : memref<384xi32, #tpu.memory_space<vmem>> -> memref<128xi32, #tpu.memory_space<vmem>>
      %dma_start3A_308 = tpu.memref_slice %arg3[%add3A_76] : memref<32768xi32, #tpu.memory_space<hbm>> -> memref<128xi32, #tpu.memory_space<hbm>>
      tpu.enqueue_dma source(%dma_start3A_308 : memref<128xi32, #tpu.memory_space<hbm>>) target(%dma_start3A_307 : memref<128xi32, #tpu.memory_space<vmem>>) target_semaphore(%run_scoped3A : memref<!tpu.dma_semaphore, #tpu.memory_space<semaphore_mem>>)
      %dma_wait3A_309 = arith.constant 128 : i32
      %dma_wait3A_310 = tpu.memref_slice %arg5[%dma_wait3A_309] : memref<384xi32, #tpu.memory_space<vmem>> -> memref<128xi32, #tpu.memory_space<vmem>>
      %dma_wait3A_311 = tpu.memref_slice %arg3[%add3A_76] : memref<32768xi32, #tpu.memory_space<hbm>> -> memref<128xi32, #tpu.memory_space<hbm>>
      %dma_wait3A_312 = arith.constant 128 : i32
      %dma_wait3A_313 = tpu.memref_slice %arg5[%dma_wait3A_312] : memref<384xi32, #tpu.memory_space<vmem>> -> memref<128xi32, #tpu.memory_space<vmem>>
      %dma_wait3A_314 = tpu.memref_slice %arg3[%add3A_76] : memref<32768xi32, #tpu.memory_space<hbm>> -> memref<128xi32, #tpu.memory_space<hbm>>
      tpu.wait_dma2 semaphore(%run_scoped3A : memref<!tpu.dma_semaphore, #tpu.memory_space<semaphore_mem>>) src(%dma_wait3A_314 : memref<128xi32, #tpu.memory_space<hbm>>) dst(%dma_wait3A_313 : memref<128xi32, #tpu.memory_space<vmem>>)
      tpu.yield
    }) : () -> ()
    %mul3A_77 = arith.constant 512 : i32
    %mul3A_78 = arith.muli %add3A_68, %mul3A_77 : i32
    %add3A_79 = arith.constant 256 : i32
    %add3A_80 = arith.addi %mul3A_78, %add3A_79 : i32
    "tpu.region"() ({
      %run_scoped3A = tpu.sem_alloc : memref<!tpu.dma_semaphore, #tpu.memory_space<semaphore_mem>>
      %dma_start3A_303 = arith.constant 256 : i32
      %dma_start3A_304 = tpu.memref_slice %arg5[%dma_start3A_303] : memref<384xi32, #tpu.memory_space<vmem>> -> memref<128xi32, #tpu.memory_space<vmem>>
      %dma_start3A_305 = tpu.memref_slice %arg3[%add3A_80] : memref<32768xi32, #tpu.memory_space<hbm>> -> memref<128xi32, #tpu.memory_space<hbm>>
      %dma_start3A_306 = arith.constant 256 : i32
      %dma_start3A_307 = tpu.memref_slice %arg5[%dma_start3A_306] : memref<384xi32, #tpu.memory_space<vmem>> -> memref<128xi32, #tpu.memory_space<vmem>>
      %dma_start3A_308 = tpu.memref_slice %arg3[%add3A_80] : memref<32768xi32, #tpu.memory_space<hbm>> -> memref<128xi32, #tpu.memory_space<hbm>>
      tpu.enqueue_dma source(%dma_start3A_308 : memref<128xi32, #tpu.memory_space<hbm>>) target(%dma_start3A_307 : memref<128xi32, #tpu.memory_space<vmem>>) target_semaphore(%run_scoped3A : memref<!tpu.dma_semaphore, #tpu.memory_space<semaphore_mem>>)
      %dma_wait3A_309 = arith.constant 256 : i32
      %dma_wait3A_310 = tpu.memref_slice %arg5[%dma_wait3A_309] : memref<384xi32, #tpu.memory_space<vmem>> -> memref<128xi32, #tpu.memory_space<vmem>>
      %dma_wait3A_311 = tpu.memref_slice %arg3[%add3A_80] : memref<32768xi32, #tpu.memory_space<hbm>> -> memref<128xi32, #tpu.memory_space<hbm>>
      %dma_wait3A_312 = arith.constant 256 : i32
      %dma_wait3A_313 = tpu.memref_slice %arg5[%dma_wait3A_312] : memref<384xi32, #tpu.memory_space<vmem>> -> memref<128xi32, #tpu.memory_space<vmem>>
      %dma_wait3A_314 = tpu.memref_slice %arg3[%add3A_80] : memref<32768xi32, #tpu.memory_space<hbm>> -> memref<128xi32, #tpu.memory_space<hbm>>
      tpu.wait_dma2 semaphore(%run_scoped3A : memref<!tpu.dma_semaphore, #tpu.memory_space<semaphore_mem>>) src(%dma_wait3A_314 : memref<128xi32, #tpu.memory_space<hbm>>) dst(%dma_wait3A_313 : memref<128xi32, #tpu.memory_space<vmem>>)
      tpu.yield
    }) : () -> ()
    %dma_start3A = arith.constant 0 : i32
    %dma_start3A_81 = tpu.memref_slice %arg5[%dma_start3A] : memref<384xi32, #tpu.memory_space<vmem>> -> memref<64xi32, #tpu.memory_space<vmem>>
    %dma_start3A_82 = arith.constant 0 : i32
    %dma_start3A_83 = arith.constant 0 : i32
    %dma_start3A_84 = tpu.memref_slice %arg2[%add3A_68, %dma_start3A_82, %dma_start3A_83] : memref<64x577x768xf32, #tpu.memory_space<hbm>> -> memref<1x577x768xf32, #tpu.memory_space<hbm>>
    %dma_start3A_85 = tpu.memref_squeeze %dma_start3A_84 : memref<1x577x768xf32, #tpu.memory_space<hbm>> -> memref<577x768xf32, #tpu.memory_space<hbm>>
    %dma_start3A_86 = arith.constant 0 : i32
    %dma_start3A_87 = arith.constant 0 : i32
    %dma_start3A_88 = tpu.memref_slice %dma_start3A_85[%dma_start3A_86, %dma_start3A_87] : memref<577x768xf32, #tpu.memory_space<hbm>> -> memref<577x768xf32, #tpu.memory_space<hbm>>
    tpu.enqueue_indirect_dma source(%dma_start3A_88 : memref<577x768xf32, #tpu.memory_space<hbm>>) target(%arg6 : memref<64x768xf32, #tpu.memory_space<vmem>>) offsets(%dma_start3A_81 : memref<64xi32, #tpu.memory_space<vmem>>) semaphore(%arg9 : memref<!tpu.dma_semaphore, #tpu.memory_space<semaphore_mem>>)
    %dma_start3A_89 = arith.constant 64 : i32
    %dma_start3A_90 = tpu.memref_slice %arg5[%dma_start3A_89] : memref<384xi32, #tpu.memory_space<vmem>> -> memref<64xi32, #tpu.memory_space<vmem>>
    %dma_start3A_91 = arith.constant 0 : i32
    %dma_start3A_92 = arith.constant 0 : i32
    %dma_start3A_93 = tpu.memref_slice %arg2[%add3A_68, %dma_start3A_91, %dma_start3A_92] : memref<64x577x768xf32, #tpu.memory_space<hbm>> -> memref<1x577x768xf32, #tpu.memory_space<hbm>>
    %dma_start3A_94 = tpu.memref_squeeze %dma_start3A_93 : memref<1x577x768xf32, #tpu.memory_space<hbm>> -> memref<577x768xf32, #tpu.memory_space<hbm>>
    %dma_start3A_95 = arith.constant 0 : i32
    %dma_start3A_96 = arith.constant 0 : i32
    %dma_start3A_97 = tpu.memref_slice %dma_start3A_94[%dma_start3A_95, %dma_start3A_96] : memref<577x768xf32, #tpu.memory_space<hbm>> -> memref<577x768xf32, #tpu.memory_space<hbm>>
    tpu.enqueue_indirect_dma source(%dma_start3A_97 : memref<577x768xf32, #tpu.memory_space<hbm>>) target(%arg7 : memref<64x768xf32, #tpu.memory_space<vmem>>) offsets(%dma_start3A_90 : memref<64xi32, #tpu.memory_space<vmem>>) semaphore(%arg10 : memref<!tpu.dma_semaphore, #tpu.memory_space<semaphore_mem>>)
    %dma_wait3A = arith.constant 0 : i32
    %dma_wait3A_98 = tpu.memref_slice %arg5[%dma_wait3A] : memref<384xi32, #tpu.memory_space<vmem>> -> memref<64xi32, #tpu.memory_space<vmem>>
    %dma_wait3A_99 = arith.constant 0 : i32
    %dma_wait3A_100 = arith.constant 0 : i32
    %dma_wait3A_101 = tpu.memref_slice %arg2[%add3A_68, %dma_wait3A_99, %dma_wait3A_100] : memref<64x577x768xf32, #tpu.memory_space<hbm>> -> memref<1x577x768xf32, #tpu.memory_space<hbm>>
    %dma_wait3A_102 = tpu.memref_squeeze %dma_wait3A_101 : memref<1x577x768xf32, #tpu.memory_space<hbm>> -> memref<577x768xf32, #tpu.memory_space<hbm>>
    %dma_wait3A_103 = arith.constant 0 : i32
    %dma_wait3A_104 = arith.constant 0 : i32
    %dma_wait3A_105 = tpu.memref_slice %dma_wait3A_102[%dma_wait3A_103, %dma_wait3A_104] : memref<577x768xf32, #tpu.memory_space<hbm>> -> memref<577x768xf32, #tpu.memory_space<hbm>>
    tpu.wait_indirect_dma semaphore(%arg9 : memref<!tpu.dma_semaphore, #tpu.memory_space<semaphore_mem>>) src(%dma_wait3A_105 : memref<577x768xf32, #tpu.memory_space<hbm>>) dst(%arg6 : memref<64x768xf32, #tpu.memory_space<vmem>>)
    "tpu.region"() ({
      %run_scoped3A = tpu.sem_alloc : memref<!tpu.dma_semaphore, #tpu.memory_space<semaphore_mem>>
      %dma_start3A_303 = arith.constant 0 : i32
      %dma_start3A_304 = arith.constant 0 : i32
      %dma_start3A_305 = tpu.memref_slice %arg4[%add3A_68, %dma_start3A_303, %dma_start3A_304] : memref<64x289x768xf32, #tpu.memory_space<hbm>> -> memref<1x289x768xf32, #tpu.memory_space<hbm>>
      %dma_start3A_306 = tpu.memref_squeeze %dma_start3A_305 : memref<1x289x768xf32, #tpu.memory_space<hbm>> -> memref<289x768xf32, #tpu.memory_space<hbm>>
      %dma_start3A_307 = arith.constant 0 : i32
      %dma_start3A_308 = arith.constant 0 : i32
      %dma_start3A_309 = tpu.memref_slice %dma_start3A_306[%dma_start3A_307, %dma_start3A_308] : memref<289x768xf32, #tpu.memory_space<hbm>> -> memref<64x768xf32, #tpu.memory_space<hbm>>
      %dma_start3A_310 = arith.constant 0 : i32
      %dma_start3A_311 = arith.constant 0 : i32
      %dma_start3A_312 = tpu.memref_slice %arg4[%add3A_68, %dma_start3A_310, %dma_start3A_311] : memref<64x289x768xf32, #tpu.memory_space<hbm>> -> memref<1x289x768xf32, #tpu.memory_space<hbm>>
      %dma_start3A_313 = tpu.memref_squeeze %dma_start3A_312 : memref<1x289x768xf32, #tpu.memory_space<hbm>> -> memref<289x768xf32, #tpu.memory_space<hbm>>
      %dma_start3A_314 = arith.constant 0 : i32
      %dma_start3A_315 = arith.constant 0 : i32
      %dma_start3A_316 = tpu.memref_slice %dma_start3A_313[%dma_start3A_314, %dma_start3A_315] : memref<289x768xf32, #tpu.memory_space<hbm>> -> memref<64x768xf32, #tpu.memory_space<hbm>>
      tpu.enqueue_dma source(%arg6 : memref<64x768xf32, #tpu.memory_space<vmem>>) target(%dma_start3A_316 : memref<64x768xf32, #tpu.memory_space<hbm>>) target_semaphore(%run_scoped3A : memref<!tpu.dma_semaphore, #tpu.memory_space<semaphore_mem>>)
      %dma_wait3A_317 = arith.constant 0 : i32
      %dma_wait3A_318 = arith.constant 0 : i32
      %dma_wait3A_319 = tpu.memref_slice %arg4[%add3A_68, %dma_wait3A_317, %dma_wait3A_318] : memref<64x289x768xf32, #tpu.memory_space<hbm>> -> memref<1x289x768xf32, #tpu.memory_space<hbm>>
      %dma_wait3A_320 = tpu.memref_squeeze %dma_wait3A_319 : memref<1x289x768xf32, #tpu.memory_space<hbm>> -> memref<289x768xf32, #tpu.memory_space<hbm>>
      %dma_wait3A_321 = arith.constant 0 : i32
      %dma_wait3A_322 = arith.constant 0 : i32
      %dma_wait3A_323 = tpu.memref_slice %dma_wait3A_320[%dma_wait3A_321, %dma_wait3A_322] : memref<289x768xf32, #tpu.memory_space<hbm>> -> memref<64x768xf32, #tpu.memory_space<hbm>>
      %dma_wait3A_324 = arith.constant 0 : i32
      %dma_wait3A_325 = arith.constant 0 : i32
      %dma_wait3A_326 = tpu.memref_slice %arg4[%add3A_68, %dma_wait3A_324, %dma_wait3A_325] : memref<64x289x768xf32, #tpu.memory_space<hbm>> -> memref<1x289x768xf32, #tpu.memory_space<hbm>>
      %dma_wait3A_327 = tpu.memref_squeeze %dma_wait3A_326 : memref<1x289x768xf32, #tpu.memory_space<hbm>> -> memref<289x768xf32, #tpu.memory_space<hbm>>
      %dma_wait3A_328 = arith.constant 0 : i32
      %dma_wait3A_329 = arith.constant 0 : i32
      %dma_wait3A_330 = tpu.memref_slice %dma_wait3A_327[%dma_wait3A_328, %dma_wait3A_329] : memref<289x768xf32, #tpu.memory_space<hbm>> -> memref<64x768xf32, #tpu.memory_space<hbm>>
      tpu.wait_dma2 semaphore(%run_scoped3A : memref<!tpu.dma_semaphore, #tpu.memory_space<semaphore_mem>>) src(%arg6 : memref<64x768xf32, #tpu.memory_space<vmem>>) dst(%dma_wait3A_330 : memref<64x768xf32, #tpu.memory_space<hbm>>)
      tpu.yield
    }) : () -> ()
    %dma_start3A_106 = arith.constant 128 : i32
    %dma_start3A_107 = tpu.memref_slice %arg5[%dma_start3A_106] : memref<384xi32, #tpu.memory_space<vmem>> -> memref<64xi32, #tpu.memory_space<vmem>>
    %dma_start3A_108 = arith.constant 0 : i32
    %dma_start3A_109 = arith.constant 0 : i32
    %dma_start3A_110 = tpu.memref_slice %arg2[%add3A_68, %dma_start3A_108, %dma_start3A_109] : memref<64x577x768xf32, #tpu.memory_space<hbm>> -> memref<1x577x768xf32, #tpu.memory_space<hbm>>
    %dma_start3A_111 = tpu.memref_squeeze %dma_start3A_110 : memref<1x577x768xf32, #tpu.memory_space<hbm>> -> memref<577x768xf32, #tpu.memory_space<hbm>>
    %dma_start3A_112 = arith.constant 0 : i32
    %dma_start3A_113 = arith.constant 0 : i32
    %dma_start3A_114 = tpu.memref_slice %dma_start3A_111[%dma_start3A_112, %dma_start3A_113] : memref<577x768xf32, #tpu.memory_space<hbm>> -> memref<577x768xf32, #tpu.memory_space<hbm>>
    tpu.enqueue_indirect_dma source(%dma_start3A_114 : memref<577x768xf32, #tpu.memory_space<hbm>>) target(%arg6 : memref<64x768xf32, #tpu.memory_space<vmem>>) offsets(%dma_start3A_107 : memref<64xi32, #tpu.memory_space<vmem>>) semaphore(%arg9 : memref<!tpu.dma_semaphore, #tpu.memory_space<semaphore_mem>>)
    %dma_wait3A_115 = arith.constant 64 : i32
    %dma_wait3A_116 = tpu.memref_slice %arg5[%dma_wait3A_115] : memref<384xi32, #tpu.memory_space<vmem>> -> memref<64xi32, #tpu.memory_space<vmem>>
    %dma_wait3A_117 = arith.constant 0 : i32
    %dma_wait3A_118 = arith.constant 0 : i32
    %dma_wait3A_119 = tpu.memref_slice %arg2[%add3A_68, %dma_wait3A_117, %dma_wait3A_118] : memref<64x577x768xf32, #tpu.memory_space<hbm>> -> memref<1x577x768xf32, #tpu.memory_space<hbm>>
    %dma_wait3A_120 = tpu.memref_squeeze %dma_wait3A_119 : memref<1x577x768xf32, #tpu.memory_space<hbm>> -> memref<577x768xf32, #tpu.memory_space<hbm>>
    %dma_wait3A_121 = arith.constant 0 : i32
    %dma_wait3A_122 = arith.constant 0 : i32
    %dma_wait3A_123 = tpu.memref_slice %dma_wait3A_120[%dma_wait3A_121, %dma_wait3A_122] : memref<577x768xf32, #tpu.memory_space<hbm>> -> memref<577x768xf32, #tpu.memory_space<hbm>>
    tpu.wait_indirect_dma semaphore(%arg10 : memref<!tpu.dma_semaphore, #tpu.memory_space<semaphore_mem>>) src(%dma_wait3A_123 : memref<577x768xf32, #tpu.memory_space<hbm>>) dst(%arg7 : memref<64x768xf32, #tpu.memory_space<vmem>>)
    "tpu.region"() ({
      %run_scoped3A = tpu.sem_alloc : memref<!tpu.dma_semaphore, #tpu.memory_space<semaphore_mem>>
      %dma_start3A_303 = arith.constant 0 : i32
      %dma_start3A_304 = arith.constant 0 : i32
      %dma_start3A_305 = tpu.memref_slice %arg4[%add3A_68, %dma_start3A_303, %dma_start3A_304] : memref<64x289x768xf32, #tpu.memory_space<hbm>> -> memref<1x289x768xf32, #tpu.memory_space<hbm>>
      %dma_start3A_306 = tpu.memref_squeeze %dma_start3A_305 : memref<1x289x768xf32, #tpu.memory_space<hbm>> -> memref<289x768xf32, #tpu.memory_space<hbm>>
      %dma_start3A_307 = arith.constant 64 : i32
      %dma_start3A_308 = arith.constant 0 : i32
      %dma_start3A_309 = tpu.memref_slice %dma_start3A_306[%dma_start3A_307, %dma_start3A_308] : memref<289x768xf32, #tpu.memory_space<hbm>> -> memref<64x768xf32, #tpu.memory_space<hbm>>
      %dma_start3A_310 = arith.constant 0 : i32
      %dma_start3A_311 = arith.constant 0 : i32
      %dma_start3A_312 = tpu.memref_slice %arg4[%add3A_68, %dma_start3A_310, %dma_start3A_311] : memref<64x289x768xf32, #tpu.memory_space<hbm>> -> memref<1x289x768xf32, #tpu.memory_space<hbm>>
      %dma_start3A_313 = tpu.memref_squeeze %dma_start3A_312 : memref<1x289x768xf32, #tpu.memory_space<hbm>> -> memref<289x768xf32, #tpu.memory_space<hbm>>
      %dma_start3A_314 = arith.constant 64 : i32
      %dma_start3A_315 = arith.constant 0 : i32
      %dma_start3A_316 = tpu.memref_slice %dma_start3A_313[%dma_start3A_314, %dma_start3A_315] : memref<289x768xf32, #tpu.memory_space<hbm>> -> memref<64x768xf32, #tpu.memory_space<hbm>>
      tpu.enqueue_dma source(%arg7 : memref<64x768xf32, #tpu.memory_space<vmem>>) target(%dma_start3A_316 : memref<64x768xf32, #tpu.memory_space<hbm>>) target_semaphore(%run_scoped3A : memref<!tpu.dma_semaphore, #tpu.memory_space<semaphore_mem>>)
      %dma_wait3A_317 = arith.constant 0 : i32
      %dma_wait3A_318 = arith.constant 0 : i32
      %dma_wait3A_319 = tpu.memref_slice %arg4[%add3A_68, %dma_wait3A_317, %dma_wait3A_318] : memref<64x289x768xf32, #tpu.memory_space<hbm>> -> memref<1x289x768xf32, #tpu.memory_space<hbm>>
      %dma_wait3A_320 = tpu.memref_squeeze %dma_wait3A_319 : memref<1x289x768xf32, #tpu.memory_space<hbm>> -> memref<289x768xf32, #tpu.memory_space<hbm>>
      %dma_wait3A_321 = arith.constant 64 : i32
      %dma_wait3A_322 = arith.constant 0 : i32
      %dma_wait3A_323 = tpu.memref_slice %dma_wait3A_320[%dma_wait3A_321, %dma_wait3A_322] : memref<289x768xf32, #tpu.memory_space<hbm>> -> memref<64x768xf32, #tpu.memory_space<hbm>>
      %dma_wait3A_324 = arith.constant 0 : i32
      %dma_wait3A_325 = arith.constant 0 : i32
      %dma_wait3A_326 = tpu.memref_slice %arg4[%add3A_68, %dma_wait3A_324, %dma_wait3A_325] : memref<64x289x768xf32, #tpu.memory_space<hbm>> -> memref<1x289x768xf32, #tpu.memory_space<hbm>>
      %dma_wait3A_327 = tpu.memref_squeeze %dma_wait3A_326 : memref<1x289x768xf32, #tpu.memory_space<hbm>> -> memref<289x768xf32, #tpu.memory_space<hbm>>
      %dma_wait3A_328 = arith.constant 64 : i32
      %dma_wait3A_329 = arith.constant 0 : i32
      %dma_wait3A_330 = tpu.memref_slice %dma_wait3A_327[%dma_wait3A_328, %dma_wait3A_329] : memref<289x768xf32, #tpu.memory_space<hbm>> -> memref<64x768xf32, #tpu.memory_space<hbm>>
      tpu.wait_dma2 semaphore(%run_scoped3A : memref<!tpu.dma_semaphore, #tpu.memory_space<semaphore_mem>>) src(%arg7 : memref<64x768xf32, #tpu.memory_space<vmem>>) dst(%dma_wait3A_330 : memref<64x768xf32, #tpu.memory_space<hbm>>)
      tpu.yield
    }) : () -> ()
    %dma_start3A_124 = arith.constant 192 : i32
    %dma_start3A_125 = tpu.memref_slice %arg5[%dma_start3A_124] : memref<384xi32, #tpu.memory_space<vmem>> -> memref<64xi32, #tpu.memory_space<vmem>>
    %dma_start3A_126 = arith.constant 0 : i32
    %dma_start3A_127 = arith.constant 0 : i32
    %dma_start3A_128 = tpu.memref_slice %arg2[%add3A_68, %dma_start3A_126, %dma_start3A_127] : memref<64x577x768xf32, #tpu.memory_space<hbm>> -> memref<1x577x768xf32, #tpu.memory_space<hbm>>
    %dma_start3A_129 = tpu.memref_squeeze %dma_start3A_128 : memref<1x577x768xf32, #tpu.memory_space<hbm>> -> memref<577x768xf32, #tpu.memory_space<hbm>>
    %dma_start3A_130 = arith.constant 0 : i32
    %dma_start3A_131 = arith.constant 0 : i32
    %dma_start3A_132 = tpu.memref_slice %dma_start3A_129[%dma_start3A_130, %dma_start3A_131] : memref<577x768xf32, #tpu.memory_space<hbm>> -> memref<577x768xf32, #tpu.memory_space<hbm>>
    tpu.enqueue_indirect_dma source(%dma_start3A_132 : memref<577x768xf32, #tpu.memory_space<hbm>>) target(%arg7 : memref<64x768xf32, #tpu.memory_space<vmem>>) offsets(%dma_start3A_125 : memref<64xi32, #tpu.memory_space<vmem>>) semaphore(%arg10 : memref<!tpu.dma_semaphore, #tpu.memory_space<semaphore_mem>>)
    %dma_wait3A_133 = arith.constant 128 : i32
    %dma_wait3A_134 = tpu.memref_slice %arg5[%dma_wait3A_133] : memref<384xi32, #tpu.memory_space<vmem>> -> memref<64xi32, #tpu.memory_space<vmem>>
    %dma_wait3A_135 = arith.constant 0 : i32
    %dma_wait3A_136 = arith.constant 0 : i32
    %dma_wait3A_137 = tpu.memref_slice %arg2[%add3A_68, %dma_wait3A_135, %dma_wait3A_136] : memref<64x577x768xf32, #tpu.memory_space<hbm>> -> memref<1x577x768xf32, #tpu.memory_space<hbm>>
    %dma_wait3A_138 = tpu.memref_squeeze %dma_wait3A_137 : memref<1x577x768xf32, #tpu.memory_space<hbm>> -> memref<577x768xf32, #tpu.memory_space<hbm>>
    %dma_wait3A_139 = arith.constant 0 : i32
    %dma_wait3A_140 = arith.constant 0 : i32
    %dma_wait3A_141 = tpu.memref_slice %dma_wait3A_138[%dma_wait3A_139, %dma_wait3A_140] : memref<577x768xf32, #tpu.memory_space<hbm>> -> memref<577x768xf32, #tpu.memory_space<hbm>>
    tpu.wait_indirect_dma semaphore(%arg9 : memref<!tpu.dma_semaphore, #tpu.memory_space<semaphore_mem>>) src(%dma_wait3A_141 : memref<577x768xf32, #tpu.memory_space<hbm>>) dst(%arg6 : memref<64x768xf32, #tpu.memory_space<vmem>>)
    "tpu.region"() ({
      %run_scoped3A = tpu.sem_alloc : memref<!tpu.dma_semaphore, #tpu.memory_space<semaphore_mem>>
      %dma_start3A_303 = arith.constant 0 : i32
      %dma_start3A_304 = arith.constant 0 : i32
      %dma_start3A_305 = tpu.memref_slice %arg4[%add3A_68, %dma_start3A_303, %dma_start3A_304] : memref<64x289x768xf32, #tpu.memory_space<hbm>> -> memref<1x289x768xf32, #tpu.memory_space<hbm>>
      %dma_start3A_306 = tpu.memref_squeeze %dma_start3A_305 : memref<1x289x768xf32, #tpu.memory_space<hbm>> -> memref<289x768xf32, #tpu.memory_space<hbm>>
      %dma_start3A_307 = arith.constant 128 : i32
      %dma_start3A_308 = arith.constant 0 : i32
      %dma_start3A_309 = tpu.memref_slice %dma_start3A_306[%dma_start3A_307, %dma_start3A_308] : memref<289x768xf32, #tpu.memory_space<hbm>> -> memref<64x768xf32, #tpu.memory_space<hbm>>
      %dma_start3A_310 = arith.constant 0 : i32
      %dma_start3A_311 = arith.constant 0 : i32
      %dma_start3A_312 = tpu.memref_slice %arg4[%add3A_68, %dma_start3A_310, %dma_start3A_311] : memref<64x289x768xf32, #tpu.memory_space<hbm>> -> memref<1x289x768xf32, #tpu.memory_space<hbm>>
      %dma_start3A_313 = tpu.memref_squeeze %dma_start3A_312 : memref<1x289x768xf32, #tpu.memory_space<hbm>> -> memref<289x768xf32, #tpu.memory_space<hbm>>
      %dma_start3A_314 = arith.constant 128 : i32
      %dma_start3A_315 = arith.constant 0 : i32
      %dma_start3A_316 = tpu.memref_slice %dma_start3A_313[%dma_start3A_314, %dma_start3A_315] : memref<289x768xf32, #tpu.memory_space<hbm>> -> memref<64x768xf32, #tpu.memory_space<hbm>>
      tpu.enqueue_dma source(%arg6 : memref<64x768xf32, #tpu.memory_space<vmem>>) target(%dma_start3A_316 : memref<64x768xf32, #tpu.memory_space<hbm>>) target_semaphore(%run_scoped3A : memref<!tpu.dma_semaphore, #tpu.memory_space<semaphore_mem>>)
      %dma_wait3A_317 = arith.constant 0 : i32
      %dma_wait3A_318 = arith.constant 0 : i32
      %dma_wait3A_319 = tpu.memref_slice %arg4[%add3A_68, %dma_wait3A_317, %dma_wait3A_318] : memref<64x289x768xf32, #tpu.memory_space<hbm>> -> memref<1x289x768xf32, #tpu.memory_space<hbm>>
      %dma_wait3A_320 = tpu.memref_squeeze %dma_wait3A_319 : memref<1x289x768xf32, #tpu.memory_space<hbm>> -> memref<289x768xf32, #tpu.memory_space<hbm>>
      %dma_wait3A_321 = arith.constant 128 : i32
      %dma_wait3A_322 = arith.constant 0 : i32
      %dma_wait3A_323 = tpu.memref_slice %dma_wait3A_320[%dma_wait3A_321, %dma_wait3A_322] : memref<289x768xf32, #tpu.memory_space<hbm>> -> memref<64x768xf32, #tpu.memory_space<hbm>>
      %dma_wait3A_324 = arith.constant 0 : i32
      %dma_wait3A_325 = arith.constant 0 : i32
      %dma_wait3A_326 = tpu.memref_slice %arg4[%add3A_68, %dma_wait3A_324, %dma_wait3A_325] : memref<64x289x768xf32, #tpu.memory_space<hbm>> -> memref<1x289x768xf32, #tpu.memory_space<hbm>>
      %dma_wait3A_327 = tpu.memref_squeeze %dma_wait3A_326 : memref<1x289x768xf32, #tpu.memory_space<hbm>> -> memref<289x768xf32, #tpu.memory_space<hbm>>
      %dma_wait3A_328 = arith.constant 128 : i32
      %dma_wait3A_329 = arith.constant 0 : i32
      %dma_wait3A_330 = tpu.memref_slice %dma_wait3A_327[%dma_wait3A_328, %dma_wait3A_329] : memref<289x768xf32, #tpu.memory_space<hbm>> -> memref<64x768xf32, #tpu.memory_space<hbm>>
      tpu.wait_dma2 semaphore(%run_scoped3A : memref<!tpu.dma_semaphore, #tpu.memory_space<semaphore_mem>>) src(%arg6 : memref<64x768xf32, #tpu.memory_space<vmem>>) dst(%dma_wait3A_330 : memref<64x768xf32, #tpu.memory_space<hbm>>)
      tpu.yield
    }) : () -> ()
    %dma_start3A_142 = arith.constant 256 : i32
    %dma_start3A_143 = tpu.memref_slice %arg5[%dma_start3A_142] : memref<384xi32, #tpu.memory_space<vmem>> -> memref<64xi32, #tpu.memory_space<vmem>>
    %dma_start3A_144 = arith.constant 0 : i32
    %dma_start3A_145 = arith.constant 0 : i32
    %dma_start3A_146 = tpu.memref_slice %arg2[%add3A_68, %dma_start3A_144, %dma_start3A_145] : memref<64x577x768xf32, #tpu.memory_space<hbm>> -> memref<1x577x768xf32, #tpu.memory_space<hbm>>
    %dma_start3A_147 = tpu.memref_squeeze %dma_start3A_146 : memref<1x577x768xf32, #tpu.memory_space<hbm>> -> memref<577x768xf32, #tpu.memory_space<hbm>>
    %dma_start3A_148 = arith.constant 0 : i32
    %dma_start3A_149 = arith.constant 0 : i32
    %dma_start3A_150 = tpu.memref_slice %dma_start3A_147[%dma_start3A_148, %dma_start3A_149] : memref<577x768xf32, #tpu.memory_space<hbm>> -> memref<577x768xf32, #tpu.memory_space<hbm>>
    tpu.enqueue_indirect_dma source(%dma_start3A_150 : memref<577x768xf32, #tpu.memory_space<hbm>>) target(%arg6 : memref<64x768xf32, #tpu.memory_space<vmem>>) offsets(%dma_start3A_143 : memref<64xi32, #tpu.memory_space<vmem>>) semaphore(%arg9 : memref<!tpu.dma_semaphore, #tpu.memory_space<semaphore_mem>>)
    %dma_wait3A_151 = arith.constant 192 : i32
    %dma_wait3A_152 = tpu.memref_slice %arg5[%dma_wait3A_151] : memref<384xi32, #tpu.memory_space<vmem>> -> memref<64xi32, #tpu.memory_space<vmem>>
    %dma_wait3A_153 = arith.constant 0 : i32
    %dma_wait3A_154 = arith.constant 0 : i32
    %dma_wait3A_155 = tpu.memref_slice %arg2[%add3A_68, %dma_wait3A_153, %dma_wait3A_154] : memref<64x577x768xf32, #tpu.memory_space<hbm>> -> memref<1x577x768xf32, #tpu.memory_space<hbm>>
    %dma_wait3A_156 = tpu.memref_squeeze %dma_wait3A_155 : memref<1x577x768xf32, #tpu.memory_space<hbm>> -> memref<577x768xf32, #tpu.memory_space<hbm>>
    %dma_wait3A_157 = arith.constant 0 : i32
    %dma_wait3A_158 = arith.constant 0 : i32
    %dma_wait3A_159 = tpu.memref_slice %dma_wait3A_156[%dma_wait3A_157, %dma_wait3A_158] : memref<577x768xf32, #tpu.memory_space<hbm>> -> memref<577x768xf32, #tpu.memory_space<hbm>>
    tpu.wait_indirect_dma semaphore(%arg10 : memref<!tpu.dma_semaphore, #tpu.memory_space<semaphore_mem>>) src(%dma_wait3A_159 : memref<577x768xf32, #tpu.memory_space<hbm>>) dst(%arg7 : memref<64x768xf32, #tpu.memory_space<vmem>>)
    "tpu.region"() ({
      %run_scoped3A = tpu.sem_alloc : memref<!tpu.dma_semaphore, #tpu.memory_space<semaphore_mem>>
      %dma_start3A_303 = arith.constant 0 : i32
      %dma_start3A_304 = arith.constant 0 : i32
      %dma_start3A_305 = tpu.memref_slice %arg4[%add3A_68, %dma_start3A_303, %dma_start3A_304] : memref<64x289x768xf32, #tpu.memory_space<hbm>> -> memref<1x289x768xf32, #tpu.memory_space<hbm>>
      %dma_start3A_306 = tpu.memref_squeeze %dma_start3A_305 : memref<1x289x768xf32, #tpu.memory_space<hbm>> -> memref<289x768xf32, #tpu.memory_space<hbm>>
      %dma_start3A_307 = arith.constant 192 : i32
      %dma_start3A_308 = arith.constant 0 : i32
      %dma_start3A_309 = tpu.memref_slice %dma_start3A_306[%dma_start3A_307, %dma_start3A_308] : memref<289x768xf32, #tpu.memory_space<hbm>> -> memref<64x768xf32, #tpu.memory_space<hbm>>
      %dma_start3A_310 = arith.constant 0 : i32
      %dma_start3A_311 = arith.constant 0 : i32
      %dma_start3A_312 = tpu.memref_slice %arg4[%add3A_68, %dma_start3A_310, %dma_start3A_311] : memref<64x289x768xf32, #tpu.memory_space<hbm>> -> memref<1x289x768xf32, #tpu.memory_space<hbm>>
      %dma_start3A_313 = tpu.memref_squeeze %dma_start3A_312 : memref<1x289x768xf32, #tpu.memory_space<hbm>> -> memref<289x768xf32, #tpu.memory_space<hbm>>
      %dma_start3A_314 = arith.constant 192 : i32
      %dma_start3A_315 = arith.constant 0 : i32
      %dma_start3A_316 = tpu.memref_slice %dma_start3A_313[%dma_start3A_314, %dma_start3A_315] : memref<289x768xf32, #tpu.memory_space<hbm>> -> memref<64x768xf32, #tpu.memory_space<hbm>>
      tpu.enqueue_dma source(%arg7 : memref<64x768xf32, #tpu.memory_space<vmem>>) target(%dma_start3A_316 : memref<64x768xf32, #tpu.memory_space<hbm>>) target_semaphore(%run_scoped3A : memref<!tpu.dma_semaphore, #tpu.memory_space<semaphore_mem>>)
      %dma_wait3A_317 = arith.constant 0 : i32
      %dma_wait3A_318 = arith.constant 0 : i32
      %dma_wait3A_319 = tpu.memref_slice %arg4[%add3A_68, %dma_wait3A_317, %dma_wait3A_318] : memref<64x289x768xf32, #tpu.memory_space<hbm>> -> memref<1x289x768xf32, #tpu.memory_space<hbm>>
      %dma_wait3A_320 = tpu.memref_squeeze %dma_wait3A_319 : memref<1x289x768xf32, #tpu.memory_space<hbm>> -> memref<289x768xf32, #tpu.memory_space<hbm>>
      %dma_wait3A_321 = arith.constant 192 : i32
      %dma_wait3A_322 = arith.constant 0 : i32
      %dma_wait3A_323 = tpu.memref_slice %dma_wait3A_320[%dma_wait3A_321, %dma_wait3A_322] : memref<289x768xf32, #tpu.memory_space<hbm>> -> memref<64x768xf32, #tpu.memory_space<hbm>>
      %dma_wait3A_324 = arith.constant 0 : i32
      %dma_wait3A_325 = arith.constant 0 : i32
      %dma_wait3A_326 = tpu.memref_slice %arg4[%add3A_68, %dma_wait3A_324, %dma_wait3A_325] : memref<64x289x768xf32, #tpu.memory_space<hbm>> -> memref<1x289x768xf32, #tpu.memory_space<hbm>>
      %dma_wait3A_327 = tpu.memref_squeeze %dma_wait3A_326 : memref<1x289x768xf32, #tpu.memory_space<hbm>> -> memref<289x768xf32, #tpu.memory_space<hbm>>
      %dma_wait3A_328 = arith.constant 192 : i32
      %dma_wait3A_329 = arith.constant 0 : i32
      %dma_wait3A_330 = tpu.memref_slice %dma_wait3A_327[%dma_wait3A_328, %dma_wait3A_329] : memref<289x768xf32, #tpu.memory_space<hbm>> -> memref<64x768xf32, #tpu.memory_space<hbm>>
      tpu.wait_dma2 semaphore(%run_scoped3A : memref<!tpu.dma_semaphore, #tpu.memory_space<semaphore_mem>>) src(%arg7 : memref<64x768xf32, #tpu.memory_space<vmem>>) dst(%dma_wait3A_330 : memref<64x768xf32, #tpu.memory_space<hbm>>)
      tpu.yield
    }) : () -> ()
    %dma_wait3A_160 = arith.constant 256 : i32
    %dma_wait3A_161 = tpu.memref_slice %arg5[%dma_wait3A_160] : memref<384xi32, #tpu.memory_space<vmem>> -> memref<64xi32, #tpu.memory_space<vmem>>
    %dma_wait3A_162 = arith.constant 0 : i32
    %dma_wait3A_163 = arith.constant 0 : i32
    %dma_wait3A_164 = tpu.memref_slice %arg2[%add3A_68, %dma_wait3A_162, %dma_wait3A_163] : memref<64x577x768xf32, #tpu.memory_space<hbm>> -> memref<1x577x768xf32, #tpu.memory_space<hbm>>
    %dma_wait3A_165 = tpu.memref_squeeze %dma_wait3A_164 : memref<1x577x768xf32, #tpu.memory_space<hbm>> -> memref<577x768xf32, #tpu.memory_space<hbm>>
    %dma_wait3A_166 = arith.constant 0 : i32
    %dma_wait3A_167 = arith.constant 0 : i32
    %dma_wait3A_168 = tpu.memref_slice %dma_wait3A_165[%dma_wait3A_166, %dma_wait3A_167] : memref<577x768xf32, #tpu.memory_space<hbm>> -> memref<577x768xf32, #tpu.memory_space<hbm>>
    tpu.wait_indirect_dma semaphore(%arg9 : memref<!tpu.dma_semaphore, #tpu.memory_space<semaphore_mem>>) src(%dma_wait3A_168 : memref<577x768xf32, #tpu.memory_space<hbm>>) dst(%arg6 : memref<64x768xf32, #tpu.memory_space<vmem>>)
    %dma_start3A_169 = arith.constant 0 : i32
    %dma_start3A_170 = arith.constant 0 : i32
    %dma_start3A_171 = tpu.memref_slice %arg4[%add3A_68, %dma_start3A_169, %dma_start3A_170] : memref<64x289x768xf32, #tpu.memory_space<hbm>> -> memref<1x289x768xf32, #tpu.memory_space<hbm>>
    %dma_start3A_172 = tpu.memref_squeeze %dma_start3A_171 : memref<1x289x768xf32, #tpu.memory_space<hbm>> -> memref<289x768xf32, #tpu.memory_space<hbm>>
    %dma_start3A_173 = arith.constant 0 : i32
    %dma_start3A_174 = arith.constant 0 : i32
    %dma_start3A_175 = tpu.memref_slice %dma_start3A_172[%dma_start3A_173, %dma_start3A_174] : memref<289x768xf32, #tpu.memory_space<hbm>> -> memref<289x768xf32, #tpu.memory_space<hbm>>
    tpu.enqueue_indirect_dma source(%arg6 : memref<64x768xf32, #tpu.memory_space<vmem>>) target(%dma_start3A_175 : memref<289x768xf32, #tpu.memory_space<hbm>>) offsets(%arg8 : memref<64xi32, #tpu.memory_space<vmem>>) semaphore(%arg9 : memref<!tpu.dma_semaphore, #tpu.memory_space<semaphore_mem>>)
    %dma_wait3A_176 = arith.constant 0 : i32
    %dma_wait3A_177 = arith.constant 0 : i32
    %dma_wait3A_178 = tpu.memref_slice %arg4[%add3A_68, %dma_wait3A_176, %dma_wait3A_177] : memref<64x289x768xf32, #tpu.memory_space<hbm>> -> memref<1x289x768xf32, #tpu.memory_space<hbm>>
    %dma_wait3A_179 = tpu.memref_squeeze %dma_wait3A_178 : memref<1x289x768xf32, #tpu.memory_space<hbm>> -> memref<289x768xf32, #tpu.memory_space<hbm>>
    %dma_wait3A_180 = arith.constant 0 : i32
    %dma_wait3A_181 = arith.constant 0 : i32
    %dma_wait3A_182 = tpu.memref_slice %dma_wait3A_179[%dma_wait3A_180, %dma_wait3A_181] : memref<289x768xf32, #tpu.memory_space<hbm>> -> memref<289x768xf32, #tpu.memory_space<hbm>>
    tpu.wait_indirect_dma semaphore(%arg9 : memref<!tpu.dma_semaphore, #tpu.memory_space<semaphore_mem>>) src(%arg6 : memref<64x768xf32, #tpu.memory_space<vmem>>) dst(%dma_wait3A_182 : memref<289x768xf32, #tpu.memory_space<hbm>>)
    %mul3A_183 = arith.constant 2 : i32
    %mul3A_184 = arith.muli %add3A, %mul3A_183 : i32
    %add3A_185 = arith.constant 1 : i32
    %add3A_186 = arith.addi %mul3A_184, %add3A_185 : i32
    %mul3A_187 = arith.constant 512 : i32
    %mul3A_188 = arith.muli %add3A_186, %mul3A_187 : i32
    %add3A_189 = arith.constant 0 : i32
    %add3A_190 = arith.addi %mul3A_188, %add3A_189 : i32
    "tpu.region"() ({
      %run_scoped3A = tpu.sem_alloc : memref<!tpu.dma_semaphore, #tpu.memory_space<semaphore_mem>>
      %dma_start3A_303 = arith.constant 0 : i32
      %dma_start3A_304 = tpu.memref_slice %arg5[%dma_start3A_303] : memref<384xi32, #tpu.memory_space<vmem>> -> memref<128xi32, #tpu.memory_space<vmem>>
      %dma_start3A_305 = tpu.memref_slice %arg3[%add3A_190] : memref<32768xi32, #tpu.memory_space<hbm>> -> memref<128xi32, #tpu.memory_space<hbm>>
      %dma_start3A_306 = arith.constant 0 : i32
      %dma_start3A_307 = tpu.memref_slice %arg5[%dma_start3A_306] : memref<384xi32, #tpu.memory_space<vmem>> -> memref<128xi32, #tpu.memory_space<vmem>>
      %dma_start3A_308 = tpu.memref_slice %arg3[%add3A_190] : memref<32768xi32, #tpu.memory_space<hbm>> -> memref<128xi32, #tpu.memory_space<hbm>>
      tpu.enqueue_dma source(%dma_start3A_308 : memref<128xi32, #tpu.memory_space<hbm>>) target(%dma_start3A_307 : memref<128xi32, #tpu.memory_space<vmem>>) target_semaphore(%run_scoped3A : memref<!tpu.dma_semaphore, #tpu.memory_space<semaphore_mem>>)
      %dma_wait3A_309 = arith.constant 0 : i32
      %dma_wait3A_310 = tpu.memref_slice %arg5[%dma_wait3A_309] : memref<384xi32, #tpu.memory_space<vmem>> -> memref<128xi32, #tpu.memory_space<vmem>>
      %dma_wait3A_311 = tpu.memref_slice %arg3[%add3A_190] : memref<32768xi32, #tpu.memory_space<hbm>> -> memref<128xi32, #tpu.memory_space<hbm>>
      %dma_wait3A_312 = arith.constant 0 : i32
      %dma_wait3A_313 = tpu.memref_slice %arg5[%dma_wait3A_312] : memref<384xi32, #tpu.memory_space<vmem>> -> memref<128xi32, #tpu.memory_space<vmem>>
      %dma_wait3A_314 = tpu.memref_slice %arg3[%add3A_190] : memref<32768xi32, #tpu.memory_space<hbm>> -> memref<128xi32, #tpu.memory_space<hbm>>
      tpu.wait_dma2 semaphore(%run_scoped3A : memref<!tpu.dma_semaphore, #tpu.memory_space<semaphore_mem>>) src(%dma_wait3A_314 : memref<128xi32, #tpu.memory_space<hbm>>) dst(%dma_wait3A_313 : memref<128xi32, #tpu.memory_space<vmem>>)
      tpu.yield
    }) : () -> ()
    %mul3A_191 = arith.constant 512 : i32
    %mul3A_192 = arith.muli %add3A_186, %mul3A_191 : i32
    %add3A_193 = arith.constant 128 : i32
    %add3A_194 = arith.addi %mul3A_192, %add3A_193 : i32
    "tpu.region"() ({
      %run_scoped3A = tpu.sem_alloc : memref<!tpu.dma_semaphore, #tpu.memory_space<semaphore_mem>>
      %dma_start3A_303 = arith.constant 128 : i32
      %dma_start3A_304 = tpu.memref_slice %arg5[%dma_start3A_303] : memref<384xi32, #tpu.memory_space<vmem>> -> memref<128xi32, #tpu.memory_space<vmem>>
      %dma_start3A_305 = tpu.memref_slice %arg3[%add3A_194] : memref<32768xi32, #tpu.memory_space<hbm>> -> memref<128xi32, #tpu.memory_space<hbm>>
      %dma_start3A_306 = arith.constant 128 : i32
      %dma_start3A_307 = tpu.memref_slice %arg5[%dma_start3A_306] : memref<384xi32, #tpu.memory_space<vmem>> -> memref<128xi32, #tpu.memory_space<vmem>>
      %dma_start3A_308 = tpu.memref_slice %arg3[%add3A_194] : memref<32768xi32, #tpu.memory_space<hbm>> -> memref<128xi32, #tpu.memory_space<hbm>>
      tpu.enqueue_dma source(%dma_start3A_308 : memref<128xi32, #tpu.memory_space<hbm>>) target(%dma_start3A_307 : memref<128xi32, #tpu.memory_space<vmem>>) target_semaphore(%run_scoped3A : memref<!tpu.dma_semaphore, #tpu.memory_space<semaphore_mem>>)
      %dma_wait3A_309 = arith.constant 128 : i32
      %dma_wait3A_310 = tpu.memref_slice %arg5[%dma_wait3A_309] : memref<384xi32, #tpu.memory_space<vmem>> -> memref<128xi32, #tpu.memory_space<vmem>>
      %dma_wait3A_311 = tpu.memref_slice %arg3[%add3A_194] : memref<32768xi32, #tpu.memory_space<hbm>> -> memref<128xi32, #tpu.memory_space<hbm>>
      %dma_wait3A_312 = arith.constant 128 : i32
      %dma_wait3A_313 = tpu.memref_slice %arg5[%dma_wait3A_312] : memref<384xi32, #tpu.memory_space<vmem>> -> memref<128xi32, #tpu.memory_space<vmem>>
      %dma_wait3A_314 = tpu.memref_slice %arg3[%add3A_194] : memref<32768xi32, #tpu.memory_space<hbm>> -> memref<128xi32, #tpu.memory_space<hbm>>
      tpu.wait_dma2 semaphore(%run_scoped3A : memref<!tpu.dma_semaphore, #tpu.memory_space<semaphore_mem>>) src(%dma_wait3A_314 : memref<128xi32, #tpu.memory_space<hbm>>) dst(%dma_wait3A_313 : memref<128xi32, #tpu.memory_space<vmem>>)
      tpu.yield
    }) : () -> ()
    %mul3A_195 = arith.constant 512 : i32
    %mul3A_196 = arith.muli %add3A_186, %mul3A_195 : i32
    %add3A_197 = arith.constant 256 : i32
    %add3A_198 = arith.addi %mul3A_196, %add3A_197 : i32
    "tpu.region"() ({
      %run_scoped3A = tpu.sem_alloc : memref<!tpu.dma_semaphore, #tpu.memory_space<semaphore_mem>>
      %dma_start3A_303 = arith.constant 256 : i32
      %dma_start3A_304 = tpu.memref_slice %arg5[%dma_start3A_303] : memref<384xi32, #tpu.memory_space<vmem>> -> memref<128xi32, #tpu.memory_space<vmem>>
      %dma_start3A_305 = tpu.memref_slice %arg3[%add3A_198] : memref<32768xi32, #tpu.memory_space<hbm>> -> memref<128xi32, #tpu.memory_space<hbm>>
      %dma_start3A_306 = arith.constant 256 : i32
      %dma_start3A_307 = tpu.memref_slice %arg5[%dma_start3A_306] : memref<384xi32, #tpu.memory_space<vmem>> -> memref<128xi32, #tpu.memory_space<vmem>>
      %dma_start3A_308 = tpu.memref_slice %arg3[%add3A_198] : memref<32768xi32, #tpu.memory_space<hbm>> -> memref<128xi32, #tpu.memory_space<hbm>>
      tpu.enqueue_dma source(%dma_start3A_308 : memref<128xi32, #tpu.memory_space<hbm>>) target(%dma_start3A_307 : memref<128xi32, #tpu.memory_space<vmem>>) target_semaphore(%run_scoped3A : memref<!tpu.dma_semaphore, #tpu.memory_space<semaphore_mem>>)
      %dma_wait3A_309 = arith.constant 256 : i32
      %dma_wait3A_310 = tpu.memref_slice %arg5[%dma_wait3A_309] : memref<384xi32, #tpu.memory_space<vmem>> -> memref<128xi32, #tpu.memory_space<vmem>>
      %dma_wait3A_311 = tpu.memref_slice %arg3[%add3A_198] : memref<32768xi32, #tpu.memory_space<hbm>> -> memref<128xi32, #tpu.memory_space<hbm>>
      %dma_wait3A_312 = arith.constant 256 : i32
      %dma_wait3A_313 = tpu.memref_slice %arg5[%dma_wait3A_312] : memref<384xi32, #tpu.memory_space<vmem>> -> memref<128xi32, #tpu.memory_space<vmem>>
      %dma_wait3A_314 = tpu.memref_slice %arg3[%add3A_198] : memref<32768xi32, #tpu.memory_space<hbm>> -> memref<128xi32, #tpu.memory_space<hbm>>
      tpu.wait_dma2 semaphore(%run_scoped3A : memref<!tpu.dma_semaphore, #tpu.memory_space<semaphore_mem>>) src(%dma_wait3A_314 : memref<128xi32, #tpu.memory_space<hbm>>) dst(%dma_wait3A_313 : memref<128xi32, #tpu.memory_space<vmem>>)
      tpu.yield
    }) : () -> ()
    %dma_start3A_199 = arith.constant 0 : i32
    %dma_start3A_200 = tpu.memref_slice %arg5[%dma_start3A_199] : memref<384xi32, #tpu.memory_space<vmem>> -> memref<64xi32, #tpu.memory_space<vmem>>
    %dma_start3A_201 = arith.constant 0 : i32
    %dma_start3A_202 = arith.constant 0 : i32
    %dma_start3A_203 = tpu.memref_slice %arg2[%add3A_186, %dma_start3A_201, %dma_start3A_202] : memref<64x577x768xf32, #tpu.memory_space<hbm>> -> memref<1x577x768xf32, #tpu.memory_space<hbm>>
    %dma_start3A_204 = tpu.memref_squeeze %dma_start3A_203 : memref<1x577x768xf32, #tpu.memory_space<hbm>> -> memref<577x768xf32, #tpu.memory_space<hbm>>
    %dma_start3A_205 = arith.constant 0 : i32
    %dma_start3A_206 = arith.constant 0 : i32
    %dma_start3A_207 = tpu.memref_slice %dma_start3A_204[%dma_start3A_205, %dma_start3A_206] : memref<577x768xf32, #tpu.memory_space<hbm>> -> memref<577x768xf32, #tpu.memory_space<hbm>>
    tpu.enqueue_indirect_dma source(%dma_start3A_207 : memref<577x768xf32, #tpu.memory_space<hbm>>) target(%arg6 : memref<64x768xf32, #tpu.memory_space<vmem>>) offsets(%dma_start3A_200 : memref<64xi32, #tpu.memory_space<vmem>>) semaphore(%arg9 : memref<!tpu.dma_semaphore, #tpu.memory_space<semaphore_mem>>)
    %dma_start3A_208 = arith.constant 64 : i32
    %dma_start3A_209 = tpu.memref_slice %arg5[%dma_start3A_208] : memref<384xi32, #tpu.memory_space<vmem>> -> memref<64xi32, #tpu.memory_space<vmem>>
    %dma_start3A_210 = arith.constant 0 : i32
    %dma_start3A_211 = arith.constant 0 : i32
    %dma_start3A_212 = tpu.memref_slice %arg2[%add3A_186, %dma_start3A_210, %dma_start3A_211] : memref<64x577x768xf32, #tpu.memory_space<hbm>> -> memref<1x577x768xf32, #tpu.memory_space<hbm>>
    %dma_start3A_213 = tpu.memref_squeeze %dma_start3A_212 : memref<1x577x768xf32, #tpu.memory_space<hbm>> -> memref<577x768xf32, #tpu.memory_space<hbm>>
    %dma_start3A_214 = arith.constant 0 : i32
    %dma_start3A_215 = arith.constant 0 : i32
    %dma_start3A_216 = tpu.memref_slice %dma_start3A_213[%dma_start3A_214, %dma_start3A_215] : memref<577x768xf32, #tpu.memory_space<hbm>> -> memref<577x768xf32, #tpu.memory_space<hbm>>
    tpu.enqueue_indirect_dma source(%dma_start3A_216 : memref<577x768xf32, #tpu.memory_space<hbm>>) target(%arg7 : memref<64x768xf32, #tpu.memory_space<vmem>>) offsets(%dma_start3A_209 : memref<64xi32, #tpu.memory_space<vmem>>) semaphore(%arg10 : memref<!tpu.dma_semaphore, #tpu.memory_space<semaphore_mem>>)
    %dma_wait3A_217 = arith.constant 0 : i32
    %dma_wait3A_218 = tpu.memref_slice %arg5[%dma_wait3A_217] : memref<384xi32, #tpu.memory_space<vmem>> -> memref<64xi32, #tpu.memory_space<vmem>>
    %dma_wait3A_219 = arith.constant 0 : i32
    %dma_wait3A_220 = arith.constant 0 : i32
    %dma_wait3A_221 = tpu.memref_slice %arg2[%add3A_186, %dma_wait3A_219, %dma_wait3A_220] : memref<64x577x768xf32, #tpu.memory_space<hbm>> -> memref<1x577x768xf32, #tpu.memory_space<hbm>>
    %dma_wait3A_222 = tpu.memref_squeeze %dma_wait3A_221 : memref<1x577x768xf32, #tpu.memory_space<hbm>> -> memref<577x768xf32, #tpu.memory_space<hbm>>
    %dma_wait3A_223 = arith.constant 0 : i32
    %dma_wait3A_224 = arith.constant 0 : i32
    %dma_wait3A_225 = tpu.memref_slice %dma_wait3A_222[%dma_wait3A_223, %dma_wait3A_224] : memref<577x768xf32, #tpu.memory_space<hbm>> -> memref<577x768xf32, #tpu.memory_space<hbm>>
    tpu.wait_indirect_dma semaphore(%arg9 : memref<!tpu.dma_semaphore, #tpu.memory_space<semaphore_mem>>) src(%dma_wait3A_225 : memref<577x768xf32, #tpu.memory_space<hbm>>) dst(%arg6 : memref<64x768xf32, #tpu.memory_space<vmem>>)
    "tpu.region"() ({
      %run_scoped3A = tpu.sem_alloc : memref<!tpu.dma_semaphore, #tpu.memory_space<semaphore_mem>>
      %dma_start3A_303 = arith.constant 0 : i32
      %dma_start3A_304 = arith.constant 0 : i32
      %dma_start3A_305 = tpu.memref_slice %arg4[%add3A_186, %dma_start3A_303, %dma_start3A_304] : memref<64x289x768xf32, #tpu.memory_space<hbm>> -> memref<1x289x768xf32, #tpu.memory_space<hbm>>
      %dma_start3A_306 = tpu.memref_squeeze %dma_start3A_305 : memref<1x289x768xf32, #tpu.memory_space<hbm>> -> memref<289x768xf32, #tpu.memory_space<hbm>>
      %dma_start3A_307 = arith.constant 0 : i32
      %dma_start3A_308 = arith.constant 0 : i32
      %dma_start3A_309 = tpu.memref_slice %dma_start3A_306[%dma_start3A_307, %dma_start3A_308] : memref<289x768xf32, #tpu.memory_space<hbm>> -> memref<64x768xf32, #tpu.memory_space<hbm>>
      %dma_start3A_310 = arith.constant 0 : i32
      %dma_start3A_311 = arith.constant 0 : i32
      %dma_start3A_312 = tpu.memref_slice %arg4[%add3A_186, %dma_start3A_310, %dma_start3A_311] : memref<64x289x768xf32, #tpu.memory_space<hbm>> -> memref<1x289x768xf32, #tpu.memory_space<hbm>>
      %dma_start3A_313 = tpu.memref_squeeze %dma_start3A_312 : memref<1x289x768xf32, #tpu.memory_space<hbm>> -> memref<289x768xf32, #tpu.memory_space<hbm>>
      %dma_start3A_314 = arith.constant 0 : i32
      %dma_start3A_315 = arith.constant 0 : i32
      %dma_start3A_316 = tpu.memref_slice %dma_start3A_313[%dma_start3A_314, %dma_start3A_315] : memref<289x768xf32, #tpu.memory_space<hbm>> -> memref<64x768xf32, #tpu.memory_space<hbm>>
      tpu.enqueue_dma source(%arg6 : memref<64x768xf32, #tpu.memory_space<vmem>>) target(%dma_start3A_316 : memref<64x768xf32, #tpu.memory_space<hbm>>) target_semaphore(%run_scoped3A : memref<!tpu.dma_semaphore, #tpu.memory_space<semaphore_mem>>)
      %dma_wait3A_317 = arith.constant 0 : i32
      %dma_wait3A_318 = arith.constant 0 : i32
      %dma_wait3A_319 = tpu.memref_slice %arg4[%add3A_186, %dma_wait3A_317, %dma_wait3A_318] : memref<64x289x768xf32, #tpu.memory_space<hbm>> -> memref<1x289x768xf32, #tpu.memory_space<hbm>>
      %dma_wait3A_320 = tpu.memref_squeeze %dma_wait3A_319 : memref<1x289x768xf32, #tpu.memory_space<hbm>> -> memref<289x768xf32, #tpu.memory_space<hbm>>
      %dma_wait3A_321 = arith.constant 0 : i32
      %dma_wait3A_322 = arith.constant 0 : i32
      %dma_wait3A_323 = tpu.memref_slice %dma_wait3A_320[%dma_wait3A_321, %dma_wait3A_322] : memref<289x768xf32, #tpu.memory_space<hbm>> -> memref<64x768xf32, #tpu.memory_space<hbm>>
      %dma_wait3A_324 = arith.constant 0 : i32
      %dma_wait3A_325 = arith.constant 0 : i32
      %dma_wait3A_326 = tpu.memref_slice %arg4[%add3A_186, %dma_wait3A_324, %dma_wait3A_325] : memref<64x289x768xf32, #tpu.memory_space<hbm>> -> memref<1x289x768xf32, #tpu.memory_space<hbm>>
      %dma_wait3A_327 = tpu.memref_squeeze %dma_wait3A_326 : memref<1x289x768xf32, #tpu.memory_space<hbm>> -> memref<289x768xf32, #tpu.memory_space<hbm>>
      %dma_wait3A_328 = arith.constant 0 : i32
      %dma_wait3A_329 = arith.constant 0 : i32
      %dma_wait3A_330 = tpu.memref_slice %dma_wait3A_327[%dma_wait3A_328, %dma_wait3A_329] : memref<289x768xf32, #tpu.memory_space<hbm>> -> memref<64x768xf32, #tpu.memory_space<hbm>>
      tpu.wait_dma2 semaphore(%run_scoped3A : memref<!tpu.dma_semaphore, #tpu.memory_space<semaphore_mem>>) src(%arg6 : memref<64x768xf32, #tpu.memory_space<vmem>>) dst(%dma_wait3A_330 : memref<64x768xf32, #tpu.memory_space<hbm>>)
      tpu.yield
    }) : () -> ()
    %dma_start3A_226 = arith.constant 128 : i32
    %dma_start3A_227 = tpu.memref_slice %arg5[%dma_start3A_226] : memref<384xi32, #tpu.memory_space<vmem>> -> memref<64xi32, #tpu.memory_space<vmem>>
    %dma_start3A_228 = arith.constant 0 : i32
    %dma_start3A_229 = arith.constant 0 : i32
    %dma_start3A_230 = tpu.memref_slice %arg2[%add3A_186, %dma_start3A_228, %dma_start3A_229] : memref<64x577x768xf32, #tpu.memory_space<hbm>> -> memref<1x577x768xf32, #tpu.memory_space<hbm>>
    %dma_start3A_231 = tpu.memref_squeeze %dma_start3A_230 : memref<1x577x768xf32, #tpu.memory_space<hbm>> -> memref<577x768xf32, #tpu.memory_space<hbm>>
    %dma_start3A_232 = arith.constant 0 : i32
    %dma_start3A_233 = arith.constant 0 : i32
    %dma_start3A_234 = tpu.memref_slice %dma_start3A_231[%dma_start3A_232, %dma_start3A_233] : memref<577x768xf32, #tpu.memory_space<hbm>> -> memref<577x768xf32, #tpu.memory_space<hbm>>
    tpu.enqueue_indirect_dma source(%dma_start3A_234 : memref<577x768xf32, #tpu.memory_space<hbm>>) target(%arg6 : memref<64x768xf32, #tpu.memory_space<vmem>>) offsets(%dma_start3A_227 : memref<64xi32, #tpu.memory_space<vmem>>) semaphore(%arg9 : memref<!tpu.dma_semaphore, #tpu.memory_space<semaphore_mem>>)
    %dma_wait3A_235 = arith.constant 64 : i32
    %dma_wait3A_236 = tpu.memref_slice %arg5[%dma_wait3A_235] : memref<384xi32, #tpu.memory_space<vmem>> -> memref<64xi32, #tpu.memory_space<vmem>>
    %dma_wait3A_237 = arith.constant 0 : i32
    %dma_wait3A_238 = arith.constant 0 : i32
    %dma_wait3A_239 = tpu.memref_slice %arg2[%add3A_186, %dma_wait3A_237, %dma_wait3A_238] : memref<64x577x768xf32, #tpu.memory_space<hbm>> -> memref<1x577x768xf32, #tpu.memory_space<hbm>>
    %dma_wait3A_240 = tpu.memref_squeeze %dma_wait3A_239 : memref<1x577x768xf32, #tpu.memory_space<hbm>> -> memref<577x768xf32, #tpu.memory_space<hbm>>
    %dma_wait3A_241 = arith.constant 0 : i32
    %dma_wait3A_242 = arith.constant 0 : i32
    %dma_wait3A_243 = tpu.memref_slice %dma_wait3A_240[%dma_wait3A_241, %dma_wait3A_242] : memref<577x768xf32, #tpu.memory_space<hbm>> -> memref<577x768xf32, #tpu.memory_space<hbm>>
    tpu.wait_indirect_dma semaphore(%arg10 : memref<!tpu.dma_semaphore, #tpu.memory_space<semaphore_mem>>) src(%dma_wait3A_243 : memref<577x768xf32, #tpu.memory_space<hbm>>) dst(%arg7 : memref<64x768xf32, #tpu.memory_space<vmem>>)
    "tpu.region"() ({
      %run_scoped3A = tpu.sem_alloc : memref<!tpu.dma_semaphore, #tpu.memory_space<semaphore_mem>>
      %dma_start3A_303 = arith.constant 0 : i32
      %dma_start3A_304 = arith.constant 0 : i32
      %dma_start3A_305 = tpu.memref_slice %arg4[%add3A_186, %dma_start3A_303, %dma_start3A_304] : memref<64x289x768xf32, #tpu.memory_space<hbm>> -> memref<1x289x768xf32, #tpu.memory_space<hbm>>
      %dma_start3A_306 = tpu.memref_squeeze %dma_start3A_305 : memref<1x289x768xf32, #tpu.memory_space<hbm>> -> memref<289x768xf32, #tpu.memory_space<hbm>>
      %dma_start3A_307 = arith.constant 64 : i32
      %dma_start3A_308 = arith.constant 0 : i32
      %dma_start3A_309 = tpu.memref_slice %dma_start3A_306[%dma_start3A_307, %dma_start3A_308] : memref<289x768xf32, #tpu.memory_space<hbm>> -> memref<64x768xf32, #tpu.memory_space<hbm>>
      %dma_start3A_310 = arith.constant 0 : i32
      %dma_start3A_311 = arith.constant 0 : i32
      %dma_start3A_312 = tpu.memref_slice %arg4[%add3A_186, %dma_start3A_310, %dma_start3A_311] : memref<64x289x768xf32, #tpu.memory_space<hbm>> -> memref<1x289x768xf32, #tpu.memory_space<hbm>>
      %dma_start3A_313 = tpu.memref_squeeze %dma_start3A_312 : memref<1x289x768xf32, #tpu.memory_space<hbm>> -> memref<289x768xf32, #tpu.memory_space<hbm>>
      %dma_start3A_314 = arith.constant 64 : i32
      %dma_start3A_315 = arith.constant 0 : i32
      %dma_start3A_316 = tpu.memref_slice %dma_start3A_313[%dma_start3A_314, %dma_start3A_315] : memref<289x768xf32, #tpu.memory_space<hbm>> -> memref<64x768xf32, #tpu.memory_space<hbm>>
      tpu.enqueue_dma source(%arg7 : memref<64x768xf32, #tpu.memory_space<vmem>>) target(%dma_start3A_316 : memref<64x768xf32, #tpu.memory_space<hbm>>) target_semaphore(%run_scoped3A : memref<!tpu.dma_semaphore, #tpu.memory_space<semaphore_mem>>)
      %dma_wait3A_317 = arith.constant 0 : i32
      %dma_wait3A_318 = arith.constant 0 : i32
      %dma_wait3A_319 = tpu.memref_slice %arg4[%add3A_186, %dma_wait3A_317, %dma_wait3A_318] : memref<64x289x768xf32, #tpu.memory_space<hbm>> -> memref<1x289x768xf32, #tpu.memory_space<hbm>>
      %dma_wait3A_320 = tpu.memref_squeeze %dma_wait3A_319 : memref<1x289x768xf32, #tpu.memory_space<hbm>> -> memref<289x768xf32, #tpu.memory_space<hbm>>
      %dma_wait3A_321 = arith.constant 64 : i32
      %dma_wait3A_322 = arith.constant 0 : i32
      %dma_wait3A_323 = tpu.memref_slice %dma_wait3A_320[%dma_wait3A_321, %dma_wait3A_322] : memref<289x768xf32, #tpu.memory_space<hbm>> -> memref<64x768xf32, #tpu.memory_space<hbm>>
      %dma_wait3A_324 = arith.constant 0 : i32
      %dma_wait3A_325 = arith.constant 0 : i32
      %dma_wait3A_326 = tpu.memref_slice %arg4[%add3A_186, %dma_wait3A_324, %dma_wait3A_325] : memref<64x289x768xf32, #tpu.memory_space<hbm>> -> memref<1x289x768xf32, #tpu.memory_space<hbm>>
      %dma_wait3A_327 = tpu.memref_squeeze %dma_wait3A_326 : memref<1x289x768xf32, #tpu.memory_space<hbm>> -> memref<289x768xf32, #tpu.memory_space<hbm>>
      %dma_wait3A_328 = arith.constant 64 : i32
      %dma_wait3A_329 = arith.constant 0 : i32
      %dma_wait3A_330 = tpu.memref_slice %dma_wait3A_327[%dma_wait3A_328, %dma_wait3A_329] : memref<289x768xf32, #tpu.memory_space<hbm>> -> memref<64x768xf32, #tpu.memory_space<hbm>>
      tpu.wait_dma2 semaphore(%run_scoped3A : memref<!tpu.dma_semaphore, #tpu.memory_space<semaphore_mem>>) src(%arg7 : memref<64x768xf32, #tpu.memory_space<vmem>>) dst(%dma_wait3A_330 : memref<64x768xf32, #tpu.memory_space<hbm>>)
      tpu.yield
    }) : () -> ()
    %dma_start3A_244 = arith.constant 192 : i32
    %dma_start3A_245 = tpu.memref_slice %arg5[%dma_start3A_244] : memref<384xi32, #tpu.memory_space<vmem>> -> memref<64xi32, #tpu.memory_space<vmem>>
    %dma_start3A_246 = arith.constant 0 : i32
    %dma_start3A_247 = arith.constant 0 : i32
    %dma_start3A_248 = tpu.memref_slice %arg2[%add3A_186, %dma_start3A_246, %dma_start3A_247] : memref<64x577x768xf32, #tpu.memory_space<hbm>> -> memref<1x577x768xf32, #tpu.memory_space<hbm>>
    %dma_start3A_249 = tpu.memref_squeeze %dma_start3A_248 : memref<1x577x768xf32, #tpu.memory_space<hbm>> -> memref<577x768xf32, #tpu.memory_space<hbm>>
    %dma_start3A_250 = arith.constant 0 : i32
    %dma_start3A_251 = arith.constant 0 : i32
    %dma_start3A_252 = tpu.memref_slice %dma_start3A_249[%dma_start3A_250, %dma_start3A_251] : memref<577x768xf32, #tpu.memory_space<hbm>> -> memref<577x768xf32, #tpu.memory_space<hbm>>
    tpu.enqueue_indirect_dma source(%dma_start3A_252 : memref<577x768xf32, #tpu.memory_space<hbm>>) target(%arg7 : memref<64x768xf32, #tpu.memory_space<vmem>>) offsets(%dma_start3A_245 : memref<64xi32, #tpu.memory_space<vmem>>) semaphore(%arg10 : memref<!tpu.dma_semaphore, #tpu.memory_space<semaphore_mem>>)
    %dma_wait3A_253 = arith.constant 128 : i32
    %dma_wait3A_254 = tpu.memref_slice %arg5[%dma_wait3A_253] : memref<384xi32, #tpu.memory_space<vmem>> -> memref<64xi32, #tpu.memory_space<vmem>>
    %dma_wait3A_255 = arith.constant 0 : i32
    %dma_wait3A_256 = arith.constant 0 : i32
    %dma_wait3A_257 = tpu.memref_slice %arg2[%add3A_186, %dma_wait3A_255, %dma_wait3A_256] : memref<64x577x768xf32, #tpu.memory_space<hbm>> -> memref<1x577x768xf32, #tpu.memory_space<hbm>>
    %dma_wait3A_258 = tpu.memref_squeeze %dma_wait3A_257 : memref<1x577x768xf32, #tpu.memory_space<hbm>> -> memref<577x768xf32, #tpu.memory_space<hbm>>
    %dma_wait3A_259 = arith.constant 0 : i32
    %dma_wait3A_260 = arith.constant 0 : i32
    %dma_wait3A_261 = tpu.memref_slice %dma_wait3A_258[%dma_wait3A_259, %dma_wait3A_260] : memref<577x768xf32, #tpu.memory_space<hbm>> -> memref<577x768xf32, #tpu.memory_space<hbm>>
    tpu.wait_indirect_dma semaphore(%arg9 : memref<!tpu.dma_semaphore, #tpu.memory_space<semaphore_mem>>) src(%dma_wait3A_261 : memref<577x768xf32, #tpu.memory_space<hbm>>) dst(%arg6 : memref<64x768xf32, #tpu.memory_space<vmem>>)
    "tpu.region"() ({
      %run_scoped3A = tpu.sem_alloc : memref<!tpu.dma_semaphore, #tpu.memory_space<semaphore_mem>>
      %dma_start3A_303 = arith.constant 0 : i32
      %dma_start3A_304 = arith.constant 0 : i32
      %dma_start3A_305 = tpu.memref_slice %arg4[%add3A_186, %dma_start3A_303, %dma_start3A_304] : memref<64x289x768xf32, #tpu.memory_space<hbm>> -> memref<1x289x768xf32, #tpu.memory_space<hbm>>
      %dma_start3A_306 = tpu.memref_squeeze %dma_start3A_305 : memref<1x289x768xf32, #tpu.memory_space<hbm>> -> memref<289x768xf32, #tpu.memory_space<hbm>>
      %dma_start3A_307 = arith.constant 128 : i32
      %dma_start3A_308 = arith.constant 0 : i32
      %dma_start3A_309 = tpu.memref_slice %dma_start3A_306[%dma_start3A_307, %dma_start3A_308] : memref<289x768xf32, #tpu.memory_space<hbm>> -> memref<64x768xf32, #tpu.memory_space<hbm>>
      %dma_start3A_310 = arith.constant 0 : i32
      %dma_start3A_311 = arith.constant 0 : i32
      %dma_start3A_312 = tpu.memref_slice %arg4[%add3A_186, %dma_start3A_310, %dma_start3A_311] : memref<64x289x768xf32, #tpu.memory_space<hbm>> -> memref<1x289x768xf32, #tpu.memory_space<hbm>>
      %dma_start3A_313 = tpu.memref_squeeze %dma_start3A_312 : memref<1x289x768xf32, #tpu.memory_space<hbm>> -> memref<289x768xf32, #tpu.memory_space<hbm>>
      %dma_start3A_314 = arith.constant 128 : i32
      %dma_start3A_315 = arith.constant 0 : i32
      %dma_start3A_316 = tpu.memref_slice %dma_start3A_313[%dma_start3A_314, %dma_start3A_315] : memref<289x768xf32, #tpu.memory_space<hbm>> -> memref<64x768xf32, #tpu.memory_space<hbm>>
      tpu.enqueue_dma source(%arg6 : memref<64x768xf32, #tpu.memory_space<vmem>>) target(%dma_start3A_316 : memref<64x768xf32, #tpu.memory_space<hbm>>) target_semaphore(%run_scoped3A : memref<!tpu.dma_semaphore, #tpu.memory_space<semaphore_mem>>)
      %dma_wait3A_317 = arith.constant 0 : i32
      %dma_wait3A_318 = arith.constant 0 : i32
      %dma_wait3A_319 = tpu.memref_slice %arg4[%add3A_186, %dma_wait3A_317, %dma_wait3A_318] : memref<64x289x768xf32, #tpu.memory_space<hbm>> -> memref<1x289x768xf32, #tpu.memory_space<hbm>>
      %dma_wait3A_320 = tpu.memref_squeeze %dma_wait3A_319 : memref<1x289x768xf32, #tpu.memory_space<hbm>> -> memref<289x768xf32, #tpu.memory_space<hbm>>
      %dma_wait3A_321 = arith.constant 128 : i32
      %dma_wait3A_322 = arith.constant 0 : i32
      %dma_wait3A_323 = tpu.memref_slice %dma_wait3A_320[%dma_wait3A_321, %dma_wait3A_322] : memref<289x768xf32, #tpu.memory_space<hbm>> -> memref<64x768xf32, #tpu.memory_space<hbm>>
      %dma_wait3A_324 = arith.constant 0 : i32
      %dma_wait3A_325 = arith.constant 0 : i32
      %dma_wait3A_326 = tpu.memref_slice %arg4[%add3A_186, %dma_wait3A_324, %dma_wait3A_325] : memref<64x289x768xf32, #tpu.memory_space<hbm>> -> memref<1x289x768xf32, #tpu.memory_space<hbm>>
      %dma_wait3A_327 = tpu.memref_squeeze %dma_wait3A_326 : memref<1x289x768xf32, #tpu.memory_space<hbm>> -> memref<289x768xf32, #tpu.memory_space<hbm>>
      %dma_wait3A_328 = arith.constant 128 : i32
      %dma_wait3A_329 = arith.constant 0 : i32
      %dma_wait3A_330 = tpu.memref_slice %dma_wait3A_327[%dma_wait3A_328, %dma_wait3A_329] : memref<289x768xf32, #tpu.memory_space<hbm>> -> memref<64x768xf32, #tpu.memory_space<hbm>>
      tpu.wait_dma2 semaphore(%run_scoped3A : memref<!tpu.dma_semaphore, #tpu.memory_space<semaphore_mem>>) src(%arg6 : memref<64x768xf32, #tpu.memory_space<vmem>>) dst(%dma_wait3A_330 : memref<64x768xf32, #tpu.memory_space<hbm>>)
      tpu.yield
    }) : () -> ()
    %dma_start3A_262 = arith.constant 256 : i32
    %dma_start3A_263 = tpu.memref_slice %arg5[%dma_start3A_262] : memref<384xi32, #tpu.memory_space<vmem>> -> memref<64xi32, #tpu.memory_space<vmem>>
    %dma_start3A_264 = arith.constant 0 : i32
    %dma_start3A_265 = arith.constant 0 : i32
    %dma_start3A_266 = tpu.memref_slice %arg2[%add3A_186, %dma_start3A_264, %dma_start3A_265] : memref<64x577x768xf32, #tpu.memory_space<hbm>> -> memref<1x577x768xf32, #tpu.memory_space<hbm>>
    %dma_start3A_267 = tpu.memref_squeeze %dma_start3A_266 : memref<1x577x768xf32, #tpu.memory_space<hbm>> -> memref<577x768xf32, #tpu.memory_space<hbm>>
    %dma_start3A_268 = arith.constant 0 : i32
    %dma_start3A_269 = arith.constant 0 : i32
    %dma_start3A_270 = tpu.memref_slice %dma_start3A_267[%dma_start3A_268, %dma_start3A_269] : memref<577x768xf32, #tpu.memory_space<hbm>> -> memref<577x768xf32, #tpu.memory_space<hbm>>
    tpu.enqueue_indirect_dma source(%dma_start3A_270 : memref<577x768xf32, #tpu.memory_space<hbm>>) target(%arg6 : memref<64x768xf32, #tpu.memory_space<vmem>>) offsets(%dma_start3A_263 : memref<64xi32, #tpu.memory_space<vmem>>) semaphore(%arg9 : memref<!tpu.dma_semaphore, #tpu.memory_space<semaphore_mem>>)
    %dma_wait3A_271 = arith.constant 192 : i32
    %dma_wait3A_272 = tpu.memref_slice %arg5[%dma_wait3A_271] : memref<384xi32, #tpu.memory_space<vmem>> -> memref<64xi32, #tpu.memory_space<vmem>>
    %dma_wait3A_273 = arith.constant 0 : i32
    %dma_wait3A_274 = arith.constant 0 : i32
    %dma_wait3A_275 = tpu.memref_slice %arg2[%add3A_186, %dma_wait3A_273, %dma_wait3A_274] : memref<64x577x768xf32, #tpu.memory_space<hbm>> -> memref<1x577x768xf32, #tpu.memory_space<hbm>>
    %dma_wait3A_276 = tpu.memref_squeeze %dma_wait3A_275 : memref<1x577x768xf32, #tpu.memory_space<hbm>> -> memref<577x768xf32, #tpu.memory_space<hbm>>
    %dma_wait3A_277 = arith.constant 0 : i32
    %dma_wait3A_278 = arith.constant 0 : i32
    %dma_wait3A_279 = tpu.memref_slice %dma_wait3A_276[%dma_wait3A_277, %dma_wait3A_278] : memref<577x768xf32, #tpu.memory_space<hbm>> -> memref<577x768xf32, #tpu.memory_space<hbm>>
    tpu.wait_indirect_dma semaphore(%arg10 : memref<!tpu.dma_semaphore, #tpu.memory_space<semaphore_mem>>) src(%dma_wait3A_279 : memref<577x768xf32, #tpu.memory_space<hbm>>) dst(%arg7 : memref<64x768xf32, #tpu.memory_space<vmem>>)
    "tpu.region"() ({
      %run_scoped3A = tpu.sem_alloc : memref<!tpu.dma_semaphore, #tpu.memory_space<semaphore_mem>>
      %dma_start3A_303 = arith.constant 0 : i32
      %dma_start3A_304 = arith.constant 0 : i32
      %dma_start3A_305 = tpu.memref_slice %arg4[%add3A_186, %dma_start3A_303, %dma_start3A_304] : memref<64x289x768xf32, #tpu.memory_space<hbm>> -> memref<1x289x768xf32, #tpu.memory_space<hbm>>
      %dma_start3A_306 = tpu.memref_squeeze %dma_start3A_305 : memref<1x289x768xf32, #tpu.memory_space<hbm>> -> memref<289x768xf32, #tpu.memory_space<hbm>>
      %dma_start3A_307 = arith.constant 192 : i32
      %dma_start3A_308 = arith.constant 0 : i32
      %dma_start3A_309 = tpu.memref_slice %dma_start3A_306[%dma_start3A_307, %dma_start3A_308] : memref<289x768xf32, #tpu.memory_space<hbm>> -> memref<64x768xf32, #tpu.memory_space<hbm>>
      %dma_start3A_310 = arith.constant 0 : i32
      %dma_start3A_311 = arith.constant 0 : i32
      %dma_start3A_312 = tpu.memref_slice %arg4[%add3A_186, %dma_start3A_310, %dma_start3A_311] : memref<64x289x768xf32, #tpu.memory_space<hbm>> -> memref<1x289x768xf32, #tpu.memory_space<hbm>>
      %dma_start3A_313 = tpu.memref_squeeze %dma_start3A_312 : memref<1x289x768xf32, #tpu.memory_space<hbm>> -> memref<289x768xf32, #tpu.memory_space<hbm>>
      %dma_start3A_314 = arith.constant 192 : i32
      %dma_start3A_315 = arith.constant 0 : i32
      %dma_start3A_316 = tpu.memref_slice %dma_start3A_313[%dma_start3A_314, %dma_start3A_315] : memref<289x768xf32, #tpu.memory_space<hbm>> -> memref<64x768xf32, #tpu.memory_space<hbm>>
      tpu.enqueue_dma source(%arg7 : memref<64x768xf32, #tpu.memory_space<vmem>>) target(%dma_start3A_316 : memref<64x768xf32, #tpu.memory_space<hbm>>) target_semaphore(%run_scoped3A : memref<!tpu.dma_semaphore, #tpu.memory_space<semaphore_mem>>)
      %dma_wait3A_317 = arith.constant 0 : i32
      %dma_wait3A_318 = arith.constant 0 : i32
      %dma_wait3A_319 = tpu.memref_slice %arg4[%add3A_186, %dma_wait3A_317, %dma_wait3A_318] : memref<64x289x768xf32, #tpu.memory_space<hbm>> -> memref<1x289x768xf32, #tpu.memory_space<hbm>>
      %dma_wait3A_320 = tpu.memref_squeeze %dma_wait3A_319 : memref<1x289x768xf32, #tpu.memory_space<hbm>> -> memref<289x768xf32, #tpu.memory_space<hbm>>
      %dma_wait3A_321 = arith.constant 192 : i32
      %dma_wait3A_322 = arith.constant 0 : i32
      %dma_wait3A_323 = tpu.memref_slice %dma_wait3A_320[%dma_wait3A_321, %dma_wait3A_322] : memref<289x768xf32, #tpu.memory_space<hbm>> -> memref<64x768xf32, #tpu.memory_space<hbm>>
      %dma_wait3A_324 = arith.constant 0 : i32
      %dma_wait3A_325 = arith.constant 0 : i32
      %dma_wait3A_326 = tpu.memref_slice %arg4[%add3A_186, %dma_wait3A_324, %dma_wait3A_325] : memref<64x289x768xf32, #tpu.memory_space<hbm>> -> memref<1x289x768xf32, #tpu.memory_space<hbm>>
      %dma_wait3A_327 = tpu.memref_squeeze %dma_wait3A_326 : memref<1x289x768xf32, #tpu.memory_space<hbm>> -> memref<289x768xf32, #tpu.memory_space<hbm>>
      %dma_wait3A_328 = arith.constant 192 : i32
      %dma_wait3A_329 = arith.constant 0 : i32
      %dma_wait3A_330 = tpu.memref_slice %dma_wait3A_327[%dma_wait3A_328, %dma_wait3A_329] : memref<289x768xf32, #tpu.memory_space<hbm>> -> memref<64x768xf32, #tpu.memory_space<hbm>>
      tpu.wait_dma2 semaphore(%run_scoped3A : memref<!tpu.dma_semaphore, #tpu.memory_space<semaphore_mem>>) src(%arg7 : memref<64x768xf32, #tpu.memory_space<vmem>>) dst(%dma_wait3A_330 : memref<64x768xf32, #tpu.memory_space<hbm>>)
      tpu.yield
    }) : () -> ()
    %dma_wait3A_280 = arith.constant 256 : i32
    %dma_wait3A_281 = tpu.memref_slice %arg5[%dma_wait3A_280] : memref<384xi32, #tpu.memory_space<vmem>> -> memref<64xi32, #tpu.memory_space<vmem>>
    %dma_wait3A_282 = arith.constant 0 : i32
    %dma_wait3A_283 = arith.constant 0 : i32
    %dma_wait3A_284 = tpu.memref_slice %arg2[%add3A_186, %dma_wait3A_282, %dma_wait3A_283] : memref<64x577x768xf32, #tpu.memory_space<hbm>> -> memref<1x577x768xf32, #tpu.memory_space<hbm>>
    %dma_wait3A_285 = tpu.memref_squeeze %dma_wait3A_284 : memref<1x577x768xf32, #tpu.memory_space<hbm>> -> memref<577x768xf32, #tpu.memory_space<hbm>>
    %dma_wait3A_286 = arith.constant 0 : i32
    %dma_wait3A_287 = arith.constant 0 : i32
    %dma_wait3A_288 = tpu.memref_slice %dma_wait3A_285[%dma_wait3A_286, %dma_wait3A_287] : memref<577x768xf32, #tpu.memory_space<hbm>> -> memref<577x768xf32, #tpu.memory_space<hbm>>
    tpu.wait_indirect_dma semaphore(%arg9 : memref<!tpu.dma_semaphore, #tpu.memory_space<semaphore_mem>>) src(%dma_wait3A_288 : memref<577x768xf32, #tpu.memory_space<hbm>>) dst(%arg6 : memref<64x768xf32, #tpu.memory_space<vmem>>)
    %dma_start3A_289 = arith.constant 0 : i32
    %dma_start3A_290 = arith.constant 0 : i32
    %dma_start3A_291 = tpu.memref_slice %arg4[%add3A_186, %dma_start3A_289, %dma_start3A_290] : memref<64x289x768xf32, #tpu.memory_space<hbm>> -> memref<1x289x768xf32, #tpu.memory_space<hbm>>
    %dma_start3A_292 = tpu.memref_squeeze %dma_start3A_291 : memref<1x289x768xf32, #tpu.memory_space<hbm>> -> memref<289x768xf32, #tpu.memory_space<hbm>>
    %dma_start3A_293 = arith.constant 0 : i32
    %dma_start3A_294 = arith.constant 0 : i32
    %dma_start3A_295 = tpu.memref_slice %dma_start3A_292[%dma_start3A_293, %dma_start3A_294] : memref<289x768xf32, #tpu.memory_space<hbm>> -> memref<289x768xf32, #tpu.memory_space<hbm>>
    tpu.enqueue_indirect_dma source(%arg6 : memref<64x768xf32, #tpu.memory_space<vmem>>) target(%dma_start3A_295 : memref<289x768xf32, #tpu.memory_space<hbm>>) offsets(%arg8 : memref<64xi32, #tpu.memory_space<vmem>>) semaphore(%arg9 : memref<!tpu.dma_semaphore, #tpu.memory_space<semaphore_mem>>)
    %dma_wait3A_296 = arith.constant 0 : i32
    %dma_wait3A_297 = arith.constant 0 : i32
    %dma_wait3A_298 = tpu.memref_slice %arg4[%add3A_186, %dma_wait3A_296, %dma_wait3A_297] : memref<64x289x768xf32, #tpu.memory_space<hbm>> -> memref<1x289x768xf32, #tpu.memory_space<hbm>>
    %dma_wait3A_299 = tpu.memref_squeeze %dma_wait3A_298 : memref<1x289x768xf32, #tpu.memory_space<hbm>> -> memref<289x768xf32, #tpu.memory_space<hbm>>
    %dma_wait3A_300 = arith.constant 0 : i32
    %dma_wait3A_301 = arith.constant 0 : i32
    %dma_wait3A_302 = tpu.memref_slice %dma_wait3A_299[%dma_wait3A_300, %dma_wait3A_301] : memref<289x768xf32, #tpu.memory_space<hbm>> -> memref<289x768xf32, #tpu.memory_space<hbm>>
    tpu.wait_indirect_dma semaphore(%arg9 : memref<!tpu.dma_semaphore, #tpu.memory_space<semaphore_mem>>) src(%arg6 : memref<64x768xf32, #tpu.memory_space<vmem>>) dst(%dma_wait3A_302 : memref<289x768xf32, #tpu.memory_space<hbm>>)
    return
  }
}

module attributes {stable_mosaic.version = 14 : i64} {
  func.func @_score_kernel(%arg0: i32, %arg1: memref<1x12x64x577xf32, #tpu.memory_space<vmem>>, %arg2: memref<1x1x64xf32, #tpu.memory_space<vmem>>, %arg3: memref<1x1x577xf32, #tpu.memory_space<vmem>>, %arg4: memref<1x577x12xf32, #tpu.memory_space<vmem>>, %arg5: memref<512xi32, #tpu.memory_space<vmem>>, %arg6: memref<1x1x289xf32, #tpu.memory_space<vmem>>) attributes {dimension_semantics = [#tpu.dimension_semantics<arbitrary>], iteration_bounds = array<i64: 64>, scalar_prefetch = 0 : i64, scratch_operands = 0 : i64, tpu.core_type = #tpu.core_type<tc>, window_params = [{transform_indices = @transform_0, window_bounds = array<i64: 1, 12, 64, 577>}, {transform_indices = @transform_1, window_bounds = array<i64: 1, 1, 64>}, {transform_indices = @transform_2, window_bounds = array<i64: 1, 1, 577>}, {transform_indices = @transform_3, window_bounds = array<i64: 1, 577, 12>}, {transform_indices = @transform_4, window_bounds = array<i64: 512>}, {transform_indices = @transform_5, window_bounds = array<i64: 1, 1, 289>}]} {
    %get3A = arith.constant 0 : index
    %get3A_0 = arith.constant 0 : index
    %get3A_1 = arith.constant 0 : index
    %get3A_2 = arith.constant 0 : index
    %get3A_3 = vector.load %arg1[%get3A, %get3A_0, %get3A_1, %get3A_2] : memref<1x12x64x577xf32, #tpu.memory_space<vmem>>, vector<1x12x64x577xf32>
    %get3A_4 = vector.shape_cast %get3A_3 : vector<1x12x64x577xf32> to vector<12x64x577xf32>
    %slice3A = vector.extract_strided_slice %get3A_4 {offsets = [0, 0, 0], sizes = [12, 8, 577], strides = [1, 1, 1]} : vector<12x64x577xf32> to vector<12x8x577xf32>
    %slice3A_5 = vector.extract_strided_slice %get3A_4 {offsets = [0, 8, 0], sizes = [12, 8, 577], strides = [1, 1, 1]} : vector<12x64x577xf32> to vector<12x8x577xf32>
    %add3A = arith.addf %slice3A, %slice3A_5 : vector<12x8x577xf32>
    %slice3A_6 = vector.extract_strided_slice %get3A_4 {offsets = [0, 16, 0], sizes = [12, 8, 577], strides = [1, 1, 1]} : vector<12x64x577xf32> to vector<12x8x577xf32>
    %add3A_7 = arith.addf %add3A, %slice3A_6 : vector<12x8x577xf32>
    %slice3A_8 = vector.extract_strided_slice %get3A_4 {offsets = [0, 24, 0], sizes = [12, 8, 577], strides = [1, 1, 1]} : vector<12x64x577xf32> to vector<12x8x577xf32>
    %add3A_9 = arith.addf %add3A_7, %slice3A_8 : vector<12x8x577xf32>
    %slice3A_10 = vector.extract_strided_slice %get3A_4 {offsets = [0, 32, 0], sizes = [12, 8, 577], strides = [1, 1, 1]} : vector<12x64x577xf32> to vector<12x8x577xf32>
    %add3A_11 = arith.addf %add3A_9, %slice3A_10 : vector<12x8x577xf32>
    %slice3A_12 = vector.extract_strided_slice %get3A_4 {offsets = [0, 40, 0], sizes = [12, 8, 577], strides = [1, 1, 1]} : vector<12x64x577xf32> to vector<12x8x577xf32>
    %add3A_13 = arith.addf %add3A_11, %slice3A_12 : vector<12x8x577xf32>
    %slice3A_14 = vector.extract_strided_slice %get3A_4 {offsets = [0, 48, 0], sizes = [12, 8, 577], strides = [1, 1, 1]} : vector<12x64x577xf32> to vector<12x8x577xf32>
    %add3A_15 = arith.addf %add3A_13, %slice3A_14 : vector<12x8x577xf32>
    %slice3A_16 = vector.extract_strided_slice %get3A_4 {offsets = [0, 56, 0], sizes = [12, 8, 577], strides = [1, 1, 1]} : vector<12x64x577xf32> to vector<12x8x577xf32>
    %add3A_17 = arith.addf %add3A_15, %slice3A_16 : vector<12x8x577xf32>
    %slice3A_18 = vector.extract_strided_slice %add3A_17 {offsets = [0, 4, 0], sizes = [12, 4, 577], strides = [1, 1, 1]} : vector<12x8x577xf32> to vector<12x4x577xf32>
    %slice3A_19 = vector.extract_strided_slice %add3A_17 {offsets = [0, 0, 0], sizes = [12, 4, 577], strides = [1, 1, 1]} : vector<12x8x577xf32> to vector<12x4x577xf32>
    %add3A_20 = arith.addf %slice3A_18, %slice3A_19 : vector<12x4x577xf32>
    %slice3A_21 = vector.extract_strided_slice %add3A_20 {offsets = [0, 2, 0], sizes = [12, 2, 577], strides = [1, 1, 1]} : vector<12x4x577xf32> to vector<12x2x577xf32>
    %slice3A_22 = vector.extract_strided_slice %add3A_20 {offsets = [0, 0, 0], sizes = [12, 2, 577], strides = [1, 1, 1]} : vector<12x4x577xf32> to vector<12x2x577xf32>
    %add3A_23 = arith.addf %slice3A_21, %slice3A_22 : vector<12x2x577xf32>
    %slice3A_24 = vector.extract_strided_slice %add3A_23 {offsets = [0, 1, 0], sizes = [12, 1, 577], strides = [1, 1, 1]} : vector<12x2x577xf32> to vector<12x1x577xf32>
    %squeeze3A = vector.shape_cast %slice3A_24 : vector<12x1x577xf32> to vector<12x577xf32>
    %slice3A_25 = vector.extract_strided_slice %add3A_23 {offsets = [0, 0, 0], sizes = [12, 1, 577], strides = [1, 1, 1]} : vector<12x2x577xf32> to vector<12x1x577xf32>
    %squeeze3A_26 = vector.shape_cast %slice3A_25 : vector<12x1x577xf32> to vector<12x577xf32>
    %add3A_27 = arith.addf %squeeze3A, %squeeze3A_26 : vector<12x577xf32>
    %get3A_28 = arith.constant 0 : index
    %get3A_29 = arith.constant 0 : index
    %get3A_30 = arith.constant 0 : index
    %get3A_31 = vector.load %arg2[%get3A_28, %get3A_29, %get3A_30] : memref<1x1x64xf32, #tpu.memory_space<vmem>>, vector<1x1x64xf32>
    %reduce_sum3A = vector.shape_cast %get3A_31 : vector<1x1x64xf32> to vector<1x1x1x64xf32>
    %reduce_sum3A_32 = arith.constant dense<0.000000e+00> : vector<1xf32>
    %reduce_sum3A_33 = vector.multi_reduction <add>, %reduce_sum3A, %reduce_sum3A_32 [1, 2, 3] : vector<1x1x1x64xf32> to vector<1xf32>
    %reduce_sum3A_34 = vector.shape_cast %reduce_sum3A_33 : vector<1xf32> to vector<1x1x1x1xf32>
    %reduce_sum3A_35 = vector.extract %reduce_sum3A_34[0, 0, 0, 0] : f32 from vector<1x1x1x1xf32>
    %div3A = vector.broadcast %reduce_sum3A_35 : f32 to vector<12x577xf32>
    %div3A_36 = arith.divf %add3A_27, %div3A : vector<12x577xf32>
    %transpose3A = tpu.transpose %div3A_36, [1, 0] : vector<12x577xf32> -> vector<577x12xf32>
    %swap3A = arith.constant 0 : index
    %swap3A_37 = arith.constant 0 : index
    %swap3A_38 = arith.constant 0 : index
    %swap3A_39 = vector.load %arg4[%swap3A, %swap3A_37, %swap3A_38] : memref<1x577x12xf32, #tpu.memory_space<vmem>>, vector<1x577x12xf32>
    %swap3A_40 = vector.shape_cast %swap3A_39 : vector<1x577x12xf32> to vector<577x12xf32>
    %swap3A_41 = vector.shape_cast %transpose3A : vector<577x12xf32> to vector<1x577x12xf32>
    tpu.vector_store %arg4[%swap3A, %swap3A_37, %swap3A_38], %swap3A_41 {strides = array<i32>} : memref<1x577x12xf32, #tpu.memory_space<vmem>>, vector<1x577x12xf32>,
    %slice3A_42 = vector.extract_strided_slice %div3A_36 {offsets = [0, 0], sizes = [4, 577], strides = [1, 1]} : vector<12x577xf32> to vector<4x577xf32>
    %slice3A_43 = vector.extract_strided_slice %div3A_36 {offsets = [8, 0], sizes = [4, 577], strides = [1, 1]} : vector<12x577xf32> to vector<4x577xf32>
    %add3A_44 = arith.addf %slice3A_42, %slice3A_43 : vector<4x577xf32>
    %slice3A_45 = vector.extract_strided_slice %div3A_36 {offsets = [4, 0], sizes = [4, 577], strides = [1, 1]} : vector<12x577xf32> to vector<4x577xf32>
    %add3A_46 = arith.addf %slice3A_45, %add3A_44 : vector<4x577xf32>
    %slice3A_47 = vector.extract_strided_slice %add3A_46 {offsets = [2, 0], sizes = [2, 577], strides = [1, 1]} : vector<4x577xf32> to vector<2x577xf32>
    %slice3A_48 = vector.extract_strided_slice %add3A_46 {offsets = [0, 0], sizes = [2, 577], strides = [1, 1]} : vector<4x577xf32> to vector<2x577xf32>
    %add3A_49 = arith.addf %slice3A_47, %slice3A_48 : vector<2x577xf32>
    %slice3A_50 = vector.extract_strided_slice %add3A_49 {offsets = [1, 0], sizes = [1, 577], strides = [1, 1]} : vector<2x577xf32> to vector<1x577xf32>
    %slice3A_51 = vector.extract_strided_slice %add3A_49 {offsets = [0, 0], sizes = [1, 577], strides = [1, 1]} : vector<2x577xf32> to vector<1x577xf32>
    %add3A_52 = arith.addf %slice3A_50, %slice3A_51 : vector<1x577xf32>
    %div3A_53 = arith.constant 1.200000e+01 : f32
    %div3A_54 = vector.broadcast %div3A_53 : f32 to vector<1x577xf32>
    %div3A_55 = arith.divf %add3A_52, %div3A_54 : vector<1x577xf32>
    %slice3A_56 = vector.extract_strided_slice %div3A_55 {offsets = [0, 1], sizes = [1, 576], strides = [1, 1]} : vector<1x577xf32> to vector<1x576xf32>
    %transpose3A_57 = tpu.transpose %slice3A_56, [1, 0] : vector<1x576xf32> -> vector<576x1xf32>
    %bitcast_convert_type3A = tpu.bitcast %slice3A_56 : vector<1x576xf32> -> vector<1x576xi32>
    %broadcast_in_dim3A = vector.shape_cast %bitcast_convert_type3A : vector<1x576xi32> to vector<1x576xi32>
    %broadcast_in_dim3A_58 = vector.broadcast %broadcast_in_dim3A : vector<1x576xi32> to vector<576x576xi32>
    %bitcast_convert_type3A_59 = tpu.bitcast %transpose3A_57 : vector<576x1xf32> -> vector<576x1xi32>
    %broadcast_in_dim3A_60 = vector.shape_cast %bitcast_convert_type3A_59 : vector<576x1xi32> to vector<576x1xi32>
    %broadcast_in_dim3A_61 = vector.broadcast %broadcast_in_dim3A_60 : vector<576x1xi32> to vector<576x576xi32>
    %iota3A = tpu.iota {dimensions = array<i32: 0>} : vector<576x576xi32>
    %iota3A_62 = tpu.iota {dimensions = array<i32: 1>} : vector<576x576xi32>
    %lt3A = arith.cmpi slt, %iota3A_62, %iota3A : vector<576x576xi32>
    %jit3A = arith.constant 1 : i32
    %jit3A_63 = arith.constant 0 : i32
    %broadcast_in_dim3A_64 = vector.broadcast %jit3A : i32 to vector<576x576xi32>
    %broadcast_in_dim3A_65 = vector.broadcast %jit3A_63 : i32 to vector<576x576xi32>
    %select_n3A = arith.select %lt3A, %broadcast_in_dim3A_64, %broadcast_in_dim3A_65 : vector<576x576xi1>, vector<576x576xi32>
    %sub3A = arith.subi %broadcast_in_dim3A_58, %broadcast_in_dim3A_61 : vector<576x576xi32>
    %add3A_66 = arith.addi %sub3A, %select_n3A : vector<576x576xi32>
    %gt3A = arith.constant 0 : i32
    %gt3A_67 = vector.broadcast %gt3A : i32 to vector<576x576xi32>
    %gt3A_68 = arith.cmpi sgt, %add3A_66, %gt3A_67 : vector<576x576xi32>
    %broadcast_in_dim3A_69 = arith.constant 1 : i8
    %broadcast_in_dim3A_70 = vector.broadcast %broadcast_in_dim3A_69 : i8 to vector<576x1xi8>
    %convert_element_type3A = arith.extui %gt3A_68 : vector<576x576xi1> to vector<576x576xi8>
    %dot_general3A = arith.constant dense<0> : vector<576x1xi32>
    %dot_general3A_71 = tpu.matmul %convert_element_type3A, %broadcast_in_dim3A_70, %dot_general3A {dimension_numbers = #tpu.dot_dimension_numbers<[1], [0], [0], [1], [0, 0, 1, 1], [], []>, transpose_lhs_hint = false} : vector<576x576xi8>, vector<576x1xi8>, vector<576x1xi32> -> vector<576x1xi32>
    %iota3A_72 = tpu.iota {dimensions = array<i32: 1>} : vector<576x384xi32>
    %lt3A_73 = arith.constant 289 : i32
    %lt3A_74 = vector.broadcast %lt3A_73 : i32 to vector<576x384xi32>
    %lt3A_75 = arith.cmpi slt, %iota3A_72, %lt3A_74 : vector<576x384xi32>
    %sub3A_76 = arith.constant 289 : i32
    %sub3A_77 = vector.broadcast %sub3A_76 : i32 to vector<576x384xi32>
    %sub3A_78 = arith.subi %iota3A_72, %sub3A_77 : vector<576x384xi32>
    %select_n3A_79 = arith.select %lt3A_75, %iota3A_72, %sub3A_78 : vector<576x384xi1>, vector<576x384xi32>
    %add3A_80 = arith.constant 1 : i32
    %add3A_81 = vector.broadcast %add3A_80 : i32 to vector<576x1xi32>
    %add3A_82 = arith.addi %dot_general3A_71, %add3A_81 : vector<576x1xi32>
    %broadcast_in_dim3A_83 = vector.shape_cast %add3A_82 : vector<576x1xi32> to vector<576x1xi32>
    %broadcast_in_dim3A_84 = vector.broadcast %broadcast_in_dim3A_83 : vector<576x1xi32> to vector<576x384xi32>
    %eq3A = arith.cmpi eq, %broadcast_in_dim3A_84, %select_n3A_79 : vector<576x384xi32>
    %convert_element_type3A_85 = arith.extui %eq3A : vector<576x384xi1> to vector<576x384xi8>
    %iota3A_86 = tpu.iota {dimensions = array<i32: 1>} : vector<1x576xi32>
    %jit3A_87 = arith.constant 64 : i32
    %div3A_88 = vector.broadcast %jit3A_87 : i32 to vector<1x576xi32>
    %div3A_89 = arith.divsi %iota3A_86, %div3A_88 : vector<1x576xi32>
    %sign3A = arith.constant 0 : i32
    %sign3A_90 = vector.broadcast %sign3A : i32 to vector<1x576xi32>
    %sign3A_91 = arith.cmpi sgt, %iota3A_86, %sign3A_90 : vector<1x576xi32>
    %sign3A_92 = arith.extui %sign3A_91 : vector<1x576xi1> to vector<1x576xi32>
    %sign3A_93 = arith.constant 0 : i32
    %sign3A_94 = vector.broadcast %sign3A_93 : i32 to vector<1x576xi32>
    %sign3A_95 = arith.cmpi slt, %iota3A_86, %sign3A_94 : vector<1x576xi32>
    %sign3A_96 = arith.extui %sign3A_95 : vector<1x576xi1> to vector<1x576xi32>
    %sign3A_97 = arith.subi %sign3A_92, %sign3A_96 : vector<1x576xi32>
    %sign3A_98 = arith.constant 0 : i32
    %sign3A_99 = arith.cmpi sgt, %jit3A_87, %sign3A_98 : i32
    %sign3A_100 = arith.extui %sign3A_99 : i1 to i32
    %sign3A_101 = arith.constant 0 : i32
    %sign3A_102 = arith.cmpi slt, %jit3A_87, %sign3A_101 : i32
    %sign3A_103 = arith.extui %sign3A_102 : i1 to i32
    %sign3A_104 = arith.subi %sign3A_100, %sign3A_103 : i32
    %ne3A = vector.broadcast %sign3A_104 : i32 to vector<1x576xi32>
    %ne3A_105 = arith.cmpi ne, %sign3A_97, %ne3A : vector<1x576xi32>
    %rem3A = vector.broadcast %jit3A_87 : i32 to vector<1x576xi32>
    %rem3A_106 = arith.remsi %iota3A_86, %rem3A : vector<1x576xi32>
    %ne3A_107 = arith.constant 0 : i32
    %ne3A_108 = vector.broadcast %ne3A_107 : i32 to vector<1x576xi32>
    %ne3A_109 = arith.cmpi ne, %rem3A_106, %ne3A_108 : vector<1x576xi32>
    %and3A = arith.andi %ne3A_105, %ne3A_109 : vector<1x576xi1>
    %sub3A_110 = arith.constant 1 : i32
    %sub3A_111 = vector.broadcast %sub3A_110 : i32 to vector<1x576xi32>
    %sub3A_112 = arith.subi %div3A_89, %sub3A_111 : vector<1x576xi32>
    %select_n3A_113 = arith.select %and3A, %sub3A_112, %div3A_89 : vector<1x576xi1>, vector<1x576xi32>
    %convert_element_type3A_114 = arith.trunci %select_n3A_113 : vector<1x576xi32> to vector<1x576xi8>
    %jit3A_115 = arith.constant 64 : i32
    %eq3A_116 = arith.constant 0 : i32
    %eq3A_117 = arith.cmpi eq, %jit3A_115, %eq3A_116 : i32
    %jit3A_118 = arith.constant 1 : i32
    %select_n3A_119 = arith.select %eq3A_117, %jit3A_118, %jit3A_115 : i32
    %rem3A_120 = vector.broadcast %select_n3A_119 : i32 to vector<1x576xi32>
    %rem3A_121 = arith.remsi %iota3A_86, %rem3A_120 : vector<1x576xi32>
    %ne3A_122 = arith.constant 0 : i32
    %ne3A_123 = vector.broadcast %ne3A_122 : i32 to vector<1x576xi32>
    %ne3A_124 = arith.cmpi ne, %rem3A_121, %ne3A_123 : vector<1x576xi32>
    %lt3A_125 = arith.constant 0 : i32
    %lt3A_126 = vector.broadcast %lt3A_125 : i32 to vector<1x576xi32>
    %lt3A_127 = arith.cmpi slt, %rem3A_121, %lt3A_126 : vector<1x576xi32>
    %lt3A_128 = arith.constant 0 : i32
    %lt3A_129 = arith.cmpi slt, %select_n3A_119, %lt3A_128 : i32
    %ne3A_130 = vector.broadcast %lt3A_129 : i1 to vector<1x576xi1>
    %ne3A_131 = vector.broadcast %ne3A_130 : vector<1x576xi1> to vector<1x576xi1>
    %ne3A_132 = arith.xori %lt3A_127, %ne3A_131 : vector<1x576xi1>
    %and3A_133 = arith.andi %ne3A_132, %ne3A_124 : vector<1x576xi1>
    %add3A_134 = vector.broadcast %select_n3A_119 : i32 to vector<1x576xi32>
    %add3A_135 = arith.addi %rem3A_121, %add3A_134 : vector<1x576xi32>
    %select_n3A_136 = arith.select %and3A_133, %add3A_135, %rem3A_121 : vector<1x576xi1>, vector<1x576xi32>
    %convert_element_type3A_137 = arith.trunci %select_n3A_136 : vector<1x576xi32> to vector<1x576xi8>
    %get3A_138 = arith.constant 0 : index
    %get3A_139 = arith.constant 0 : index
    %get3A_140 = arith.constant 0 : index
    %get3A_141 = vector.load %arg3[%get3A_138, %get3A_139, %get3A_140] : memref<1x1x577xf32, #tpu.memory_space<vmem>>, vector<1x1x577xf32>
    %get3A_142 = vector.shape_cast %get3A_141 : vector<1x1x577xf32> to vector<1x577xf32>
    %slice3A_143 = vector.extract_strided_slice %get3A_142 {offsets = [0, 1], sizes = [1, 576], strides = [1, 1]} : vector<1x577xf32> to vector<1x576xf32>
    %convert_element_type3A_144 = arith.fptosi %slice3A_143 : vector<1x576xf32> to vector<1x576xi8>
    %concatenate3A = tpu.concatenate %convert_element_type3A_114, %convert_element_type3A_137, %convert_element_type3A_144 in 0 : vector<1x576xi8>, vector<1x576xi8>, vector<1x576xi8> -> vector<3x576xi8>
    %dot_general3A_145 = arith.constant dense<0> : vector<3x384xi32>
    %dot_general3A_146 = tpu.matmul %concatenate3A, %convert_element_type3A_85, %dot_general3A_145 {dimension_numbers = #tpu.dot_dimension_numbers<[1], [0], [0], [1], [0, 0, 1, 1], [], []>, transpose_lhs_hint = false} : vector<3x576xi8>, vector<576x384xi8>, vector<3x384xi32> -> vector<3x384xi32>
    %slice3A_147 = vector.extract_strided_slice %dot_general3A_146 {offsets = [0, 0], sizes = [1, 384], strides = [1, 1]} : vector<3x384xi32> to vector<1x384xi32>
    %mul3A = arith.constant 64 : i32
    %mul3A_148 = vector.broadcast %mul3A : i32 to vector<1x384xi32>
    %mul3A_149 = arith.muli %slice3A_147, %mul3A_148 : vector<1x384xi32>
    %slice3A_150 = vector.extract_strided_slice %dot_general3A_146 {offsets = [1, 0], sizes = [1, 384], strides = [1, 1]} : vector<3x384xi32> to vector<1x384xi32>
    %add3A_151 = arith.addi %mul3A_149, %slice3A_150 : vector<1x384xi32>
    %slice3A_152 = vector.extract_strided_slice %dot_general3A_146 {offsets = [2, 0], sizes = [1, 384], strides = [1, 1]} : vector<3x384xi32> to vector<1x384xi32>
    %convert_element_type3A_153 = arith.sitofp %slice3A_152 : vector<1x384xi32> to vector<1x384xf32>
    %iota3A_154 = tpu.iota {dimensions = array<i32: 1>} : vector<1x384xi32>
    %lt3A_155 = arith.constant 289 : i32
    %lt3A_156 = vector.broadcast %lt3A_155 : i32 to vector<1x384xi32>
    %lt3A_157 = arith.cmpi slt, %iota3A_154, %lt3A_156 : vector<1x384xi32>
    %sub3A_158 = arith.constant 289 : i32
    %sub3A_159 = vector.broadcast %sub3A_158 : i32 to vector<1x384xi32>
    %sub3A_160 = arith.subi %iota3A_154, %sub3A_159 : vector<1x384xi32>
    %select_n3A_161 = arith.select %lt3A_157, %iota3A_154, %sub3A_160 : vector<1x384xi1>, vector<1x384xi32>
    %eq3A_162 = arith.constant 0 : i32
    %eq3A_163 = vector.broadcast %eq3A_162 : i32 to vector<1x384xi32>
    %eq3A_164 = arith.cmpi eq, %select_n3A_161, %eq3A_163 : vector<1x384xi32>
    %add3A_165 = arith.constant 1 : i32
    %add3A_166 = vector.broadcast %add3A_165 : i32 to vector<1x384xi32>
    %add3A_167 = arith.addi %add3A_166, %add3A_151 : vector<1x384xi32>
    %jit3A_168 = arith.constant 0 : i32
    %broadcast_in_dim3A_169 = vector.broadcast %jit3A_168 : i32 to vector<1x384xi32>
    %select_n3A_170 = arith.select %eq3A_164, %broadcast_in_dim3A_169, %add3A_167 : vector<1x384xi1>, vector<1x384xi32>
    %broadcast_in_dim3A_171 = arith.constant 0 : i32
    %broadcast_in_dim3A_172 = vector.broadcast %broadcast_in_dim3A_171 : i32 to vector<1x128xi32>
    %concatenate3A_173 = tpu.concatenate %select_n3A_170, %broadcast_in_dim3A_172 in 1 : vector<1x384xi32>, vector<1x128xi32> -> vector<1x512xi32>
    %squeeze3A_174 = vector.shape_cast %concatenate3A_173 : vector<1x512xi32> to vector<512xi32>
    %swap3A_175 = arith.constant 0 : index
    %swap3A_176 = vector.load %arg5[%swap3A_175] : memref<512xi32, #tpu.memory_space<vmem>>, vector<512xi32>
    tpu.vector_store %arg5[%swap3A_175], %squeeze3A_174 {strides = array<i32>} : memref<512xi32, #tpu.memory_space<vmem>>, vector<512xi32>,
    %get3A_177 = arith.constant 0 : index
    %get3A_178 = arith.constant 0 : index
    %get3A_179 = arith.constant 0 : index
    %get3A_180 = vector.load %arg3[%get3A_177, %get3A_178, %get3A_179] : memref<1x1x577xf32, #tpu.memory_space<vmem>>, vector<1x1x1xf32>
    %get3A_181 = vector.extract %get3A_180[0, 0, 0] : f32 from vector<1x1x1xf32>
    %eq3A_182 = arith.constant 0 : i32
    %eq3A_183 = vector.broadcast %eq3A_182 : i32 to vector<1x384xi32>
    %eq3A_184 = arith.cmpi eq, %iota3A_154, %eq3A_183 : vector<1x384xi32>
    %broadcast_in_dim3A_185 = vector.broadcast %get3A_181 : f32 to vector<1x384xf32>
    %select_n3A_186 = arith.select %eq3A_184, %broadcast_in_dim3A_185, %convert_element_type3A_153 : vector<1x384xi1>, vector<1x384xf32>
    %slice3A_187 = vector.extract_strided_slice %select_n3A_186 {offsets = [0, 0], sizes = [1, 289], strides = [1, 1]} : vector<1x384xf32> to vector<1x289xf32>
    %swap3A_188 = arith.constant 0 : index
    %swap3A_189 = arith.constant 0 : index
    %swap3A_190 = arith.constant 0 : index
    %swap3A_191 = vector.load %arg6[%swap3A_188, %swap3A_189, %swap3A_190] : memref<1x1x289xf32, #tpu.memory_space<vmem>>, vector<1x1x289xf32>
    %swap3A_192 = vector.shape_cast %swap3A_191 : vector<1x1x289xf32> to vector<1x289xf32>
    %swap3A_193 = vector.shape_cast %slice3A_187 : vector<1x289xf32> to vector<1x1x289xf32>
    tpu.vector_store %arg6[%swap3A_188, %swap3A_189, %swap3A_190], %swap3A_193 {strides = array<i32>} : memref<1x1x289xf32, #tpu.memory_space<vmem>>, vector<1x1x289xf32>,
    return
  }
  func.func @transform_0(%arg0: i32) -> (i32, i32, i32, i32) {
    %c0_i32 = arith.constant 0 : i32
    %c0_i32_0 = arith.constant 0 : i32
    %c0_i32_1 = arith.constant 0 : i32
    %c0_i32_2 = arith.constant 0 : i32
    return %arg0, %c0_i32, %c0_i32_0, %c0_i32_1 : i32, i32, i32, i32
  }
  func.func @transform_1(%arg0: i32) -> (i32, i32, i32) {
    %c0_i32 = arith.constant 0 : i32
    %c0_i32_0 = arith.constant 0 : i32
    %c0_i32_1 = arith.constant 0 : i32
    return %arg0, %c0_i32, %c0_i32_0 : i32, i32, i32
  }
  func.func @transform_2(%arg0: i32) -> (i32, i32, i32) {
    %c0_i32 = arith.constant 0 : i32
    %c0_i32_0 = arith.constant 0 : i32
    %c0_i32_1 = arith.constant 0 : i32
    return %arg0, %c0_i32, %c0_i32_0 : i32, i32, i32
  }
  func.func @transform_3(%arg0: i32) -> (i32, i32, i32) {
    %c0_i32 = arith.constant 0 : i32
    %c0_i32_0 = arith.constant 0 : i32
    %c0_i32_1 = arith.constant 0 : i32
    return %arg0, %c0_i32, %c0_i32_0 : i32, i32, i32
  }
  func.func @transform_4(%arg0: i32) -> i32 {
    %c0_i32 = arith.constant 0 : i32
    return %arg0 : i32
  }
  func.func @transform_5(%arg0: i32) -> (i32, i32, i32) {
    %c0_i32 = arith.constant 0 : i32
    %c0_i32_0 = arith.constant 0 : i32
    %c0_i32_1 = arith.constant 0 : i32
    return %arg0, %c0_i32, %c0_i32_0 : i32, i32, i32
  }
}

</mosaic_0001>

<sc_bundles>
// kernel: kernel.4.cloned.1.call-start
scs
__scs_entry_jumppad:
0x0: {  	(pc) =	sbr.rel $0x88, $3  }
0x1: {  	(tag) =	ssettag $0x0;
	lr =	simm.s32 $0x1  }
0x2: {  	[smem:$0x3F9C] =	sst lr;
	_ =	strace $0xD0000000  }
0x3: {  	_ = 	snop  }
0x4: {  	_ = 	snop  }
0x5: {  	_ = 	snop  }
0x6: {  	_ = 	snop  }
0x7: {  	_ = 	snop  }
__scs_overlays_trampoline_lowered:
0x8: {  	[smem:$0x3FAB] =	sst s0  }
0x9: {  	[smem:$0x3FAC] =	sst s1  }
0xa: {  	[smem:$0x3FAD] =	sst s2  }
0xb: {  	[smem:$0x3FAE] =	sst s3  }
0xc: {  	[smem:$0x3FAF] =	sst s4  }
0xd: {  	[smem:$0x3FB0] =	sst s5  }
0xe: {  	[smem:$0x3FB1] =	sst s6  }
0xf: {  	[smem:$0x3FB2] =	sst s7  }
0x10: {  	[smem:$0x3FB3] =	sst s8  }
0x11: {  	[smem:$0x3FB4] =	sst s9;
	s0 =	simm.s32 @!p0 $0x0  }
0x12: {  	s1 =	sld [smem:$0x3F9A];
	s0 =	simm.s32 @p0 $0x1  }
0x13: {  	[smem:$0x3FB5] =	sst s0;
	s0 =	simm.s32 @!p1 $0x0  }
0x14: {  	s2 =	sld [smem:$0x3F99];
	s0 =	simm.s32 @p1 $0x1  }
0x15: {  	[smem:$0x3FB6] =	sst s0;
	s0 =	simm.s32 @!p2 $0x0  }
0x16: {  	s3 =	sld [smem:$0x3FDB];
	s0 =	simm.s32 @p2 $0x1  }
0x17: {  	s4 =	simm.s32 $0x1BF5;
	[smem:$0x3FB8] =	sst s0  }
0x18: {  	s0 =	sld [smem:$0x3F9B];
	_ =	swait.ge [sflag:s4], $0x0  }
0x19: {  	s7 =	sld [smem:$0x3F9C]  }
0x1a: {  	s8 =	sadd.s32 $0xFFFFE003, lr  }
0x1b: {  	s9 =	sadd.s32 $0xFFFFFEF7, lr;
	s5 =	simm.s32 $0xFFFFFFFF;
	p2 =	slt.u32 s8, $0xFFFFF086  }
0x1c: {  	p1 =	slt.u32 s9, $0xF7A;
	s5 =	simm.s32 @!p2 $0x0  }
0x1d: {  	s5 =	simm.s32 @p1 $0x1;
	p0 =	seq.s32 s7, s2  }
0x1e: {  	s7 =	smul.u32 @!p0 $0xF7A, s2;
	p2 =	seq.s32 @!p0 s5, $0x0  }
0x1f: {  	s9 =	smul.u32 $0xF7A, s1;
	s8 =	simm.s32 @!p0 $0x1BF5;
	p2 =	por !p2, p0  }
0x20: {  	[sflag:s8] =	ssyncset.s32 @!p0 $0xFFFFF086;
	s6 =	sadd.s32 @!p0 s3, s7;
	s7 =	simm.s32 @!p0 $0x108  }
0x21: {  	s3 =	sadd.s32 s3, s9;
	s6 =	sadd.s32 @!p0 $0x88, s6;
	s7 =	simm.s32 @p2 $0x1082  }
0x22: {  	[simem:s7], [sflag:s8] =	dma.local @!p0 [hbm:s6], $0xF7A  }
0x23: {  	s9 =	sor.u32 $0xD0000000, s2;
	s6 =	simm.s32 $0x108;
	_ =	swait.ge @!p0 [sflag:s8], $0x0  }
0x24: {  	s3 =	sadd.s32 $0x88, s3;
	s6 =	simm.s32 @!p1 $0x1082;
	[sflag:s4] =	ssyncset.s32 $0xFFFFF086  }
0x25: {  	[simem:s6], [sflag:s4] =	dma.local [hbm:s3], $0xF7A  }
0x26: {  	[smem:$0x3F9C] =	sst s1;
	(tag) =	ssettag s2;
	_ =	strace s9  }
0x27: {  	s1 =	sld [smem:$0x3FAC]  }
0x28: {  	s2 =	sld [smem:$0x3FAD]  }
0x29: {  	s4 =	sld [smem:$0x3FAF]  }
0x2a: {  	p0 =	seq.s32 s5, $0x0;
	s5 =	sld [smem:$0x3FB0]  }
0x2b: {  	s6 =	sld [smem:$0x3FB1]  }
0x2c: {  	s7 =	sld [smem:$0x3FB2]  }
0x2d: {  	s3 =	simm.s32 $0x108;
	s8 =	sld [smem:$0x3FB3]  }
0x2e: {  	s3 =	simm.s32 @!p0 $0x1082;
	s9 =	sld [smem:$0x3FB4]  }
0x2f: {  	lr =	sadd.s32 s0, s3;
	s0 =	sld [smem:$0x3FAB]  }
0x30: {  	s3 =	sld [smem:$0x3FAE]  }
0x31: {  	[smem:$0x3FB7] =	sst s10  }
0x32: {  	s10 =	sld [smem:$0x3FB5];
	_ =	sdelay $0x3  }
0x33: {  	p0 =	seq.s32 s10, $0x1;
	s10 =	sld [smem:$0x3FB7];
	_ =	sdelay $0x3  }
0x34: {  	[smem:$0x3FB7] =	sst s10  }
0x35: {  	s10 =	sld [smem:$0x3FB6];
	_ =	sdelay $0x3  }
0x36: {  	p1 =	seq.s32 s10, $0x1;
	s10 =	sld [smem:$0x3FB7];
	_ =	sdelay $0x3  }
0x37: {  	[smem:$0x3FB7] =	sst s10  }
0x38: {  	s10 =	sld [smem:$0x3FB8]  }
0x39: {  	_ = 	snop;
	(pc) =	sbr.ind lr, $3  }
0x3a: {  	_ = 	snop  }
0x3b: {  	_ = 	snop  }
0x3c: {  	p2 =	seq.s32 s10, $0x1;
	s10 =	sld [smem:$0x3FB7]  }
0x3d: {  	_ =	shalt  }
0x3e: {  	_ =	shalt  }
0x3f: {  	_ =	shalt  }
0x40: {  	_ =	shalt  }
0x41: {  	_ =	shalt  }
0x42: {  	_ =	shalt  }
0x43: {  	_ =	shalt  }
0x44: {  	_ =	shalt  }
0x45: {  	_ =	shalt  }
0x46: {  	_ =	shalt  }
0x47: {  	_ =	shalt  }
0x48: {  	_ =	shalt  }
0x49: {  	_ =	shalt  }
0x4a: {  	_ =	shalt  }
0x4b: {  	_ =	shalt  }
0x4c: {  	_ =	shalt  }
0x4d: {  	_ =	shalt  }
0x4e: {  	_ =	shalt  }
0x4f: {  	_ =	shalt  }
0x50: {  	_ =	shalt  }
0x51: {  	_ =	shalt  }
0x52: {  	_ =	shalt  }
0x53: {  	_ =	shalt  }
0x54: {  	_ =	shalt  }
0x55: {  	_ =	shalt  }
0x56: {  	_ =	shalt  }
0x57: {  	_ =	shalt  }
0x58: {  	_ =	shalt  }
0x59: {  	_ =	shalt  }
0x5a: {  	_ =	shalt  }
0x5b: {  	_ =	shalt  }
0x5c: {  	_ =	shalt  }
0x5d: {  	_ =	shalt  }
0x5e: {  	_ =	shalt  }
0x5f: {  	_ =	shalt  }
0x60: {  	_ =	shalt  }
0x61: {  	_ =	shalt  }
0x62: {  	_ =	shalt  }
0x63: {  	_ =	shalt  }
0x64: {  	_ =	shalt  }
0x65: {  	_ =	shalt  }
0x66: {  	_ =	shalt  }
0x67: {  	_ =	shalt  }
0x68: {  	_ =	shalt  }
0x69: {  	_ =	shalt  }
0x6a: {  	_ =	shalt  }
0x6b: {  	_ =	shalt  }
0x6c: {  	_ =	shalt  }
0x6d: {  	_ =	shalt  }
0x6e: {  	_ =	shalt  }
0x6f: {  	_ =	shalt  }
0x70: {  	_ =	shalt  }
0x71: {  	_ =	shalt  }
0x72: {  	_ =	shalt  }
0x73: {  	_ =	shalt  }
0x74: {  	_ =	shalt  }
0x75: {  	_ =	shalt  }
0x76: {  	_ =	shalt  }
0x77: {  	_ =	shalt  }
0x78: {  	_ =	shalt  }
0x79: {  	_ =	shalt  }
0x7a: {  	_ =	shalt  }
0x7b: {  	_ =	shalt  }
0x7c: {  	_ =	shalt  }
0x7d: {  	_ =	shalt  }
0x7e: {  	_ =	shalt  }
0x7f: {  	_ =	shalt  }
0x80: {  	_ =	shalt  }
0x81: {  	_ =	shalt  }
0x82: {  	_ =	shalt  }
0x83: {  	_ =	shalt  }
0x84: {  	_ =	shalt  }
0x85: {  	_ =	shalt  }
0x86: {  	_ =	shalt  }
0x87: {  	_ =	shalt  }
.Lfunc_end0:
.L_simem_size_0:
called_computation_lowered:
.L_overlay_start_0:
0x88: {  	s2 =	sld [smem:$0x3FD9]  }
0x89: {  	s3 =	sld [smem:$0x3FFE];
	_ =	sdelay $0x1  }
0x8a: {  	s1 =	srdreg.scid  }
0x8b: {  	s0 =	sand.u32 $0x1, s1  }
0x8c: {  	s14 =	sshll.u32 s0, $0xA;
	s2 =	sadd.s32 s3, s2  }
0x8d: {  	s2 =	sadd.s32 s2, s14  }
0x8e: {  	[smem:$0x3FC3] =	sst s2  }
0x8f: {  	_ = 	snop  }
0x90: {  	s2 =	sld [smem:$0x3FD0];
	_ =	sdelay $0x2  }
0x91: {  	s15 =	simm.s32 $0xA;
	s4 =	simm.s32 $0x10  }
0x92: {  	[smem:s4], [sflag:s15] =	dma.local [hbm:s2], $0x1  }
0x93: {  	_ =	swait.eq [sflag:s15], $0x1  }
0x94: {  	[sflag:s15] =	ssyncset.done $0x0  }
0x95: {  	[sflag:s15] =	ssyncadd.s32 $0xFFFFFFFF  }
0x96: {  	s16 =	sld [smem:$0x12];
	(tm) =	ssettm $0x1  }
0x97: {  	s17 =	sld [smem:$0x3FFB];
	_ =	sdelay $0x3  }
0x98: {  	_ =	strace s17  }
0x99: {  	s3 =	sld [smem:$0x3FFC];
	_ =	sdelay $0x3  }
0x9a: {  	_ =	strace s3  }
0x9b: {  	s3 =	sld [smem:$0x3FFD];
	_ =	sdelay $0x3  }
0x9c: {  	_ =	strace s3  }
0x9d: {  	_ =	strace $0x8FFFFFFF  }
0x9e: {  	s18 =	sld [smem:$0x3FDB];
	_ =	sdelay $0x1  }
0x9f: {  	s19 =	simm.s32 $_scs_section_size  }
0xa0: {  	s5 =	simm.s32 $_size__tile_overlayer_lowered;
	s6 =	simm.s32 $_tile_overlayer_lowered  }
0xa1: {  	s22 =	simm.s32 $0x1BFF;
	s21 =	sshll.u32 s6, $0x1;
	s3 =	sadd.s32 s19, s18  }
0xa2: {  	s7 =	simm.s32 $0x0;
	s20 =	sshll.u32 s5, $0x1;
	s5 =	sadd.s32 s21, s3  }
0xa3: {  	[timem:s7], [sflag:s22] =	dma.local [hbm:s5], s20  }
0xa4: {  	_ =	swait.ge [sflag:s22], s20  }
0xa5: {  	s4 =	ssub.s32 $0x0, s20;
	[sflag:s22] =	ssyncset.done $0x0  }
0xa6: {  	[sflag:s22] =	ssyncadd.s32 s4;
	_ =	sdelay $0x1  }
0xa7: {  	s23 =	simm.s32 $0x1B8B  }
0xa8: {  	_ =	swait.ge [sflag:s23], $0x1  }
0xa9: {  	[sflag:s23] =	ssyncset.done $0x0  }
0xaa: {  	s25 =	simm.s32 $0x1B8E;
	s24 =	sld [smem:$0x3FFE];
	[sflag:s23] =	ssyncadd.s32 $0xFFFFFFFF  }
0xab: {  	s26 =	simm.s32 $execute0_lowered;
	[smem:$0x3FD2] =	sst s25  }
0xac: {  	s5 =	sshll.u32 s26, $0x1;
	_ =	strace $0x80000046;
	[dreg:$0x1] =	wrdreg $0xFFFFFFFF  }
0xad: {  	s28 =	simm.s32 $_size_execute0_lowered;
	s3 =	sadd.s32 s3, s5;
	[dreg:$0x0] =	wrdreg $0x0  }
0xae: {  	s5 =	sshll.u32 s28, $0x1;
	[dreg:$0x2] =	wrdreg s3  }
0xaf: {  	[dreg:$0x3] =	wrdreg s5  }
0xb0: {  	[dreg:$0x4] =	wrdreg $0xC0  }
0xb1: {  	_ =	task [dreg:s7], $0x5FFFF  }
0xb2: {  	[dreg:$0x1] =	wrdreg $0xFFFFFFFF  }
0xb3: {  	[dreg:$0x0] =	wrdreg $0x60  }
0xb4: {  	[dreg:$0x2] =	wrdreg s24  }
0xb5: {  	[dreg:$0x3] =	wrdreg s16  }
0xb6: {  	[dreg:$0x4] =	wrdreg $0x9  }
0xb7: {  	_ =	task.clear_ibuf [dreg:s7], $0x5FFFF;
	_ =	strace $0x90000046  }
0xb8: {  	s29 =	simm.s32 $0x9;
	_ =	strace $0x80000048  }
0xb9: {  	_ =	swait.ge [sflag:s29], $0x1  }
0xba: {  	[sflag:s29] =	ssyncadd.s32 $0xFFFFFFFF  }
0xbb: {  	_ =	strace $0x90000048  }
0xbc: {  	_ =	sfence  }
0xbd: {  	s30 =	sld [smem:$0x0];
	_ =	sdelay $0x2  }
0xbe: {  	s31 =	sshll.u32 s1, $0xD;
	s1 =	sshrl.u32 s1, $0x2  }
0xbf: {  	s3 =	sand.u32 $0x4000, s31;
	s1 =	sadd.s32 s1, s30  }
0xc0: {  	s0 =	sor.u32 s3, s0;
	s1 =	sshll.u32 s1, $0x11  }
0xc1: {  	s0 =	sor.u32 s1, s0  }
0xc2: {  	s0 =	sadd.s32 $0x8F2B, s0  }
0xc3: {  	[sflag:s0] =	ssyncadd.remote.s32 $0x1  }
0xc4: {  	_ =	sfence.sel $0xFFFF  }
0xc5: {  	[dreg:$0x0] =	wrdreg $0xFFFFFFFF;
	(pc) =	sbr.abs _section_cstart, $3  }
0xc6: {  	[dreg:$0x1] =	wrdreg $0xFFFFFFFF  }
0xc7: {  	_ =	task.clear_ibuf [dreg:s7], $0x2FFFF;
	_ =	strace $0x9FFFFFFF  }
0xc8: {  	(tm) =	ssettm $0x7FFFFFFF  }
0xc9: {  	_ =	shalt  }
tec
execute0_lowered:
.L_overlay_start_1:
0x0: {  	(tag) =	ssettag $0x1  }
0x1: {  	s0 =	rddreg [dreg:$0x0]  }
0x2: {  	s1 =	rddreg [dreg:$0x1];
	s2 =	simm.s32 $0x0;
	s3 =	srdreg.scid  }
0x3: {  	s4 =	stileid.u32;
	[smem:$0x7FF] =	sst s2;
	s3 =	sand.u32 $0x1, s3  }
0x4: {  	s4 =	sshll.u32 s4, $0x1;
	s5 =	sadd.s32 $0x1000, s0;
	s0 =	sadd.s32 $0x36D000, s0  }
0x5: {  	s9 =	sadd.s32 $0x10, s1;
	s26 =	sadd.s32 $0x20, s1;
	s4 =	sor.u32 s3, s4  }
0x6: {  	_ =	strace $0x80000047;
	s3 =	ssub.s32 $0x2, s3;
	s6 =	sshll.u32 s4, $0x7  }
0x7: {  	s7 =	sshrl.u32 s3, $0x1;
	s28 =	sshllo.u32 s4, $0x1;
	s8 =	sadd.s32 s1, s6  }
0x8: {  	v0 =	vimm.s32 $0x65432107;
	s10 =	smul.u32 $0x1B600, s4;
	s25 =	sadd.s32 s6, s9;
	[dreg:$0x3] =	wrdreg s8  }
0x9: {  	v1 =	vimm.s32 $0xEDCBA980;
	v0 =	vunpack.c.l.s4.s8 v0;
	s6 =	sadd.s32 s6, s26;
	s11 =	sshll.u32 s28, $0x6;
	[dreg:$0x4] =	wrdreg s25  }
0xa: {  	v1 =	vunpack.c.l.s4.s8 v1;
	s4 =	smul.u32 $0xDE00, s4;
	[dreg:$0x5] =	wrdreg s6;
	s1 =	sadd.s32 s1, s11  }
0xb: {  	v6 =	vlaneseq.u32;
	v0 =	vunpack.c.0.s8.s32 v0;
	s7 =	ssub.s32 s3, s7;
	s29 =	sadd.s32 s11, s9;
	[dreg:$0x6] =	wrdreg s1  }
0xc: {  	vm0 =	vcmask $0x2304;
	v5 =	vshrl.u32 v6, $0x3;
	v1 =	vunpack.c.0.s8.s32 v1;
	s30 =	smul.u32 $0xDB00, s28;
	s4 =	sadd.s32 s0, s4;
	[dreg:$0x7] =	wrdreg s29  }
0xd: {  	v4 =	vand.u32 $0x7, v6;
	v5 =	vmul.u32 $0x8, v5;
	s31 =	sadd.s32 s11, s26;
	s8 =	smul.u32 $0x6F00, s28;
	v0 =	vand.u32 $0xF, v0;
	[dreg:$0xa] =	wrdreg s4  }
0xe: {  	s3 =	sadd.s32 s5, s10;
	s6 =	simm.s32 $0x3;
	v3 =	vand.u32 $0xF, v1;
	[dreg:$0x8] =	wrdreg s31;
	v2 =	vnsel vm0, $0x120, v0;
	vm0 =	vcmask $0x3F24  }
0xf: {  	v1 =	vor.u32 $0x110, v6;
	s5 =	sadd.s32 s5, s30;
	s12 =	sadd.s32 $0x100, s3;
	v0 =	vor.u32 $0x100, v6;
	s0 =	sadd.s32 s0, s8;
	v2 =	vsel vm0, v3, v2  }
0x10: {  	s4 =	simm.s32 $0x1;
	v3 =	vadd.s32 $0xF, v6;
	vm0 =	vmmov $0xffff;
	v6 =	vor.u32 $0x8, v6;
	[dreg:$0xb] =	wrdreg s0;
	s0 =	smax.u32 s7, $0x1  }
.LBB2_1:
0x11: {  	[tilespmem:$0x18180] =	vst v0  }
0x12: {  	[tilespmem:$0x18190] =	vst v1  }
0x13: {  	[dreg:$0x9] =	wrdreg s0;
	[tilespmem:$0x181A0] =	vst v2  }
0x14: {  	s17 =	rddreg [dreg:$0x3];
	[tilespmem:$0x181B0] =	vst v3  }
0x15: {  	[tilespmem:s2], [sflag:$0x3] =	stream.linear.gather [hbm4b:s17+s2], $0x80, $0x38;
	[tilespmem:$0x18200] =	vst v63  }
0x16: {  	_ =	swait.ge [sflag:s6], $0x80  }
0x17: {  	[sflag:s6] =	ssyncset.done $0x0  }
0x18: {  	s15 =	simm.s32 $0x80;
	s14 =	rddreg [dreg:$0x4];
	[sflag:s6] =	ssyncadd.s32 $0xFFFFFF80  }
0x19: {  	[tilespmem:s15], [sflag:$0x3] =	stream.linear.gather [hbm4b:s14+s2], $0x80, $0x38;
	[tilespmem:$0x18200] =	vst v63  }
0x1a: {  	_ =	swait.ge [sflag:s6], $0x80  }
0x1b: {  	[sflag:s6] =	ssyncset.done $0x0  }
0x1c: {  	s18 =	simm.s32 $0x100;
	s16 =	rddreg [dreg:$0x5];
	[sflag:s6] =	ssyncadd.s32 $0xFFFFFF80  }
0x1d: {  	[tilespmem:s18], [sflag:$0x3] =	stream.linear.gather [hbm4b:s16+s2], $0x80, $0x38;
	[tilespmem:$0x18200] =	vst v63  }
0x1e: {  	_ =	swait.ge [sflag:s6], $0x80  }
0x1f: {  	[sflag:s6] =	ssyncset.done $0x0  }
0x20: {  	[sflag:s6] =	ssyncadd.s32 $0xFFFFFF80  }
0x21: {  	v7 =	vld [tilespmem:$0x0];
	_ =	sdelay $0x4  }
0x22: {  	v8 =	vshrl.u32 v7, $0x3  }
0x23: {  	v8 =	vmul.u32 $0x30, v8  }
0x24: {  	v7 =	vand.u32 $0x7, v7  }
0x25: {  	v7 =	vor.u32 v7, v8  }
0x26: {  	v8 =	vperm.xlane v7, v4;
	_ =	sdelay $0x1  }
0x27: {  	v8 =	vadd.s32 v5, v8;
	_ =	sdelay $0x3  }
0x28: {  	s19 =	simm.s32 $0x180;
	v7 =	vperm.xlane v7, v6  }
0x29: {  	[tilespmem:s19], [sflag:$0x1] =	stream.indirect_vreg.gather [hbm4b:s3+s2], $0x80, v8, vm0, $0xb8;
	[tilespmem:$0x18200] =	vst v63  }
0x2a: {  	s20 =	simm.s32 $0x980;
	v7 =	vadd.s32 v5, v7  }
0x2b: {  	[tilespmem:s20], [sflag:$0x1] =	stream.indirect_vreg.gather [hbm4b:s12+s2], $0x80, v8, vm0, $0xb8;
	[tilespmem:$0x18200] =	vst v63  }
0x2c: {  	s21 =	simm.s32 $0x1180;
	s17 =	sadd.s32 $0x200, s3  }
0x2d: {  	[tilespmem:s21], [sflag:$0x1] =	stream.indirect_vreg.gather [hbm4b:s17+s2], $0x80, v8, vm0, $0xb8;
	[tilespmem:$0x18200] =	vst v63  }
0x2e: {  	s22 =	simm.s32 $0x1980  }
0x2f: {  	[tilespmem:s22], [sflag:$0x1] =	stream.indirect_vreg.gather [hbm4b:s3+s2], $0x80, v7, vm0, $0xb8;
	[tilespmem:$0x18200] =	vst v63  }
0x30: {  	s23 =	simm.s32 $0x2180  }
0x31: {  	[tilespmem:s23], [sflag:$0x1] =	stream.indirect_vreg.gather [hbm4b:s12+s2], $0x80, v7, vm0, $0xb8;
	[tilespmem:$0x18200] =	vst v63  }
0x32: {  	s24 =	simm.s32 $0x2980  }
0x33: {  	[tilespmem:s24], [sflag:$0x1] =	stream.indirect_vreg.gather [hbm4b:s17+s2], $0x80, v7, vm0, $0xb8;
	[tilespmem:$0x18200] =	vst v63  }
0x34: {  	v7 =	vld [tilespmem:$0x10];
	_ =	sdelay $0x4  }
0x35: {  	v8 =	vshrl.u32 v7, $0x3  }
0x36: {  	v8 =	vmul.u32 $0x30, v8  }
0x37: {  	v7 =	vand.u32 $0x7, v7  }
0x38: {  	v7 =	vor.u32 v7, v8  }
0x39: {  	v8 =	vperm.xlane v7, v4;
	_ =	sdelay $0x1  }
0x3a: {  	v8 =	vadd.s32 v5, v8;
	_ =	sdelay $0x3  }
0x3b: {  	s25 =	simm.s32 $0x3180;
	v7 =	vperm.xlane v7, v6  }
0x3c: {  	[tilespmem:s25], [sflag:$0x1] =	stream.indirect_vreg.gather [hbm4b:s3+s2], $0x80, v8, vm0, $0xb8;
	[tilespmem:$0x18200] =	vst v63  }
0x3d: {  	s26 =	simm.s32 $0x3980;
	v7 =	vadd.s32 v5, v7  }
0x3e: {  	[tilespmem:s26], [sflag:$0x1] =	stream.indirect_vreg.gather [hbm4b:s12+s2], $0x80, v8, vm0, $0xb8;
	[tilespmem:$0x18200] =	vst v63  }
0x3f: {  	s28 =	simm.s32 $0x4180  }
0x40: {  	[tilespmem:s28], [sflag:$0x1] =	stream.indirect_vreg.gather [hbm4b:s17+s2], $0x80, v8, vm0, $0xb8;
	[tilespmem:$0x18200] =	vst v63  }
0x41: {  	s29 =	simm.s32 $0x4980  }
0x42: {  	[tilespmem:s29], [sflag:$0x1] =	stream.indirect_vreg.gather [hbm4b:s3+s2], $0x80, v7, vm0, $0xb8;
	[tilespmem:$0x18200] =	vst v63  }
0x43: {  	s31 =	simm.s32 $0x5180  }
0x44: {  	[tilespmem:s31], [sflag:$0x1] =	stream.indirect_vreg.gather [hbm4b:s12+s2], $0x80, v7, vm0, $0xb8;
	[tilespmem:$0x18200] =	vst v63  }
0x45: {  	s1 =	simm.s32 $0x5980  }
0x46: {  	[tilespmem:s1], [sflag:$0x1] =	stream.indirect_vreg.gather [hbm4b:s17+s2], $0x80, v7, vm0, $0xb8;
	[tilespmem:$0x18200] =	vst v63  }
0x47: {  	v7 =	vld [tilespmem:$0x20];
	_ =	sdelay $0x4  }
0x48: {  	v8 =	vshrl.u32 v7, $0x3  }
0x49: {  	v8 =	vmul.u32 $0x30, v8  }
0x4a: {  	v7 =	vand.u32 $0x7, v7  }
0x4b: {  	v7 =	vor.u32 v7, v8  }
0x4c: {  	v8 =	vperm.xlane v7, v4;
	_ =	sdelay $0x1  }
0x4d: {  	v8 =	vadd.s32 v5, v8;
	_ =	sdelay $0x3  }
0x4e: {  	s7 =	simm.s32 $0x6180;
	v7 =	vperm.xlane v7, v6  }
0x4f: {  	[tilespmem:s7], [sflag:$0x1] =	stream.indirect_vreg.gather [hbm4b:s3+s2], $0x80, v8, vm0, $0xb8;
	[tilespmem:$0x18200] =	vst v63  }
0x50: {  	s8 =	simm.s32 $0x6980;
	v7 =	vadd.s32 v5, v7  }
0x51: {  	[tilespmem:s8], [sflag:$0x1] =	stream.indirect_vreg.gather [hbm4b:s12+s2], $0x80, v8, vm0, $0xb8;
	[tilespmem:$0x18200] =	vst v63  }
0x52: {  	s9 =	simm.s32 $0x7180  }
0x53: {  	[tilespmem:s9], [sflag:$0x1] =	stream.indirect_vreg.gather [hbm4b:s17+s2], $0x80, v8, vm0, $0xb8;
	[tilespmem:$0x18200] =	vst v63  }
0x54: {  	s11 =	simm.s32 $0x7980  }
0x55: {  	[tilespmem:s11], [sflag:$0x1] =	stream.indirect_vreg.gather [hbm4b:s3+s2], $0x80, v7, vm0, $0xb8;
	[tilespmem:$0x18200] =	vst v63  }
0x56: {  	s16 =	simm.s32 $0x8180  }
0x57: {  	[tilespmem:s16], [sflag:$0x1] =	stream.indirect_vreg.gather [hbm4b:s12+s2], $0x80, v7, vm0, $0xb8;
	[tilespmem:$0x18200] =	vst v63  }
0x58: {  	s18 =	simm.s32 $0x8980  }
0x59: {  	[tilespmem:s18], [sflag:$0x1] =	stream.indirect_vreg.gather [hbm4b:s17+s2], $0x80, v7, vm0, $0xb8;
	[tilespmem:$0x18200] =	vst v63  }
0x5a: {  	v7 =	vld [tilespmem:$0x30];
	_ =	sdelay $0x4  }
0x5b: {  	v8 =	vshrl.u32 v7, $0x3  }
0x5c: {  	v8 =	vmul.u32 $0x30, v8  }
0x5d: {  	v7 =	vand.u32 $0x7, v7  }
0x5e: {  	v7 =	vor.u32 v7, v8  }
0x5f: {  	v8 =	vperm.xlane v7, v4;
	_ =	sdelay $0x1  }
0x60: {  	v8 =	vadd.s32 v5, v8;
	_ =	sdelay $0x3  }
0x61: {  	s19 =	simm.s32 $0x9180;
	v7 =	vperm.xlane v7, v6  }
0x62: {  	[tilespmem:s19], [sflag:$0x1] =	stream.indirect_vreg.gather [hbm4b:s3+s2], $0x80, v8, vm0, $0xb8;
	[tilespmem:$0x18200] =	vst v63  }
0x63: {  	s25 =	simm.s32 $0x9980;
	v7 =	vadd.s32 v5, v7  }
0x64: {  	[tilespmem:s25], [sflag:$0x1] =	stream.indirect_vreg.gather [hbm4b:s12+s2], $0x80, v8, vm0, $0xb8;
	[tilespmem:$0x18200] =	vst v63  }
0x65: {  	s31 =	simm.s32 $0xA180  }
0x66: {  	[tilespmem:s31], [sflag:$0x1] =	stream.indirect_vreg.gather [hbm4b:s17+s2], $0x80, v8, vm0, $0xb8;
	[tilespmem:$0x18200] =	vst v63  }
0x67: {  	s7 =	simm.s32 $0xA980  }
0x68: {  	[tilespmem:s7], [sflag:$0x1] =	stream.indirect_vreg.gather [hbm4b:s3+s2], $0x80, v7, vm0, $0xb8;
	[tilespmem:$0x18200] =	vst v63  }
0x69: {  	s8 =	simm.s32 $0xB180  }
0x6a: {  	[tilespmem:s8], [sflag:$0x1] =	stream.indirect_vreg.gather [hbm4b:s12+s2], $0x80, v7, vm0, $0xb8;
	[tilespmem:$0x18200] =	vst v63  }
0x6b: {  	s11 =	simm.s32 $0xB980  }
0x6c: {  	[tilespmem:s11], [sflag:$0x1] =	stream.indirect_vreg.gather [hbm4b:s17+s2], $0x80, v7, vm0, $0xb8;
	[tilespmem:$0x18200] =	vst v63  }
0x6d: {  	v7 =	vld [tilespmem:$0x40];
	_ =	sdelay $0x4  }
0x6e: {  	v8 =	vshrl.u32 v7, $0x3  }
0x6f: {  	v8 =	vmul.u32 $0x30, v8  }
0x70: {  	v7 =	vand.u32 $0x7, v7  }
0x71: {  	v7 =	vor.u32 v7, v8  }
0x72: {  	v8 =	vperm.xlane v7, v4;
	_ =	sdelay $0x1  }
0x73: {  	v8 =	vadd.s32 v5, v8;
	_ =	sdelay $0x3  }
0x74: {  	s19 =	simm.s32 $0xC180;
	v7 =	vperm.xlane v7, v6  }
0x75: {  	[tilespmem:s19], [sflag:$0x2] =	stream.indirect_vreg.gather [hbm4b:s3+s2], $0x80, v8, vm0, $0xb8;
	[tilespmem:$0x18200] =	vst v63  }
0x76: {  	s25 =	simm.s32 $0xC980;
	v7 =	vadd.s32 v5, v7  }
0x77: {  	[tilespmem:s25], [sflag:$0x2] =	stream.indirect_vreg.gather [hbm4b:s12+s2], $0x80, v8, vm0, $0xb8;
	[tilespmem:$0x18200] =	vst v63  }
0x78: {  	s31 =	simm.s32 $0xD180  }
0x79: {  	[tilespmem:s31], [sflag:$0x2] =	stream.indirect_vreg.gather [hbm4b:s17+s2], $0x80, v8, vm0, $0xb8;
	[tilespmem:$0x18200] =	vst v63  }
0x7a: {  	s7 =	simm.s32 $0xD980  }
0x7b: {  	[tilespmem:s7], [sflag:$0x2] =	stream.indirect_vreg.gather [hbm4b:s3+s2], $0x80, v7, vm0, $0xb8;
	[tilespmem:$0x18200] =	vst v63  }
0x7c: {  	s19 =	simm.s32 $0xE180  }
0x7d: {  	[tilespmem:s19], [sflag:$0x2] =	stream.indirect_vreg.gather [hbm4b:s12+s2], $0x80, v7, vm0, $0xb8;
	[tilespmem:$0x18200] =	vst v63  }
0x7e: {  	s25 =	simm.s32 $0xE980  }
0x7f: {  	[tilespmem:s25], [sflag:$0x2] =	stream.indirect_vreg.gather [hbm4b:s17+s2], $0x80, v7, vm0, $0xb8;
	[tilespmem:$0x18200] =	vst v63  }
0x80: {  	v7 =	vld [tilespmem:$0x50];
	_ =	sdelay $0x4  }
0x81: {  	v8 =	vshrl.u32 v7, $0x3  }
0x82: {  	v8 =	vmul.u32 $0x30, v8  }
0x83: {  	v7 =	vand.u32 $0x7, v7  }
0x84: {  	v7 =	vor.u32 v7, v8  }
0x85: {  	v8 =	vperm.xlane v7, v4;
	_ =	sdelay $0x1  }
0x86: {  	v8 =	vadd.s32 v5, v8;
	_ =	sdelay $0x3  }
0x87: {  	s31 =	simm.s32 $0xF180;
	v7 =	vperm.xlane v7, v6  }
0x88: {  	[tilespmem:s31], [sflag:$0x2] =	stream.indirect_vreg.gather [hbm4b:s3+s2], $0x80, v8, vm0, $0xb8;
	[tilespmem:$0x18200] =	vst v63  }
0x89: {  	s7 =	simm.s32 $0xF980;
	v7 =	vadd.s32 v5, v7  }
0x8a: {  	[tilespmem:s7], [sflag:$0x2] =	stream.indirect_vreg.gather [hbm4b:s12+s2], $0x80, v8, vm0, $0xb8;
	[tilespmem:$0x18200] =	vst v63  }
0x8b: {  	s25 =	simm.s32 $0x10180  }
0x8c: {  	[tilespmem:s25], [sflag:$0x2] =	stream.indirect_vreg.gather [hbm4b:s17+s2], $0x80, v8, vm0, $0xb8;
	[tilespmem:$0x18200] =	vst v63  }
0x8d: {  	s31 =	simm.s32 $0x10980  }
0x8e: {  	[tilespmem:s31], [sflag:$0x2] =	stream.indirect_vreg.gather [hbm4b:s3+s2], $0x80, v7, vm0, $0xb8;
	[tilespmem:$0x18200] =	vst v63  }
0x8f: {  	s7 =	simm.s32 $0x11180  }
0x90: {  	[tilespmem:s7], [sflag:$0x2] =	stream.indirect_vreg.gather [hbm4b:s12+s2], $0x80, v7, vm0, $0xb8;
	[tilespmem:$0x18200] =	vst v63  }
0x91: {  	s25 =	simm.s32 $0x11980  }
0x92: {  	[tilespmem:s25], [sflag:$0x2] =	stream.indirect_vreg.gather [hbm4b:s17+s2], $0x80, v7, vm0, $0xb8;
	[tilespmem:$0x18200] =	vst v63  }
0x93: {  	v7 =	vld [tilespmem:$0x60];
	_ =	sdelay $0x4  }
0x94: {  	v8 =	vshrl.u32 v7, $0x3  }
0x95: {  	v8 =	vmul.u32 $0x30, v8  }
0x96: {  	v7 =	vand.u32 $0x7, v7  }
0x97: {  	v7 =	vor.u32 v7, v8  }
0x98: {  	v8 =	vperm.xlane v7, v4;
	_ =	sdelay $0x1  }
0x99: {  	v8 =	vadd.s32 v5, v8;
	_ =	sdelay $0x3  }
0x9a: {  	s31 =	simm.s32 $0x12180;
	v7 =	vperm.xlane v7, v6  }
0x9b: {  	[tilespmem:s31], [sflag:$0x2] =	stream.indirect_vreg.gather [hbm4b:s3+s2], $0x80, v8, vm0, $0xb8;
	[tilespmem:$0x18200] =	vst v63  }
0x9c: {  	s7 =	simm.s32 $0x12980;
	v7 =	vadd.s32 v5, v7  }
0x9d: {  	[tilespmem:s7], [sflag:$0x2] =	stream.indirect_vreg.gather [hbm4b:s12+s2], $0x80, v8, vm0, $0xb8;
	[tilespmem:$0x18200] =	vst v63  }
0x9e: {  	s7 =	simm.s32 $0x13180  }
0x9f: {  	[tilespmem:s7], [sflag:$0x2] =	stream.indirect_vreg.gather [hbm4b:s17+s2], $0x80, v8, vm0, $0xb8;
	[tilespmem:$0x18200] =	vst v63  }
0xa0: {  	s7 =	simm.s32 $0x13980  }
0xa1: {  	[tilespmem:s7], [sflag:$0x2] =	stream.indirect_vreg.gather [hbm4b:s3+s2], $0x80, v7, vm0, $0xb8;
	[tilespmem:$0x18200] =	vst v63  }
0xa2: {  	s7 =	simm.s32 $0x14180  }
0xa3: {  	[tilespmem:s7], [sflag:$0x2] =	stream.indirect_vreg.gather [hbm4b:s12+s2], $0x80, v7, vm0, $0xb8;
	[tilespmem:$0x18200] =	vst v63  }
0xa4: {  	s7 =	simm.s32 $0x14980  }
0xa5: {  	[tilespmem:s7], [sflag:$0x2] =	stream.indirect_vreg.gather [hbm4b:s17+s2], $0x80, v7, vm0, $0xb8;
	[tilespmem:$0x18200] =	vst v63  }
0xa6: {  	v7 =	vld [tilespmem:$0x70];
	_ =	sdelay $0x4  }
0xa7: {  	v8 =	vshrl.u32 v7, $0x3  }
0xa8: {  	v8 =	vmul.u32 $0x30, v8  }
0xa9: {  	v7 =	vand.u32 $0x7, v7  }
0xaa: {  	v7 =	vor.u32 v7, v8  }
0xab: {  	v8 =	vperm.xlane v7, v4;
	_ =	sdelay $0x1  }
0xac: {  	v8 =	vadd.s32 v5, v8;
	_ =	sdelay $0x3  }
0xad: {  	s7 =	simm.s32 $0x15180;
	v7 =	vperm.xlane v7, v6  }
0xae: {  	[tilespmem:s7], [sflag:$0x2] =	stream.indirect_vreg.gather [hbm4b:s3+s2], $0x80, v8, vm0, $0xb8;
	[tilespmem:$0x18200] =	vst v63  }
0xaf: {  	v7 =	vadd.s32 v5, v7;
	s7 =	simm.s32 $0x15980  }
0xb0: {  	[tilespmem:s7], [sflag:$0x2] =	stream.indirect_vreg.gather [hbm4b:s12+s2], $0x80, v8, vm0, $0xb8;
	[tilespmem:$0x18200] =	vst v63  }
0xb1: {  	s7 =	simm.s32 $0x16180  }
0xb2: {  	[tilespmem:s7], [sflag:$0x2] =	stream.indirect_vreg.gather [hbm4b:s17+s2], $0x80, v8, vm0, $0xb8;
	[tilespmem:$0x18200] =	vst v63  }
0xb3: {  	s7 =	simm.s32 $0x16980  }
0xb4: {  	[tilespmem:s7], [sflag:$0x2] =	stream.indirect_vreg.gather [hbm4b:s3+s2], $0x80, v7, vm0, $0xb8;
	[tilespmem:$0x18200] =	vst v63  }
0xb5: {  	s7 =	simm.s32 $0x17180  }
0xb6: {  	[tilespmem:s7], [sflag:$0x2] =	stream.indirect_vreg.gather [hbm4b:s12+s2], $0x80, v7, vm0, $0xb8;
	[tilespmem:$0x18200] =	vst v63  }
0xb7: {  	s7 =	simm.s32 $0x17980  }
0xb8: {  	[tilespmem:s7], [sflag:$0x2] =	stream.indirect_vreg.gather [hbm4b:s17+s2], $0x80, v7, vm0, $0xb8;
	[tilespmem:$0x18200] =	vst v63  }
0xb9: {  	_ =	swait.ge [sflag:s4], $0xC000  }
0xba: {  	[sflag:s4] =	ssyncset.done $0x0  }
0xbb: {  	s15 =	simm.s32 $0x180;
	s7 =	rddreg [dreg:$0xa];
	[sflag:s4] =	ssyncadd.s32 $0xFFFF4000  }
0xbc: {  	[hbm4b:s7+s2] =	stream.linear.scatter [tilespmem:s15], [sflag:$0x3], $0xC000, $0x38;
	[tilespmem:$0x18200] =	vst v63  }
0xbd: {  	_ =	swait.ge [sflag:s6], $0xC000  }
0xbe: {  	[sflag:s6] =	ssyncset.done $0x0  }
0xbf: {  	[sflag:s6] =	ssyncadd.s32 $0xFFFF4000  }
0xc0: {  	v7 =	vld [tilespmem:$0x80];
	_ =	sdelay $0x4  }
0xc1: {  	v8 =	vshrl.u32 v7, $0x3  }
0xc2: {  	v8 =	vmul.u32 $0x30, v8  }
0xc3: {  	v7 =	vand.u32 $0x7, v7  }
0xc4: {  	v7 =	vor.u32 v7, v8  }
0xc5: {  	v8 =	vperm.xlane v7, v4;
	_ =	sdelay $0x1  }
0xc6: {  	v8 =	vadd.s32 v5, v8;
	_ =	sdelay $0x3  }
0xc7: {  	v7 =	vperm.xlane v7, v6  }
0xc8: {  	[tilespmem:s15], [sflag:$0x1] =	stream.indirect_vreg.gather [hbm4b:s3+s2], $0x80, v8, vm0, $0xb8;
	[tilespmem:$0x18200] =	vst v63  }
0xc9: {  	s13 =	simm.s32 $0x980;
	v7 =	vadd.s32 v5, v7  }
0xca: {  	[tilespmem:s13], [sflag:$0x1] =	stream.indirect_vreg.gather [hbm4b:s12+s2], $0x80, v8, vm0, $0xb8;
	[tilespmem:$0x18200] =	vst v63  }
0xcb: {  	s10 =	simm.s32 $0x1180  }
0xcc: {  	[tilespmem:s10], [sflag:$0x1] =	stream.indirect_vreg.gather [hbm4b:s17+s2], $0x80, v8, vm0, $0xb8;
	[tilespmem:$0x18200] =	vst v63  }
0xcd: {  	s14 =	simm.s32 $0x1980  }
0xce: {  	[tilespmem:s14], [sflag:$0x1] =	stream.indirect_vreg.gather [hbm4b:s3+s2], $0x80, v7, vm0, $0xb8;
	[tilespmem:$0x18200] =	vst v63  }
0xcf: {  	s21 =	simm.s32 $0x2180  }
0xd0: {  	[tilespmem:s21], [sflag:$0x1] =	stream.indirect_vreg.gather [hbm4b:s12+s2], $0x80, v7, vm0, $0xb8;
	[tilespmem:$0x18200] =	vst v63  }
0xd1: {  	s22 =	simm.s32 $0x2980  }
0xd2: {  	[tilespmem:s22], [sflag:$0x1] =	stream.indirect_vreg.gather [hbm4b:s17+s2], $0x80, v7, vm0, $0xb8;
	[tilespmem:$0x18200] =	vst v63  }
0xd3: {  	v7 =	vld [tilespmem:$0x90];
	_ =	sdelay $0x4  }
0xd4: {  	v8 =	vshrl.u32 v7, $0x3  }
0xd5: {  	v8 =	vmul.u32 $0x30, v8  }
0xd6: {  	v7 =	vand.u32 $0x7, v7  }
0xd7: {  	v7 =	vor.u32 v7, v8  }
0xd8: {  	v8 =	vperm.xlane v7, v4;
	_ =	sdelay $0x1  }
0xd9: {  	v8 =	vadd.s32 v5, v8;
	_ =	sdelay $0x3  }
0xda: {  	s30 =	simm.s32 $0x3180;
	v7 =	vperm.xlane v7, v6  }
0xdb: {  	[tilespmem:s30], [sflag:$0x1] =	stream.indirect_vreg.gather [hbm4b:s3+s2], $0x80, v8, vm0, $0xb8;
	[tilespmem:$0x18200] =	vst v63  }
0xdc: {  	s24 =	simm.s32 $0x3980;
	v7 =	vadd.s32 v5, v7  }
0xdd: {  	[tilespmem:s24], [sflag:$0x1] =	stream.indirect_vreg.gather [hbm4b:s12+s2], $0x80, v8, vm0, $0xb8;
	[tilespmem:$0x18200] =	vst v63  }
0xde: {  	s26 =	simm.s32 $0x4180  }
0xdf: {  	[tilespmem:s26], [sflag:$0x1] =	stream.indirect_vreg.gather [hbm4b:s17+s2], $0x80, v8, vm0, $0xb8;
	[tilespmem:$0x18200] =	vst v63  }
0xe0: {  	s28 =	simm.s32 $0x4980  }
0xe1: {  	[tilespmem:s28], [sflag:$0x1] =	stream.indirect_vreg.gather [hbm4b:s3+s2], $0x80, v7, vm0, $0xb8;
	[tilespmem:$0x18200] =	vst v63  }
0xe2: {  	s23 =	simm.s32 $0x5180  }
0xe3: {  	[tilespmem:s23], [sflag:$0x1] =	stream.indirect_vreg.gather [hbm4b:s12+s2], $0x80, v7, vm0, $0xb8;
	[tilespmem:$0x18200] =	vst v63  }
0xe4: {  	s29 =	simm.s32 $0x5980  }
0xe5: {  	[tilespmem:s29], [sflag:$0x1] =	stream.indirect_vreg.gather [hbm4b:s17+s2], $0x80, v7, vm0, $0xb8;
	[tilespmem:$0x18200] =	vst v63  }
0xe6: {  	v7 =	vld [tilespmem:$0xA0];
	_ =	sdelay $0x4  }
0xe7: {  	v8 =	vshrl.u32 v7, $0x3  }
0xe8: {  	v8 =	vmul.u32 $0x30, v8  }
0xe9: {  	v7 =	vand.u32 $0x7, v7  }
0xea: {  	v7 =	vor.u32 v7, v8  }
0xeb: {  	v8 =	vperm.xlane v7, v4;
	_ =	sdelay $0x1  }
0xec: {  	v8 =	vadd.s32 v5, v8;
	_ =	sdelay $0x3  }
0xed: {  	s10 =	simm.s32 $0x6180;
	v7 =	vperm.xlane v7, v6  }
0xee: {  	[tilespmem:s10], [sflag:$0x1] =	stream.indirect_vreg.gather [hbm4b:s3+s2], $0x80, v8, vm0, $0xb8;
	[tilespmem:$0x18200] =	vst v63  }
0xef: {  	s1 =	simm.s32 $0x6980;
	v7 =	vadd.s32 v5, v7  }
0xf0: {  	[tilespmem:s1], [sflag:$0x1] =	stream.indirect_vreg.gather [hbm4b:s12+s2], $0x80, v8, vm0, $0xb8;
	[tilespmem:$0x18200] =	vst v63  }
0xf1: {  	s9 =	simm.s32 $0x7180  }
0xf2: {  	[tilespmem:s9], [sflag:$0x1] =	stream.indirect_vreg.gather [hbm4b:s17+s2], $0x80, v8, vm0, $0xb8;
	[tilespmem:$0x18200] =	vst v63  }
0xf3: {  	s13 =	simm.s32 $0x7980  }
0xf4: {  	[tilespmem:s13], [sflag:$0x1] =	stream.indirect_vreg.gather [hbm4b:s3+s2], $0x80, v7, vm0, $0xb8;
	[tilespmem:$0x18200] =	vst v63  }
0xf5: {  	s14 =	simm.s32 $0x8180  }
0xf6: {  	[tilespmem:s14], [sflag:$0x1] =	stream.indirect_vreg.gather [hbm4b:s12+s2], $0x80, v7, vm0, $0xb8;
	[tilespmem:$0x18200] =	vst v63  }
0xf7: {  	s20 =	simm.s32 $0x8980  }
0xf8: {  	[tilespmem:s20], [sflag:$0x1] =	stream.indirect_vreg.gather [hbm4b:s17+s2], $0x80, v7, vm0, $0xb8;
	[tilespmem:$0x18200] =	vst v63  }
0xf9: {  	v7 =	vld [tilespmem:$0xB0];
	_ =	sdelay $0x4  }
0xfa: {  	v8 =	vshrl.u32 v7, $0x3  }
0xfb: {  	v8 =	vmul.u32 $0x30, v8  }
0xfc: {  	v7 =	vand.u32 $0x7, v7  }
0xfd: {  	v7 =	vor.u32 v7, v8  }
0xfe: {  	v8 =	vperm.xlane v7, v4;
	_ =	sdelay $0x1  }
0xff: {  	v8 =	vadd.s32 v5, v8;
	_ =	sdelay $0x3  }
0x100: {  	s20 =	simm.s32 $0x9180;
	v7 =	vperm.xlane v7, v6  }
0x101: {  	[tilespmem:s20], [sflag:$0x1] =	stream.indirect_vreg.gather [hbm4b:s3+s2], $0x80, v8, vm0, $0xb8;
	[tilespmem:$0x18200] =	vst v63  }
0x102: {  	s16 =	simm.s32 $0x9980;
	v7 =	vadd.s32 v5, v7  }
0x103: {  	[tilespmem:s16], [sflag:$0x1] =	stream.indirect_vreg.gather [hbm4b:s12+s2], $0x80, v8, vm0, $0xb8;
	[tilespmem:$0x18200] =	vst v63  }
0x104: {  	s18 =	simm.s32 $0xA180  }
0x105: {  	[tilespmem:s18], [sflag:$0x1] =	stream.indirect_vreg.gather [hbm4b:s17+s2], $0x80, v8, vm0, $0xb8;
	[tilespmem:$0x18200] =	vst v63  }
0x106: {  	s1 =	simm.s32 $0xA980  }
0x107: {  	[tilespmem:s1], [sflag:$0x1] =	stream.indirect_vreg.gather [hbm4b:s3+s2], $0x80, v7, vm0, $0xb8;
	[tilespmem:$0x18200] =	vst v63  }
0x108: {  	s9 =	simm.s32 $0xB180  }
0x109: {  	[tilespmem:s9], [sflag:$0x1] =	stream.indirect_vreg.gather [hbm4b:s12+s2], $0x80, v7, vm0, $0xb8;
	[tilespmem:$0x18200] =	vst v63  }
0x10a: {  	s11 =	simm.s32 $0xB980;
	s30 =	simm.s32 $0x2  }
0x10b: {  	[tilespmem:s11], [sflag:$0x1] =	stream.indirect_vreg.gather [hbm4b:s17+s2], $0x80, v7, vm0, $0xb8;
	[tilespmem:$0x18200] =	vst v63  }
0x10c: {  	_ =	swait.ge [sflag:s30], $0xC000  }
0x10d: {  	[sflag:s30] =	ssyncset.done $0x0  }
0x10e: {  	s16 =	simm.s32 $0xC180;
	s11 =	sadd.s32 $0x1800, s7;
	[sflag:s30] =	ssyncadd.s32 $0xFFFF4000  }
0x10f: {  	[hbm4b:s11+s2] =	stream.linear.scatter [tilespmem:s16], [sflag:$0x3], $0xC000, $0x38;
	[tilespmem:$0x18200] =	vst v63  }
0x110: {  	_ =	swait.ge [sflag:s6], $0xC000  }
0x111: {  	[sflag:s6] =	ssyncset.done $0x0  }
0x112: {  	[sflag:s6] =	ssyncadd.s32 $0xFFFF4000  }
0x113: {  	v7 =	vld [tilespmem:$0xC0];
	_ =	sdelay $0x4  }
0x114: {  	v8 =	vshrl.u32 v7, $0x3  }
0x115: {  	v8 =	vmul.u32 $0x30, v8  }
0x116: {  	v7 =	vand.u32 $0x7, v7  }
0x117: {  	v7 =	vor.u32 v7, v8  }
0x118: {  	v8 =	vperm.xlane v7, v4;
	_ =	sdelay $0x1  }
0x119: {  	v8 =	vadd.s32 v5, v8;
	_ =	sdelay $0x3  }
0x11a: {  	v7 =	vperm.xlane v7, v6  }
0x11b: {  	[tilespmem:s16], [sflag:$0x2] =	stream.indirect_vreg.gather [hbm4b:s3+s2], $0x80, v8, vm0, $0xb8;
	[tilespmem:$0x18200] =	vst v63  }
0x11c: {  	s8 =	simm.s32 $0xC980;
	v7 =	vadd.s32 v5, v7  }
0x11d: {  	[tilespmem:s8], [sflag:$0x2] =	stream.indirect_vreg.gather [hbm4b:s12+s2], $0x80, v8, vm0, $0xb8;
	[tilespmem:$0x18200] =	vst v63  }
0x11e: {  	s18 =	simm.s32 $0xD180  }
0x11f: {  	[tilespmem:s18], [sflag:$0x2] =	stream.indirect_vreg.gather [hbm4b:s17+s2], $0x80, v8, vm0, $0xb8;
	[tilespmem:$0x18200] =	vst v63  }
0x120: {  	s23 =	simm.s32 $0xD980  }
0x121: {  	[tilespmem:s23], [sflag:$0x2] =	stream.indirect_vreg.gather [hbm4b:s3+s2], $0x80, v7, vm0, $0xb8;
	[tilespmem:$0x18200] =	vst v63  }
0x122: {  	s26 =	simm.s32 $0xE180  }
0x123: {  	[tilespmem:s26], [sflag:$0x2] =	stream.indirect_vreg.gather [hbm4b:s12+s2], $0x80, v7, vm0, $0xb8;
	[tilespmem:$0x18200] =	vst v63  }
0x124: {  	s28 =	simm.s32 $0xE980  }
0x125: {  	[tilespmem:s28], [sflag:$0x2] =	stream.indirect_vreg.gather [hbm4b:s17+s2], $0x80, v7, vm0, $0xb8;
	[tilespmem:$0x18200] =	vst v63  }
0x126: {  	v7 =	vld [tilespmem:$0xD0];
	_ =	sdelay $0x4  }
0x127: {  	v8 =	vshrl.u32 v7, $0x3  }
0x128: {  	v8 =	vmul.u32 $0x30, v8  }
0x129: {  	v7 =	vand.u32 $0x7, v7  }
0x12a: {  	v7 =	vor.u32 v7, v8  }
0x12b: {  	v8 =	vperm.xlane v7, v4;
	_ =	sdelay $0x1  }
0x12c: {  	v8 =	vadd.s32 v5, v8;
	_ =	sdelay $0x3  }
0x12d: {  	s19 =	simm.s32 $0xF180;
	v7 =	vperm.xlane v7, v6  }
0x12e: {  	[tilespmem:s19], [sflag:$0x2] =	stream.indirect_vreg.gather [hbm4b:s3+s2], $0x80, v8, vm0, $0xb8;
	[tilespmem:$0x18200] =	vst v63  }
0x12f: {  	s29 =	simm.s32 $0xF980;
	v7 =	vadd.s32 v5, v7  }
0x130: {  	[tilespmem:s29], [sflag:$0x2] =	stream.indirect_vreg.gather [hbm4b:s12+s2], $0x80, v8, vm0, $0xb8;
	[tilespmem:$0x18200] =	vst v63  }
0x131: {  	s30 =	simm.s32 $0x10180  }
0x132: {  	[tilespmem:s30], [sflag:$0x2] =	stream.indirect_vreg.gather [hbm4b:s17+s2], $0x80, v8, vm0, $0xb8;
	[tilespmem:$0x18200] =	vst v63  }
0x133: {  	s8 =	simm.s32 $0x10980  }
0x134: {  	[tilespmem:s8], [sflag:$0x2] =	stream.indirect_vreg.gather [hbm4b:s3+s2], $0x80, v7, vm0, $0xb8;
	[tilespmem:$0x18200] =	vst v63  }
0x135: {  	s11 =	simm.s32 $0x11180  }
0x136: {  	[tilespmem:s11], [sflag:$0x2] =	stream.indirect_vreg.gather [hbm4b:s12+s2], $0x80, v7, vm0, $0xb8;
	[tilespmem:$0x18200] =	vst v63  }
0x137: {  	s25 =	simm.s32 $0x11980  }
0x138: {  	[tilespmem:s25], [sflag:$0x2] =	stream.indirect_vreg.gather [hbm4b:s17+s2], $0x80, v7, vm0, $0xb8;
	[tilespmem:$0x18200] =	vst v63  }
0x139: {  	v7 =	vld [tilespmem:$0xE0];
	_ =	sdelay $0x4  }
0x13a: {  	v8 =	vshrl.u32 v7, $0x3  }
0x13b: {  	v8 =	vmul.u32 $0x30, v8  }
0x13c: {  	v7 =	vand.u32 $0x7, v7  }
0x13d: {  	v7 =	vor.u32 v7, v8  }
0x13e: {  	v8 =	vperm.xlane v7, v4;
	_ =	sdelay $0x1  }
0x13f: {  	v8 =	vadd.s32 v5, v8;
	_ =	sdelay $0x3  }
0x140: {  	s31 =	simm.s32 $0x12180;
	v7 =	vperm.xlane v7, v6  }
0x141: {  	[tilespmem:s31], [sflag:$0x2] =	stream.indirect_vreg.gather [hbm4b:s3+s2], $0x80, v8, vm0, $0xb8;
	[tilespmem:$0x18200] =	vst v63  }
0x142: {  	s16 =	simm.s32 $0x12980;
	v7 =	vadd.s32 v5, v7  }
0x143: {  	[tilespmem:s16], [sflag:$0x2] =	stream.indirect_vreg.gather [hbm4b:s12+s2], $0x80, v8, vm0, $0xb8;
	[tilespmem:$0x18200] =	vst v63  }
0x144: {  	s18 =	simm.s32 $0x13180  }
0x145: {  	[tilespmem:s18], [sflag:$0x2] =	stream.indirect_vreg.gather [hbm4b:s17+s2], $0x80, v8, vm0, $0xb8;
	[tilespmem:$0x18200] =	vst v63  }
0x146: {  	s19 =	simm.s32 $0x13980  }
0x147: {  	[tilespmem:s19], [sflag:$0x2] =	stream.indirect_vreg.gather [hbm4b:s3+s2], $0x80, v7, vm0, $0xb8;
	[tilespmem:$0x18200] =	vst v63  }
0x148: {  	s23 =	simm.s32 $0x14180  }
0x149: {  	[tilespmem:s23], [sflag:$0x2] =	stream.indirect_vreg.gather [hbm4b:s12+s2], $0x80, v7, vm0, $0xb8;
	[tilespmem:$0x18200] =	vst v63  }
0x14a: {  	s25 =	simm.s32 $0x14980  }
0x14b: {  	[tilespmem:s25], [sflag:$0x2] =	stream.indirect_vreg.gather [hbm4b:s17+s2], $0x80, v7, vm0, $0xb8;
	[tilespmem:$0x18200] =	vst v63  }
0x14c: {  	v7 =	vld [tilespmem:$0xF0];
	_ =	sdelay $0x4  }
0x14d: {  	v8 =	vshrl.u32 v7, $0x3  }
0x14e: {  	v8 =	vmul.u32 $0x30, v8  }
0x14f: {  	v7 =	vand.u32 $0x7, v7  }
0x150: {  	v7 =	vor.u32 v7, v8  }
0x151: {  	v8 =	vperm.xlane v7, v4;
	_ =	sdelay $0x1  }
0x152: {  	v8 =	vadd.s32 v5, v8;
	_ =	sdelay $0x3  }
0x153: {  	s26 =	simm.s32 $0x15180;
	v7 =	vperm.xlane v7, v6  }
0x154: {  	[tilespmem:s26], [sflag:$0x2] =	stream.indirect_vreg.gather [hbm4b:s3+s2], $0x80, v8, vm0, $0xb8;
	[tilespmem:$0x18200] =	vst v63  }
0x155: {  	s28 =	simm.s32 $0x15980;
	v7 =	vadd.s32 v5, v7  }
0x156: {  	[tilespmem:s28], [sflag:$0x2] =	stream.indirect_vreg.gather [hbm4b:s12+s2], $0x80, v8, vm0, $0xb8;
	[tilespmem:$0x18200] =	vst v63  }
0x157: {  	s29 =	simm.s32 $0x16180  }
0x158: {  	[tilespmem:s29], [sflag:$0x2] =	stream.indirect_vreg.gather [hbm4b:s17+s2], $0x80, v8, vm0, $0xb8;
	[tilespmem:$0x18200] =	vst v63  }
0x159: {  	s30 =	simm.s32 $0x16980  }
0x15a: {  	[tilespmem:s30], [sflag:$0x2] =	stream.indirect_vreg.gather [hbm4b:s3+s2], $0x80, v7, vm0, $0xb8;
	[tilespmem:$0x18200] =	vst v63  }
0x15b: {  	s31 =	simm.s32 $0x17180  }
0x15c: {  	[tilespmem:s31], [sflag:$0x2] =	stream.indirect_vreg.gather [hbm4b:s12+s2], $0x80, v7, vm0, $0xb8;
	[tilespmem:$0x18200] =	vst v63  }
0x15d: {  	s8 =	simm.s32 $0x17980  }
0x15e: {  	[tilespmem:s8], [sflag:$0x2] =	stream.indirect_vreg.gather [hbm4b:s17+s2], $0x80, v7, vm0, $0xb8;
	[tilespmem:$0x18200] =	vst v63  }
0x15f: {  	_ =	swait.ge [sflag:s4], $0xC000  }
0x160: {  	[sflag:s4] =	ssyncset.done $0x0  }
0x161: {  	s11 =	sadd.s32 $0x3000, s7;
	s16 =	simm.s32 $0x180;
	[sflag:s4] =	ssyncadd.s32 $0xFFFF4000  }
0x162: {  	[hbm4b:s11+s2] =	stream.linear.scatter [tilespmem:s16], [sflag:$0x3], $0xC000, $0x38;
	[tilespmem:$0x18200] =	vst v63  }
0x163: {  	_ =	swait.ge [sflag:s6], $0xC000  }
0x164: {  	[sflag:s6] =	ssyncset.done $0x0  }
0x165: {  	[sflag:s6] =	ssyncadd.s32 $0xFFFF4000  }
0x166: {  	v7 =	vld [tilespmem:$0x100];
	_ =	sdelay $0x4  }
0x167: {  	v8 =	vshrl.u32 v7, $0x3  }
0x168: {  	v8 =	vmul.u32 $0x30, v8  }
0x169: {  	v7 =	vand.u32 $0x7, v7  }
0x16a: {  	v7 =	vor.u32 v7, v8  }
0x16b: {  	v8 =	vperm.xlane v7, v4;
	_ =	sdelay $0x1  }
0x16c: {  	v8 =	vadd.s32 v5, v8;
	_ =	sdelay $0x3  }
0x16d: {  	v7 =	vperm.xlane v7, v6  }
0x16e: {  	[tilespmem:s16], [sflag:$0x1] =	stream.indirect_vreg.gather [hbm4b:s3+s2], $0x80, v8, vm0, $0xb8;
	[tilespmem:$0x18200] =	vst v63  }
0x16f: {  	s18 =	simm.s32 $0x980;
	v7 =	vadd.s32 v5, v7  }
0x170: {  	[tilespmem:s18], [sflag:$0x1] =	stream.indirect_vreg.gather [hbm4b:s12+s2], $0x80, v8, vm0, $0xb8;
	[tilespmem:$0x18200] =	vst v63  }
0x171: {  	s15 =	simm.s32 $0x1180  }
0x172: {  	[tilespmem:s15], [sflag:$0x1] =	stream.indirect_vreg.gather [hbm4b:s17+s2], $0x80, v8, vm0, $0xb8;
	[tilespmem:$0x18200] =	vst v63  }
0x173: {  	s26 =	simm.s32 $0x1980  }
0x174: {  	[tilespmem:s26], [sflag:$0x1] =	stream.indirect_vreg.gather [hbm4b:s3+s2], $0x80, v7, vm0, $0xb8;
	[tilespmem:$0x18200] =	vst v63  }
0x175: {  	s28 =	simm.s32 $0x2180  }
0x176: {  	[tilespmem:s28], [sflag:$0x1] =	stream.indirect_vreg.gather [hbm4b:s12+s2], $0x80, v7, vm0, $0xb8;
	[tilespmem:$0x18200] =	vst v63  }
0x177: {  	s22 =	simm.s32 $0x2980  }
0x178: {  	[tilespmem:s22], [sflag:$0x1] =	stream.indirect_vreg.gather [hbm4b:s17+s2], $0x80, v7, vm0, $0xb8;
	[tilespmem:$0x18200] =	vst v63  }
0x179: {  	v7 =	vld [tilespmem:$0x110];
	_ =	sdelay $0x4  }
0x17a: {  	v8 =	vshrl.u32 v7, $0x3  }
0x17b: {  	v8 =	vmul.u32 $0x30, v8  }
0x17c: {  	v7 =	vand.u32 $0x7, v7  }
0x17d: {  	v7 =	vor.u32 v7, v8  }
0x17e: {  	v8 =	vperm.xlane v7, v4;
	_ =	sdelay $0x1  }
0x17f: {  	v8 =	vadd.s32 v5, v8;
	_ =	sdelay $0x3  }
0x180: {  	s29 =	simm.s32 $0x3180;
	v7 =	vperm.xlane v7, v6  }
0x181: {  	[tilespmem:s29], [sflag:$0x1] =	stream.indirect_vreg.gather [hbm4b:s3+s2], $0x80, v8, vm0, $0xb8;
	[tilespmem:$0x18200] =	vst v63  }
0x182: {  	s24 =	simm.s32 $0x3980;
	v7 =	vadd.s32 v5, v7  }
0x183: {  	[tilespmem:s24], [sflag:$0x1] =	stream.indirect_vreg.gather [hbm4b:s12+s2], $0x80, v8, vm0, $0xb8;
	[tilespmem:$0x18200] =	vst v63  }
0x184: {  	s31 =	simm.s32 $0x4180  }
0x185: {  	[tilespmem:s31], [sflag:$0x1] =	stream.indirect_vreg.gather [hbm4b:s17+s2], $0x80, v8, vm0, $0xb8;
	[tilespmem:$0x18200] =	vst v63  }
0x186: {  	s23 =	simm.s32 $0x4980  }
0x187: {  	[tilespmem:s23], [sflag:$0x1] =	stream.indirect_vreg.gather [hbm4b:s3+s2], $0x80, v7, vm0, $0xb8;
	[tilespmem:$0x18200] =	vst v63  }
0x188: {  	s0 =	simm.s32 $0x5180  }
0x189: {  	[tilespmem:s0], [sflag:$0x1] =	stream.indirect_vreg.gather [hbm4b:s12+s2], $0x80, v7, vm0, $0xb8;
	[tilespmem:$0x18200] =	vst v63  }
0x18a: {  	s30 =	simm.s32 $0x5980  }
0x18b: {  	[tilespmem:s30], [sflag:$0x1] =	stream.indirect_vreg.gather [hbm4b:s17+s2], $0x80, v7, vm0, $0xb8;
	[tilespmem:$0x18200] =	vst v63  }
0x18c: {  	v7 =	vld [tilespmem:$0x120];
	_ =	sdelay $0x4  }
0x18d: {  	v8 =	vshrl.u32 v7, $0x3  }
0x18e: {  	v8 =	vmul.u32 $0x30, v8  }
0x18f: {  	v7 =	vand.u32 $0x7, v7  }
0x190: {  	v7 =	vor.u32 v7, v8  }
0x191: {  	v8 =	vperm.xlane v7, v4;
	_ =	sdelay $0x1  }
0x192: {  	v8 =	vadd.s32 v5, v8;
	_ =	sdelay $0x3  }
0x193: {  	v7 =	vperm.xlane v7, v6  }
0x194: {  	[tilespmem:s10], [sflag:$0x1] =	stream.indirect_vreg.gather [hbm4b:s3+s2], $0x80, v8, vm0, $0xb8;
	[tilespmem:$0x18200] =	vst v63  }
0x195: {  	s21 =	simm.s32 $0x6980;
	v7 =	vadd.s32 v5, v7  }
0x196: {  	[tilespmem:s21], [sflag:$0x1] =	stream.indirect_vreg.gather [hbm4b:s12+s2], $0x80, v8, vm0, $0xb8;
	[tilespmem:$0x18200] =	vst v63  }
0x197: {  	s22 =	simm.s32 $0x7180  }
0x198: {  	[tilespmem:s22], [sflag:$0x1] =	stream.indirect_vreg.gather [hbm4b:s17+s2], $0x80, v8, vm0, $0xb8;
	[tilespmem:$0x18200] =	vst v63  }
0x199: {  	_ = 	snop  }
0x19a: {  	[tilespmem:s13], [sflag:$0x1] =	stream.indirect_vreg.gather [hbm4b:s3+s2], $0x80, v7, vm0, $0xb8;
	[tilespmem:$0x18200] =	vst v63  }
0x19b: {  	_ = 	snop  }
0x19c: {  	[tilespmem:s14], [sflag:$0x1] =	stream.indirect_vreg.gather [hbm4b:s12+s2], $0x80, v7, vm0, $0xb8;
	[tilespmem:$0x18200] =	vst v63  }
0x19d: {  	s24 =	simm.s32 $0x8980  }
0x19e: {  	[tilespmem:s24], [sflag:$0x1] =	stream.indirect_vreg.gather [hbm4b:s17+s2], $0x80, v7, vm0, $0xb8;
	[tilespmem:$0x18200] =	vst v63  }
0x19f: {  	v7 =	vld [tilespmem:$0x130];
	_ =	sdelay $0x4  }
0x1a0: {  	v8 =	vshrl.u32 v7, $0x3  }
0x1a1: {  	v8 =	vmul.u32 $0x30, v8  }
0x1a2: {  	v7 =	vand.u32 $0x7, v7  }
0x1a3: {  	v7 =	vor.u32 v7, v8  }
0x1a4: {  	v8 =	vperm.xlane v7, v4;
	_ =	sdelay $0x1  }
0x1a5: {  	v8 =	vadd.s32 v5, v8;
	_ =	sdelay $0x3  }
0x1a6: {  	v7 =	vperm.xlane v7, v6  }
0x1a7: {  	[tilespmem:s20], [sflag:$0x1] =	stream.indirect_vreg.gather [hbm4b:s3+s2], $0x80, v8, vm0, $0xb8;
	[tilespmem:$0x18200] =	vst v63  }
0x1a8: {  	s10 =	simm.s32 $0x9980;
	v7 =	vadd.s32 v5, v7  }
0x1a9: {  	[tilespmem:s10], [sflag:$0x1] =	stream.indirect_vreg.gather [hbm4b:s12+s2], $0x80, v8, vm0, $0xb8;
	[tilespmem:$0x18200] =	vst v63  }
0x1aa: {  	s21 =	simm.s32 $0xA180  }
0x1ab: {  	[tilespmem:s21], [sflag:$0x1] =	stream.indirect_vreg.gather [hbm4b:s17+s2], $0x80, v8, vm0, $0xb8;
	[tilespmem:$0x18200] =	vst v63  }
0x1ac: {  	_ = 	snop  }
0x1ad: {  	[tilespmem:s1], [sflag:$0x1] =	stream.indirect_vreg.gather [hbm4b:s3+s2], $0x80, v7, vm0, $0xb8;
	[tilespmem:$0x18200] =	vst v63  }
0x1ae: {  	_ = 	snop  }
0x1af: {  	[tilespmem:s9], [sflag:$0x1] =	stream.indirect_vreg.gather [hbm4b:s12+s2], $0x80, v7, vm0, $0xb8;
	[tilespmem:$0x18200] =	vst v63  }
0x1b0: {  	s11 =	simm.s32 $0xB980  }
0x1b1: {  	[tilespmem:s11], [sflag:$0x1] =	stream.indirect_vreg.gather [hbm4b:s17+s2], $0x80, v7, vm0, $0xb8;
	[tilespmem:$0x18200] =	vst v63  }
0x1b2: {  	s17 =	simm.s32 $0x2  }
0x1b3: {  	_ =	swait.ge [sflag:s17], $0xC000  }
0x1b4: {  	[sflag:s17] =	ssyncset.done $0x0  }
0x1b5: {  	s15 =	simm.s32 $0xC180;
	[sflag:s17] =	ssyncadd.s32 $0xFFFF4000;
	s17 =	sadd.s32 $0x4800, s7  }
0x1b6: {  	[hbm4b:s17+s2] =	stream.linear.scatter [tilespmem:s15], [sflag:$0x3], $0xC000, $0x38;
	[tilespmem:$0x18200] =	vst v63  }
0x1b7: {  	_ =	swait.ge [sflag:s6], $0xC000  }
0x1b8: {  	[sflag:s6] =	ssyncset.done $0x0  }
0x1b9: {  	[sflag:s6] =	ssyncadd.s32 $0xFFFF4000  }
0x1ba: {  	_ =	swait.ge [sflag:s4], $0xC000  }
0x1bb: {  	[sflag:s4] =	ssyncset.done $0x0  }
0x1bc: {  	[sflag:s4] =	ssyncadd.s32 $0xFFFF4000  }
0x1bd: {  	v7 =	vld [tilespmem:$0x18180];
	_ =	sdelay $0x4  }
0x1be: {  	v8 =	vshrl.u32 v7, $0x3  }
0x1bf: {  	v8 =	vmul.u32 $0x30, v8  }
0x1c0: {  	v7 =	vand.u32 $0x7, v7  }
0x1c1: {  	v7 =	vor.u32 v7, v8  }
0x1c2: {  	v8 =	vperm.xlane v7, v4;
	_ =	sdelay $0x1  }
0x1c3: {  	v8 =	vadd.s32 v5, v8;
	_ =	sdelay $0x3  }
0x1c4: {  	s8 =	simm.s32 $0x180;
	v7 =	vperm.xlane v7, v6  }
0x1c5: {  	[hbm4b:s7+s2] =	stream.indirect_vreg.scatter [tilespmem:s8], [sflag:$0x1], $0x80, v8, vm0, $0xb8;
	[tilespmem:$0x18200] =	vst v63  }
0x1c6: {  	s17 =	sadd.s32 $0x100, s7;
	v7 =	vadd.s32 v5, v7  }
0x1c7: {  	[hbm4b:s17+s2] =	stream.indirect_vreg.scatter [tilespmem:s18], [sflag:$0x1], $0x80, v8, vm0, $0xb8;
	[tilespmem:$0x18200] =	vst v63  }
0x1c8: {  	s16 =	simm.s32 $0x1180;
	s18 =	sadd.s32 $0x200, s7  }
0x1c9: {  	[hbm4b:s18+s2] =	stream.indirect_vreg.scatter [tilespmem:s16], [sflag:$0x1], $0x80, v8, vm0, $0xb8;
	[tilespmem:$0x18200] =	vst v63  }
0x1ca: {  	_ = 	snop  }
0x1cb: {  	[hbm4b:s7+s2] =	stream.indirect_vreg.scatter [tilespmem:s26], [sflag:$0x1], $0x80, v7, vm0, $0xb8;
	[tilespmem:$0x18200] =	vst v63  }
0x1cc: {  	_ = 	snop  }
0x1cd: {  	[hbm4b:s17+s2] =	stream.indirect_vreg.scatter [tilespmem:s28], [sflag:$0x1], $0x80, v7, vm0, $0xb8;
	[tilespmem:$0x18200] =	vst v63  }
0x1ce: {  	s16 =	simm.s32 $0x2980  }
0x1cf: {  	[hbm4b:s18+s2] =	stream.indirect_vreg.scatter [tilespmem:s16], [sflag:$0x1], $0x80, v7, vm0, $0xb8;
	[tilespmem:$0x18200] =	vst v63  }
0x1d0: {  	v7 =	vld [tilespmem:$0x18190];
	_ =	sdelay $0x4  }
0x1d1: {  	v8 =	vshrl.u32 v7, $0x3  }
0x1d2: {  	v8 =	vmul.u32 $0x30, v8  }
0x1d3: {  	v7 =	vand.u32 $0x7, v7  }
0x1d4: {  	v7 =	vor.u32 v7, v8  }
0x1d5: {  	v8 =	vperm.xlane v7, v4;
	_ =	sdelay $0x1  }
0x1d6: {  	v8 =	vadd.s32 v5, v8;
	_ =	sdelay $0x3  }
0x1d7: {  	v7 =	vperm.xlane v7, v6  }
0x1d8: {  	[hbm4b:s7+s2] =	stream.indirect_vreg.scatter [tilespmem:s29], [sflag:$0x1], $0x80, v8, vm0, $0xb8;
	[tilespmem:$0x18200] =	vst v63  }
0x1d9: {  	s16 =	simm.s32 $0x3980;
	v7 =	vadd.s32 v5, v7  }
0x1da: {  	[hbm4b:s17+s2] =	stream.indirect_vreg.scatter [tilespmem:s16], [sflag:$0x1], $0x80, v8, vm0, $0xb8;
	[tilespmem:$0x18200] =	vst v63  }
0x1db: {  	_ = 	snop  }
0x1dc: {  	[hbm4b:s18+s2] =	stream.indirect_vreg.scatter [tilespmem:s31], [sflag:$0x1], $0x80, v8, vm0, $0xb8;
	[tilespmem:$0x18200] =	vst v63  }
0x1dd: {  	_ = 	snop  }
0x1de: {  	[hbm4b:s7+s2] =	stream.indirect_vreg.scatter [tilespmem:s23], [sflag:$0x1], $0x80, v7, vm0, $0xb8;
	[tilespmem:$0x18200] =	vst v63  }
0x1df: {  	_ = 	snop  }
0x1e0: {  	[hbm4b:s17+s2] =	stream.indirect_vreg.scatter [tilespmem:s0], [sflag:$0x1], $0x80, v7, vm0, $0xb8;
	[tilespmem:$0x18200] =	vst v63  }
0x1e1: {  	_ = 	snop  }
0x1e2: {  	[hbm4b:s18+s2] =	stream.indirect_vreg.scatter [tilespmem:s30], [sflag:$0x1], $0x80, v7, vm0, $0xb8;
	[tilespmem:$0x18200] =	vst v63  }
0x1e3: {  	v7 =	vld [tilespmem:$0x181A0];
	_ =	sdelay $0x4  }
0x1e4: {  	v8 =	vshrl.u32 v7, $0x3  }
0x1e5: {  	v8 =	vmul.u32 $0x30, v8  }
0x1e6: {  	v7 =	vand.u32 $0x7, v7  }
0x1e7: {  	v7 =	vor.u32 v7, v8  }
0x1e8: {  	v8 =	vperm.xlane v7, v4;
	_ =	sdelay $0x1  }
0x1e9: {  	v8 =	vadd.s32 v5, v8;
	_ =	sdelay $0x3  }
0x1ea: {  	s19 =	simm.s32 $0x6180;
	v7 =	vperm.xlane v7, v6  }
0x1eb: {  	[hbm4b:s7+s2] =	stream.indirect_vreg.scatter [tilespmem:s19], [sflag:$0x1], $0x80, v8, vm0, $0xb8;
	[tilespmem:$0x18200] =	vst v63  }
0x1ec: {  	s25 =	simm.s32 $0x6980;
	v7 =	vadd.s32 v5, v7  }
0x1ed: {  	[hbm4b:s17+s2] =	stream.indirect_vreg.scatter [tilespmem:s25], [sflag:$0x1], $0x80, v8, vm0, $0xb8;
	[tilespmem:$0x18200] =	vst v63  }
0x1ee: {  	_ = 	snop  }
0x1ef: {  	[hbm4b:s18+s2] =	stream.indirect_vreg.scatter [tilespmem:s22], [sflag:$0x1], $0x80, v8, vm0, $0xb8;
	[tilespmem:$0x18200] =	vst v63  }
0x1f0: {  	s13 =	simm.s32 $0x7980  }
0x1f1: {  	[hbm4b:s7+s2] =	stream.indirect_vreg.scatter [tilespmem:s13], [sflag:$0x1], $0x80, v7, vm0, $0xb8;
	[tilespmem:$0x18200] =	vst v63  }
0x1f2: {  	s14 =	simm.s32 $0x8180  }
0x1f3: {  	[hbm4b:s17+s2] =	stream.indirect_vreg.scatter [tilespmem:s14], [sflag:$0x1], $0x80, v7, vm0, $0xb8;
	[tilespmem:$0x18200] =	vst v63  }
0x1f4: {  	_ = 	snop  }
0x1f5: {  	[hbm4b:s18+s2] =	stream.indirect_vreg.scatter [tilespmem:s24], [sflag:$0x1], $0x80, v7, vm0, $0xb8;
	[tilespmem:$0x18200] =	vst v63  }
0x1f6: {  	v7 =	vld [tilespmem:$0x181B0];
	_ =	sdelay $0x4  }
0x1f7: {  	v8 =	vshrl.u32 v7, $0x3  }
0x1f8: {  	v8 =	vmul.u32 $0x30, v8  }
0x1f9: {  	v7 =	vand.u32 $0x7, v7  }
0x1fa: {  	v7 =	vor.u32 v7, v8  }
0x1fb: {  	v8 =	vperm.xlane v7, v4;
	_ =	sdelay $0x1  }
0x1fc: {  	v8 =	vadd.s32 v5, v8;
	_ =	sdelay $0x3  }
0x1fd: {  	s20 =	simm.s32 $0x9180;
	v7 =	vperm.xlane v7, v6  }
0x1fe: {  	[hbm4b:s7+s2] =	stream.indirect_vreg.scatter [tilespmem:s20], [sflag:$0x1], $0x80, v8, vm0, $0xb8;
	[tilespmem:$0x18200] =	vst v63  }
0x1ff: {  	v7 =	vadd.s32 v5, v7  }
0x200: {  	[hbm4b:s17+s2] =	stream.indirect_vreg.scatter [tilespmem:s10], [sflag:$0x1], $0x80, v8, vm0, $0xb8;
	[tilespmem:$0x18200] =	vst v63  }
0x201: {  	_ = 	snop  }
0x202: {  	[hbm4b:s18+s2] =	stream.indirect_vreg.scatter [tilespmem:s21], [sflag:$0x1], $0x80, v8, vm0, $0xb8;
	[tilespmem:$0x18200] =	vst v63  }
0x203: {  	s1 =	simm.s32 $0xA980  }
0x204: {  	[hbm4b:s7+s2] =	stream.indirect_vreg.scatter [tilespmem:s1], [sflag:$0x1], $0x80, v7, vm0, $0xb8;
	[tilespmem:$0x18200] =	vst v63  }
0x205: {  	s9 =	simm.s32 $0xB180  }
0x206: {  	[hbm4b:s17+s2] =	stream.indirect_vreg.scatter [tilespmem:s9], [sflag:$0x1], $0x80, v7, vm0, $0xb8;
	[tilespmem:$0x18200] =	vst v63  }
0x207: {  	_ = 	snop  }
0x208: {  	[hbm4b:s18+s2] =	stream.indirect_vreg.scatter [tilespmem:s11], [sflag:$0x1], $0x80, v7, vm0, $0xb8;
	[tilespmem:$0x18200] =	vst v63  }
0x209: {  	_ =	swait.ge [sflag:s4], $0xC000  }
0x20a: {  	[sflag:s4] =	ssyncset.done $0x0  }
0x20b: {  	s7 =	rddreg [dreg:$0x6];
	[sflag:s4] =	ssyncadd.s32 $0xFFFF4000  }
0x20c: {  	[tilespmem:s2], [sflag:$0x3] =	stream.linear.gather [hbm4b:s7+s2], $0x80, $0x38;
	[tilespmem:$0x18200] =	vst v63  }
0x20d: {  	_ =	swait.ge [sflag:s6], $0x80  }
0x20e: {  	[sflag:s6] =	ssyncset.done $0x0  }
0x20f: {  	s18 =	simm.s32 $0x80;
	s11 =	rddreg [dreg:$0x7];
	[sflag:s6] =	ssyncadd.s32 $0xFFFFFF80  }
0x210: {  	[tilespmem:s18], [sflag:$0x3] =	stream.linear.gather [hbm4b:s11+s2], $0x80, $0x38;
	[tilespmem:$0x18200] =	vst v63  }
0x211: {  	_ =	swait.ge [sflag:s6], $0x80  }
0x212: {  	[sflag:s6] =	ssyncset.done $0x0  }
0x213: {  	s7 =	simm.s32 $0x100;
	s21 =	rddreg [dreg:$0x8];
	[sflag:s6] =	ssyncadd.s32 $0xFFFFFF80  }
0x214: {  	[tilespmem:s7], [sflag:$0x3] =	stream.linear.gather [hbm4b:s21+s2], $0x80, $0x38;
	[tilespmem:$0x18200] =	vst v63  }
0x215: {  	_ =	swait.ge [sflag:s6], $0x80  }
0x216: {  	[sflag:s6] =	ssyncset.done $0x0  }
0x217: {  	[sflag:s6] =	ssyncadd.s32 $0xFFFFFF80  }
0x218: {  	v7 =	vld [tilespmem:$0x0];
	_ =	sdelay $0x4  }
0x219: {  	v8 =	vshrl.u32 v7, $0x3  }
0x21a: {  	v8 =	vmul.u32 $0x30, v8  }
0x21b: {  	v7 =	vand.u32 $0x7, v7  }
0x21c: {  	v7 =	vor.u32 v7, v8  }
0x21d: {  	v8 =	vperm.xlane v7, v4;
	_ =	sdelay $0x1  }
0x21e: {  	v8 =	vadd.s32 v5, v8;
	_ =	sdelay $0x3  }
0x21f: {  	s18 =	simm.s32 $0x180;
	v7 =	vperm.xlane v7, v6  }
0x220: {  	[tilespmem:s18], [sflag:$0x1] =	stream.indirect_vreg.gather [hbm4b:s5+s2], $0x80, v8, vm0, $0xb8;
	[tilespmem:$0x18200] =	vst v63  }
0x221: {  	s8 =	simm.s32 $0x980;
	s17 =	sadd.s32 $0x100, s5;
	v7 =	vadd.s32 v5, v7  }
0x222: {  	[tilespmem:s8], [sflag:$0x1] =	stream.indirect_vreg.gather [hbm4b:s17+s2], $0x80, v8, vm0, $0xb8;
	[tilespmem:$0x18200] =	vst v63  }
0x223: {  	s21 =	simm.s32 $0x1180;
	s18 =	sadd.s32 $0x200, s5  }
0x224: {  	[tilespmem:s21], [sflag:$0x1] =	stream.indirect_vreg.gather [hbm4b:s18+s2], $0x80, v8, vm0, $0xb8;
	[tilespmem:$0x18200] =	vst v63  }
0x225: {  	s26 =	simm.s32 $0x1980  }
0x226: {  	[tilespmem:s26], [sflag:$0x1] =	stream.indirect_vreg.gather [hbm4b:s5+s2], $0x80, v7, vm0, $0xb8;
	[tilespmem:$0x18200] =	vst v63  }
0x227: {  	s28 =	simm.s32 $0x2180  }
0x228: {  	[tilespmem:s28], [sflag:$0x1] =	stream.indirect_vreg.gather [hbm4b:s17+s2], $0x80, v7, vm0, $0xb8;
	[tilespmem:$0x18200] =	vst v63  }
0x229: {  	s8 =	simm.s32 $0x2980  }
0x22a: {  	[tilespmem:s8], [sflag:$0x1] =	stream.indirect_vreg.gather [hbm4b:s18+s2], $0x80, v7, vm0, $0xb8;
	[tilespmem:$0x18200] =	vst v63  }
0x22b: {  	v7 =	vld [tilespmem:$0x10];
	_ =	sdelay $0x4  }
0x22c: {  	v8 =	vshrl.u32 v7, $0x3  }
0x22d: {  	v8 =	vmul.u32 $0x30, v8  }
0x22e: {  	v7 =	vand.u32 $0x7, v7  }
0x22f: {  	v7 =	vor.u32 v7, v8  }
0x230: {  	v8 =	vperm.xlane v7, v4;
	_ =	sdelay $0x1  }
0x231: {  	v8 =	vadd.s32 v5, v8;
	_ =	sdelay $0x3  }
0x232: {  	s29 =	simm.s32 $0x3180;
	v7 =	vperm.xlane v7, v6  }
0x233: {  	[tilespmem:s29], [sflag:$0x1] =	stream.indirect_vreg.gather [hbm4b:s5+s2], $0x80, v8, vm0, $0xb8;
	[tilespmem:$0x18200] =	vst v63  }
0x234: {  	s11 =	simm.s32 $0x3980;
	v7 =	vadd.s32 v5, v7  }
0x235: {  	[tilespmem:s11], [sflag:$0x1] =	stream.indirect_vreg.gather [hbm4b:s17+s2], $0x80, v8, vm0, $0xb8;
	[tilespmem:$0x18200] =	vst v63  }
0x236: {  	s31 =	simm.s32 $0x4180  }
0x237: {  	[tilespmem:s31], [sflag:$0x1] =	stream.indirect_vreg.gather [hbm4b:s18+s2], $0x80, v8, vm0, $0xb8;
	[tilespmem:$0x18200] =	vst v63  }
0x238: {  	s23 =	simm.s32 $0x4980  }
0x239: {  	[tilespmem:s23], [sflag:$0x1] =	stream.indirect_vreg.gather [hbm4b:s5+s2], $0x80, v7, vm0, $0xb8;
	[tilespmem:$0x18200] =	vst v63  }
0x23a: {  	s15 =	simm.s32 $0x5180  }
0x23b: {  	[tilespmem:s15], [sflag:$0x1] =	stream.indirect_vreg.gather [hbm4b:s17+s2], $0x80, v7, vm0, $0xb8;
	[tilespmem:$0x18200] =	vst v63  }
0x23c: {  	s30 =	simm.s32 $0x5980  }
0x23d: {  	[tilespmem:s30], [sflag:$0x1] =	stream.indirect_vreg.gather [hbm4b:s18+s2], $0x80, v7, vm0, $0xb8;
	[tilespmem:$0x18200] =	vst v63  }
0x23e: {  	v7 =	vld [tilespmem:$0x20];
	_ =	sdelay $0x4  }
0x23f: {  	v8 =	vshrl.u32 v7, $0x3  }
0x240: {  	v8 =	vmul.u32 $0x30, v8  }
0x241: {  	v7 =	vand.u32 $0x7, v7  }
0x242: {  	v7 =	vor.u32 v7, v8  }
0x243: {  	v8 =	vperm.xlane v7, v4;
	_ =	sdelay $0x1  }
0x244: {  	v8 =	vadd.s32 v5, v8;
	_ =	sdelay $0x3  }
0x245: {  	s19 =	simm.s32 $0x6180;
	v7 =	vperm.xlane v7, v6  }
0x246: {  	[tilespmem:s19], [sflag:$0x1] =	stream.indirect_vreg.gather [hbm4b:s5+s2], $0x80, v8, vm0, $0xb8;
	[tilespmem:$0x18200] =	vst v63  }
0x247: {  	s25 =	simm.s32 $0x6980;
	v7 =	vadd.s32 v5, v7  }
0x248: {  	[tilespmem:s25], [sflag:$0x1] =	stream.indirect_vreg.gather [hbm4b:s17+s2], $0x80, v8, vm0, $0xb8;
	[tilespmem:$0x18200] =	vst v63  }
0x249: {  	s16 =	simm.s32 $0x7180  }
0x24a: {  	[tilespmem:s16], [sflag:$0x1] =	stream.indirect_vreg.gather [hbm4b:s18+s2], $0x80, v8, vm0, $0xb8;
	[tilespmem:$0x18200] =	vst v63  }
0x24b: {  	s22 =	simm.s32 $0x7980  }
0x24c: {  	[tilespmem:s22], [sflag:$0x1] =	stream.indirect_vreg.gather [hbm4b:s5+s2], $0x80, v7, vm0, $0xb8;
	[tilespmem:$0x18200] =	vst v63  }
0x24d: {  	s14 =	simm.s32 $0x8180  }
0x24e: {  	[tilespmem:s14], [sflag:$0x1] =	stream.indirect_vreg.gather [hbm4b:s17+s2], $0x80, v7, vm0, $0xb8;
	[tilespmem:$0x18200] =	vst v63  }
0x24f: {  	s13 =	simm.s32 $0x8980  }
0x250: {  	[tilespmem:s13], [sflag:$0x1] =	stream.indirect_vreg.gather [hbm4b:s18+s2], $0x80, v7, vm0, $0xb8;
	[tilespmem:$0x18200] =	vst v63  }
0x251: {  	v7 =	vld [tilespmem:$0x30];
	_ =	sdelay $0x4  }
0x252: {  	v8 =	vshrl.u32 v7, $0x3  }
0x253: {  	v8 =	vmul.u32 $0x30, v8  }
0x254: {  	v7 =	vand.u32 $0x7, v7  }
0x255: {  	v7 =	vor.u32 v7, v8  }
0x256: {  	v8 =	vperm.xlane v7, v4;
	_ =	sdelay $0x1  }
0x257: {  	v8 =	vadd.s32 v5, v8;
	_ =	sdelay $0x3  }
0x258: {  	s20 =	simm.s32 $0x9180;
	v7 =	vperm.xlane v7, v6  }
0x259: {  	[tilespmem:s20], [sflag:$0x1] =	stream.indirect_vreg.gather [hbm4b:s5+s2], $0x80, v8, vm0, $0xb8;
	[tilespmem:$0x18200] =	vst v63  }
0x25a: {  	s24 =	simm.s32 $0x9980;
	v7 =	vadd.s32 v5, v7  }
0x25b: {  	[tilespmem:s24], [sflag:$0x1] =	stream.indirect_vreg.gather [hbm4b:s17+s2], $0x80, v8, vm0, $0xb8;
	[tilespmem:$0x18200] =	vst v63  }
0x25c: {  	s10 =	simm.s32 $0xA180  }
0x25d: {  	[tilespmem:s10], [sflag:$0x1] =	stream.indirect_vreg.gather [hbm4b:s18+s2], $0x80, v8, vm0, $0xb8;
	[tilespmem:$0x18200] =	vst v63  }
0x25e: {  	s1 =	simm.s32 $0xA980  }
0x25f: {  	[tilespmem:s1], [sflag:$0x1] =	stream.indirect_vreg.gather [hbm4b:s5+s2], $0x80, v7, vm0, $0xb8;
	[tilespmem:$0x18200] =	vst v63  }
0x260: {  	s9 =	simm.s32 $0xB180  }
0x261: {  	[tilespmem:s9], [sflag:$0x1] =	stream.indirect_vreg.gather [hbm4b:s17+s2], $0x80, v7, vm0, $0xb8;
	[tilespmem:$0x18200] =	vst v63  }
0x262: {  	s0 =	simm.s32 $0xB980  }
0x263: {  	[tilespmem:s0], [sflag:$0x1] =	stream.indirect_vreg.gather [hbm4b:s18+s2], $0x80, v7, vm0, $0xb8;
	[tilespmem:$0x18200] =	vst v63  }
0x264: {  	v7 =	vld [tilespmem:$0x40];
	_ =	sdelay $0x4  }
0x265: {  	v8 =	vshrl.u32 v7, $0x3  }
0x266: {  	v8 =	vmul.u32 $0x30, v8  }
0x267: {  	v7 =	vand.u32 $0x7, v7  }
0x268: {  	v7 =	vor.u32 v7, v8  }
0x269: {  	v8 =	vperm.xlane v7, v4;
	_ =	sdelay $0x1  }
0x26a: {  	v8 =	vadd.s32 v5, v8;
	_ =	sdelay $0x3  }
0x26b: {  	s16 =	simm.s32 $0xC180;
	v7 =	vperm.xlane v7, v6  }
0x26c: {  	[tilespmem:s16], [sflag:$0x2] =	stream.indirect_vreg.gather [hbm4b:s5+s2], $0x80, v8, vm0, $0xb8;
	[tilespmem:$0x18200] =	vst v63  }
0x26d: {  	s11 =	simm.s32 $0xC980;
	v7 =	vadd.s32 v5, v7  }
0x26e: {  	[tilespmem:s11], [sflag:$0x2] =	stream.indirect_vreg.gather [hbm4b:s17+s2], $0x80, v8, vm0, $0xb8;
	[tilespmem:$0x18200] =	vst v63  }
0x26f: {  	s21 =	simm.s32 $0xD180  }
0x270: {  	[tilespmem:s21], [sflag:$0x2] =	stream.indirect_vreg.gather [hbm4b:s18+s2], $0x80, v8, vm0, $0xb8;
	[tilespmem:$0x18200] =	vst v63  }
0x271: {  	s24 =	simm.s32 $0xD980  }
0x272: {  	[tilespmem:s24], [sflag:$0x2] =	stream.indirect_vreg.gather [hbm4b:s5+s2], $0x80, v7, vm0, $0xb8;
	[tilespmem:$0x18200] =	vst v63  }
0x273: {  	s30 =	simm.s32 $0xE180  }
0x274: {  	[tilespmem:s30], [sflag:$0x2] =	stream.indirect_vreg.gather [hbm4b:s17+s2], $0x80, v7, vm0, $0xb8;
	[tilespmem:$0x18200] =	vst v63  }
0x275: {  	s28 =	simm.s32 $0xE980  }
0x276: {  	[tilespmem:s28], [sflag:$0x2] =	stream.indirect_vreg.gather [hbm4b:s18+s2], $0x80, v7, vm0, $0xb8;
	[tilespmem:$0x18200] =	vst v63  }
0x277: {  	v7 =	vld [tilespmem:$0x50];
	_ =	sdelay $0x4  }
0x278: {  	v8 =	vshrl.u32 v7, $0x3  }
0x279: {  	v8 =	vmul.u32 $0x30, v8  }
0x27a: {  	v7 =	vand.u32 $0x7, v7  }
0x27b: {  	v7 =	vor.u32 v7, v8  }
0x27c: {  	v8 =	vperm.xlane v7, v4;
	_ =	sdelay $0x1  }
0x27d: {  	v8 =	vadd.s32 v5, v8;
	_ =	sdelay $0x3  }
0x27e: {  	s29 =	simm.s32 $0xF180;
	v7 =	vperm.xlane v7, v6  }
0x27f: {  	[tilespmem:s29], [sflag:$0x2] =	stream.indirect_vreg.gather [hbm4b:s5+s2], $0x80, v8, vm0, $0xb8;
	[tilespmem:$0x18200] =	vst v63  }
0x280: {  	s20 =	simm.s32 $0xF980;
	v7 =	vadd.s32 v5, v7  }
0x281: {  	[tilespmem:s20], [sflag:$0x2] =	stream.indirect_vreg.gather [hbm4b:s17+s2], $0x80, v8, vm0, $0xb8;
	[tilespmem:$0x18200] =	vst v63  }
0x282: {  	s1 =	simm.s32 $0x10180  }
0x283: {  	[tilespmem:s1], [sflag:$0x2] =	stream.indirect_vreg.gather [hbm4b:s18+s2], $0x80, v8, vm0, $0xb8;
	[tilespmem:$0x18200] =	vst v63  }
0x284: {  	s25 =	simm.s32 $0x10980  }
0x285: {  	[tilespmem:s25], [sflag:$0x2] =	stream.indirect_vreg.gather [hbm4b:s5+s2], $0x80, v7, vm0, $0xb8;
	[tilespmem:$0x18200] =	vst v63  }
0x286: {  	s9 =	simm.s32 $0x11180  }
0x287: {  	[tilespmem:s9], [sflag:$0x2] =	stream.indirect_vreg.gather [hbm4b:s17+s2], $0x80, v7, vm0, $0xb8;
	[tilespmem:$0x18200] =	vst v63  }
0x288: {  	s31 =	simm.s32 $0x11980  }
0x289: {  	[tilespmem:s31], [sflag:$0x2] =	stream.indirect_vreg.gather [hbm4b:s18+s2], $0x80, v7, vm0, $0xb8;
	[tilespmem:$0x18200] =	vst v63  }
0x28a: {  	v7 =	vld [tilespmem:$0x60];
	_ =	sdelay $0x4  }
0x28b: {  	v8 =	vshrl.u32 v7, $0x3  }
0x28c: {  	v8 =	vmul.u32 $0x30, v8  }
0x28d: {  	v7 =	vand.u32 $0x7, v7  }
0x28e: {  	v7 =	vor.u32 v7, v8  }
0x28f: {  	v8 =	vperm.xlane v7, v4;
	_ =	sdelay $0x1  }
0x290: {  	v8 =	vadd.s32 v5, v8;
	_ =	sdelay $0x3  }
0x291: {  	s22 =	simm.s32 $0x12180;
	v7 =	vperm.xlane v7, v6  }
0x292: {  	[tilespmem:s22], [sflag:$0x2] =	stream.indirect_vreg.gather [hbm4b:s5+s2], $0x80, v8, vm0, $0xb8;
	[tilespmem:$0x18200] =	vst v63  }
0x293: {  	s10 =	simm.s32 $0x12980;
	v7 =	vadd.s32 v5, v7  }
0x294: {  	[tilespmem:s10], [sflag:$0x2] =	stream.indirect_vreg.gather [hbm4b:s17+s2], $0x80, v8, vm0, $0xb8;
	[tilespmem:$0x18200] =	vst v63  }
0x295: {  	s13 =	simm.s32 $0x13180  }
0x296: {  	[tilespmem:s13], [sflag:$0x2] =	stream.indirect_vreg.gather [hbm4b:s18+s2], $0x80, v8, vm0, $0xb8;
	[tilespmem:$0x18200] =	vst v63  }
0x297: {  	s14 =	simm.s32 $0x13980  }
0x298: {  	[tilespmem:s14], [sflag:$0x2] =	stream.indirect_vreg.gather [hbm4b:s5+s2], $0x80, v7, vm0, $0xb8;
	[tilespmem:$0x18200] =	vst v63  }
0x299: {  	s16 =	simm.s32 $0x14180  }
0x29a: {  	[tilespmem:s16], [sflag:$0x2] =	stream.indirect_vreg.gather [hbm4b:s17+s2], $0x80, v7, vm0, $0xb8;
	[tilespmem:$0x18200] =	vst v63  }
0x29b: {  	s23 =	simm.s32 $0x14980  }
0x29c: {  	[tilespmem:s23], [sflag:$0x2] =	stream.indirect_vreg.gather [hbm4b:s18+s2], $0x80, v7, vm0, $0xb8;
	[tilespmem:$0x18200] =	vst v63  }
0x29d: {  	v7 =	vld [tilespmem:$0x70];
	_ =	sdelay $0x4  }
0x29e: {  	v8 =	vshrl.u32 v7, $0x3  }
0x29f: {  	v8 =	vmul.u32 $0x30, v8  }
0x2a0: {  	v7 =	vand.u32 $0x7, v7  }
0x2a1: {  	v7 =	vor.u32 v7, v8  }
0x2a2: {  	v8 =	vperm.xlane v7, v4;
	_ =	sdelay $0x1  }
0x2a3: {  	v8 =	vadd.s32 v5, v8;
	_ =	sdelay $0x3  }
0x2a4: {  	s26 =	simm.s32 $0x15180;
	v7 =	vperm.xlane v7, v6  }
0x2a5: {  	[tilespmem:s26], [sflag:$0x2] =	stream.indirect_vreg.gather [hbm4b:s5+s2], $0x80, v8, vm0, $0xb8;
	[tilespmem:$0x18200] =	vst v63  }
0x2a6: {  	s20 =	simm.s32 $0x15980;
	v7 =	vadd.s32 v5, v7  }
0x2a7: {  	[tilespmem:s20], [sflag:$0x2] =	stream.indirect_vreg.gather [hbm4b:s17+s2], $0x80, v8, vm0, $0xb8;
	[tilespmem:$0x18200] =	vst v63  }
0x2a8: {  	s22 =	simm.s32 $0x16180  }
0x2a9: {  	[tilespmem:s22], [sflag:$0x2] =	stream.indirect_vreg.gather [hbm4b:s18+s2], $0x80, v8, vm0, $0xb8;
	[tilespmem:$0x18200] =	vst v63  }
0x2aa: {  	s23 =	simm.s32 $0x16980  }
0x2ab: {  	[tilespmem:s23], [sflag:$0x2] =	stream.indirect_vreg.gather [hbm4b:s5+s2], $0x80, v7, vm0, $0xb8;
	[tilespmem:$0x18200] =	vst v63  }
0x2ac: {  	s26 =	simm.s32 $0x17180  }
0x2ad: {  	[tilespmem:s26], [sflag:$0x2] =	stream.indirect_vreg.gather [hbm4b:s17+s2], $0x80, v7, vm0, $0xb8;
	[tilespmem:$0x18200] =	vst v63  }
0x2ae: {  	s8 =	simm.s32 $0x17980  }
0x2af: {  	[tilespmem:s8], [sflag:$0x2] =	stream.indirect_vreg.gather [hbm4b:s18+s2], $0x80, v7, vm0, $0xb8;
	[tilespmem:$0x18200] =	vst v63  }
0x2b0: {  	_ =	swait.ge [sflag:s4], $0xC000  }
0x2b1: {  	[sflag:s4] =	ssyncset.done $0x0  }
0x2b2: {  	s0 =	simm.s32 $0x180;
	s8 =	rddreg [dreg:$0xb];
	[sflag:s4] =	ssyncadd.s32 $0xFFFF4000  }
0x2b3: {  	[hbm4b:s8+s2] =	stream.linear.scatter [tilespmem:s0], [sflag:$0x3], $0xC000, $0x38;
	[tilespmem:$0x18200] =	vst v63  }
0x2b4: {  	_ =	swait.ge [sflag:s6], $0xC000  }
0x2b5: {  	[sflag:s6] =	ssyncset.done $0x0  }
0x2b6: {  	[sflag:s6] =	ssyncadd.s32 $0xFFFF4000  }
0x2b7: {  	v7 =	vld [tilespmem:$0x80];
	_ =	sdelay $0x4  }
0x2b8: {  	v8 =	vshrl.u32 v7, $0x3  }
0x2b9: {  	v8 =	vmul.u32 $0x30, v8  }
0x2ba: {  	v7 =	vand.u32 $0x7, v7  }
0x2bb: {  	v7 =	vor.u32 v7, v8  }
0x2bc: {  	v8 =	vperm.xlane v7, v4;
	_ =	sdelay $0x1  }
0x2bd: {  	v8 =	vadd.s32 v5, v8;
	_ =	sdelay $0x3  }
0x2be: {  	v7 =	vperm.xlane v7, v6  }
0x2bf: {  	[tilespmem:s0], [sflag:$0x1] =	stream.indirect_vreg.gather [hbm4b:s5+s2], $0x80, v8, vm0, $0xb8;
	[tilespmem:$0x18200] =	vst v63  }
0x2c0: {  	v7 =	vadd.s32 v5, v7;
	s0 =	simm.s32 $0x980  }
0x2c1: {  	[tilespmem:s0], [sflag:$0x1] =	stream.indirect_vreg.gather [hbm4b:s17+s2], $0x80, v8, vm0, $0xb8;
	[tilespmem:$0x18200] =	vst v63  }
0x2c2: {  	s0 =	simm.s32 $0x1180  }
0x2c3: {  	[tilespmem:s0], [sflag:$0x1] =	stream.indirect_vreg.gather [hbm4b:s18+s2], $0x80, v8, vm0, $0xb8;
	[tilespmem:$0x18200] =	vst v63  }
0x2c4: {  	s0 =	simm.s32 $0x1980  }
0x2c5: {  	[tilespmem:s0], [sflag:$0x1] =	stream.indirect_vreg.gather [hbm4b:s5+s2], $0x80, v7, vm0, $0xb8;
	[tilespmem:$0x18200] =	vst v63  }
0x2c6: {  	s0 =	simm.s32 $0x2180  }
0x2c7: {  	[tilespmem:s0], [sflag:$0x1] =	stream.indirect_vreg.gather [hbm4b:s17+s2], $0x80, v7, vm0, $0xb8;
	[tilespmem:$0x18200] =	vst v63  }
0x2c8: {  	s0 =	simm.s32 $0x2980  }
0x2c9: {  	[tilespmem:s0], [sflag:$0x1] =	stream.indirect_vreg.gather [hbm4b:s18+s2], $0x80, v7, vm0, $0xb8;
	[tilespmem:$0x18200] =	vst v63  }
0x2ca: {  	v7 =	vld [tilespmem:$0x90];
	_ =	sdelay $0x4  }
0x2cb: {  	v8 =	vshrl.u32 v7, $0x3  }
0x2cc: {  	v8 =	vmul.u32 $0x30, v8  }
0x2cd: {  	v7 =	vand.u32 $0x7, v7  }
0x2ce: {  	v7 =	vor.u32 v7, v8  }
0x2cf: {  	v8 =	vperm.xlane v7, v4;
	_ =	sdelay $0x1  }
0x2d0: {  	v8 =	vadd.s32 v5, v8;
	_ =	sdelay $0x3  }
0x2d1: {  	s0 =	simm.s32 $0x3180;
	v7 =	vperm.xlane v7, v6  }
0x2d2: {  	[tilespmem:s0], [sflag:$0x1] =	stream.indirect_vreg.gather [hbm4b:s5+s2], $0x80, v8, vm0, $0xb8;
	[tilespmem:$0x18200] =	vst v63  }
0x2d3: {  	v7 =	vadd.s32 v5, v7;
	s0 =	simm.s32 $0x3980  }
0x2d4: {  	[tilespmem:s0], [sflag:$0x1] =	stream.indirect_vreg.gather [hbm4b:s17+s2], $0x80, v8, vm0, $0xb8;
	[tilespmem:$0x18200] =	vst v63  }
0x2d5: {  	s0 =	simm.s32 $0x4180  }
0x2d6: {  	[tilespmem:s0], [sflag:$0x1] =	stream.indirect_vreg.gather [hbm4b:s18+s2], $0x80, v8, vm0, $0xb8;
	[tilespmem:$0x18200] =	vst v63  }
0x2d7: {  	s0 =	simm.s32 $0x4980  }
0x2d8: {  	[tilespmem:s0], [sflag:$0x1] =	stream.indirect_vreg.gather [hbm4b:s5+s2], $0x80, v7, vm0, $0xb8;
	[tilespmem:$0x18200] =	vst v63  }
0x2d9: {  	s0 =	simm.s32 $0x5180  }
0x2da: {  	[tilespmem:s0], [sflag:$0x1] =	stream.indirect_vreg.gather [hbm4b:s17+s2], $0x80, v7, vm0, $0xb8;
	[tilespmem:$0x18200] =	vst v63  }
0x2db: {  	s0 =	simm.s32 $0x5980  }
0x2dc: {  	[tilespmem:s0], [sflag:$0x1] =	stream.indirect_vreg.gather [hbm4b:s18+s2], $0x80, v7, vm0, $0xb8;
	[tilespmem:$0x18200] =	vst v63  }
0x2dd: {  	v7 =	vld [tilespmem:$0xA0];
	_ =	sdelay $0x4  }
0x2de: {  	v8 =	vshrl.u32 v7, $0x3  }
0x2df: {  	v8 =	vmul.u32 $0x30, v8  }
0x2e0: {  	v7 =	vand.u32 $0x7, v7  }
0x2e1: {  	v7 =	vor.u32 v7, v8  }
0x2e2: {  	v8 =	vperm.xlane v7, v4;
	_ =	sdelay $0x1  }
0x2e3: {  	v8 =	vadd.s32 v5, v8;
	_ =	sdelay $0x3  }
0x2e4: {  	s0 =	simm.s32 $0x6180;
	v7 =	vperm.xlane v7, v6  }
0x2e5: {  	[tilespmem:s0], [sflag:$0x1] =	stream.indirect_vreg.gather [hbm4b:s5+s2], $0x80, v8, vm0, $0xb8;
	[tilespmem:$0x18200] =	vst v63  }
0x2e6: {  	v7 =	vadd.s32 v5, v7;
	s0 =	simm.s32 $0x6980  }
0x2e7: {  	[tilespmem:s0], [sflag:$0x1] =	stream.indirect_vreg.gather [hbm4b:s17+s2], $0x80, v8, vm0, $0xb8;
	[tilespmem:$0x18200] =	vst v63  }
0x2e8: {  	s0 =	simm.s32 $0x7180  }
0x2e9: {  	[tilespmem:s0], [sflag:$0x1] =	stream.indirect_vreg.gather [hbm4b:s18+s2], $0x80, v8, vm0, $0xb8;
	[tilespmem:$0x18200] =	vst v63  }
0x2ea: {  	s0 =	simm.s32 $0x7980  }
0x2eb: {  	[tilespmem:s0], [sflag:$0x1] =	stream.indirect_vreg.gather [hbm4b:s5+s2], $0x80, v7, vm0, $0xb8;
	[tilespmem:$0x18200] =	vst v63  }
0x2ec: {  	s0 =	simm.s32 $0x8180  }
0x2ed: {  	[tilespmem:s0], [sflag:$0x1] =	stream.indirect_vreg.gather [hbm4b:s17+s2], $0x80, v7, vm0, $0xb8;
	[tilespmem:$0x18200] =	vst v63  }
0x2ee: {  	s0 =	simm.s32 $0x8980  }
0x2ef: {  	[tilespmem:s0], [sflag:$0x1] =	stream.indirect_vreg.gather [hbm4b:s18+s2], $0x80, v7, vm0, $0xb8;
	[tilespmem:$0x18200] =	vst v63  }
0x2f0: {  	v7 =	vld [tilespmem:$0xB0];
	_ =	sdelay $0x4  }
0x2f1: {  	v8 =	vshrl.u32 v7, $0x3  }
0x2f2: {  	v8 =	vmul.u32 $0x30, v8  }
0x2f3: {  	v7 =	vand.u32 $0x7, v7  }
0x2f4: {  	v7 =	vor.u32 v7, v8  }
0x2f5: {  	v8 =	vperm.xlane v7, v4;
	_ =	sdelay $0x1  }
0x2f6: {  	v8 =	vadd.s32 v5, v8;
	_ =	sdelay $0x3  }
0x2f7: {  	s15 =	simm.s32 $0x9180;
	v7 =	vperm.xlane v7, v6  }
0x2f8: {  	[tilespmem:s15], [sflag:$0x1] =	stream.indirect_vreg.gather [hbm4b:s5+s2], $0x80, v8, vm0, $0xb8;
	[tilespmem:$0x18200] =	vst v63  }
0x2f9: {  	s7 =	simm.s32 $0x9980;
	v7 =	vadd.s32 v5, v7  }
0x2fa: {  	[tilespmem:s7], [sflag:$0x1] =	stream.indirect_vreg.gather [hbm4b:s17+s2], $0x80, v8, vm0, $0xb8;
	[tilespmem:$0x18200] =	vst v63  }
0x2fb: {  	s15 =	simm.s32 $0xA180  }
0x2fc: {  	[tilespmem:s15], [sflag:$0x1] =	stream.indirect_vreg.gather [hbm4b:s18+s2], $0x80, v8, vm0, $0xb8;
	[tilespmem:$0x18200] =	vst v63  }
0x2fd: {  	s7 =	simm.s32 $0xA980  }
0x2fe: {  	[tilespmem:s7], [sflag:$0x1] =	stream.indirect_vreg.gather [hbm4b:s5+s2], $0x80, v7, vm0, $0xb8;
	[tilespmem:$0x18200] =	vst v63  }
0x2ff: {  	s15 =	simm.s32 $0xB180  }
0x300: {  	[tilespmem:s15], [sflag:$0x1] =	stream.indirect_vreg.gather [hbm4b:s17+s2], $0x80, v7, vm0, $0xb8;
	[tilespmem:$0x18200] =	vst v63  }
0x301: {  	s19 =	simm.s32 $0xB980  }
0x302: {  	[tilespmem:s19], [sflag:$0x1] =	stream.indirect_vreg.gather [hbm4b:s18+s2], $0x80, v7, vm0, $0xb8;
	[tilespmem:$0x18200] =	vst v63  }
0x303: {  	s19 =	simm.s32 $0x2  }
0x304: {  	_ =	swait.ge [sflag:s19], $0xC000  }
0x305: {  	[sflag:s19] =	ssyncset.done $0x0  }
0x306: {  	s7 =	sadd.s32 $0x1800, s8;
	s15 =	simm.s32 $0xC180;
	[sflag:s19] =	ssyncadd.s32 $0xFFFF4000  }
0x307: {  	[hbm4b:s7+s2] =	stream.linear.scatter [tilespmem:s15], [sflag:$0x3], $0xC000, $0x38;
	[tilespmem:$0x18200] =	vst v63  }
0x308: {  	_ =	swait.ge [sflag:s6], $0xC000  }
0x309: {  	[sflag:s6] =	ssyncset.done $0x0  }
0x30a: {  	[sflag:s6] =	ssyncadd.s32 $0xFFFF4000  }
0x30b: {  	v7 =	vld [tilespmem:$0xC0];
	_ =	sdelay $0x4  }
0x30c: {  	v8 =	vshrl.u32 v7, $0x3  }
0x30d: {  	v8 =	vmul.u32 $0x30, v8  }
0x30e: {  	v7 =	vand.u32 $0x7, v7  }
0x30f: {  	v7 =	vor.u32 v7, v8  }
0x310: {  	v8 =	vperm.xlane v7, v4;
	_ =	sdelay $0x1  }
0x311: {  	v8 =	vadd.s32 v5, v8;
	_ =	sdelay $0x3  }
0x312: {  	v7 =	vperm.xlane v7, v6  }
0x313: {  	[tilespmem:s15], [sflag:$0x2] =	stream.indirect_vreg.gather [hbm4b:s5+s2], $0x80, v8, vm0, $0xb8;
	[tilespmem:$0x18200] =	vst v63  }
0x314: {  	v7 =	vadd.s32 v5, v7  }
0x315: {  	[tilespmem:s11], [sflag:$0x2] =	stream.indirect_vreg.gather [hbm4b:s17+s2], $0x80, v8, vm0, $0xb8;
	[tilespmem:$0x18200] =	vst v63  }
0x316: {  	_ = 	snop  }
0x317: {  	[tilespmem:s21], [sflag:$0x2] =	stream.indirect_vreg.gather [hbm4b:s18+s2], $0x80, v8, vm0, $0xb8;
	[tilespmem:$0x18200] =	vst v63  }
0x318: {  	_ = 	snop  }
0x319: {  	[tilespmem:s24], [sflag:$0x2] =	stream.indirect_vreg.gather [hbm4b:s5+s2], $0x80, v7, vm0, $0xb8;
	[tilespmem:$0x18200] =	vst v63  }
0x31a: {  	_ = 	snop  }
0x31b: {  	[tilespmem:s30], [sflag:$0x2] =	stream.indirect_vreg.gather [hbm4b:s17+s2], $0x80, v7, vm0, $0xb8;
	[tilespmem:$0x18200] =	vst v63  }
0x31c: {  	_ = 	snop  }
0x31d: {  	[tilespmem:s28], [sflag:$0x2] =	stream.indirect_vreg.gather [hbm4b:s18+s2], $0x80, v7, vm0, $0xb8;
	[tilespmem:$0x18200] =	vst v63  }
0x31e: {  	v7 =	vld [tilespmem:$0xD0];
	_ =	sdelay $0x4  }
0x31f: {  	v8 =	vshrl.u32 v7, $0x3  }
0x320: {  	v8 =	vmul.u32 $0x30, v8  }
0x321: {  	v7 =	vand.u32 $0x7, v7  }
0x322: {  	v7 =	vor.u32 v7, v8  }
0x323: {  	v8 =	vperm.xlane v7, v4;
	_ =	sdelay $0x1  }
0x324: {  	v8 =	vadd.s32 v5, v8;
	_ =	sdelay $0x3  }
0x325: {  	v7 =	vperm.xlane v7, v6  }
0x326: {  	[tilespmem:s29], [sflag:$0x2] =	stream.indirect_vreg.gather [hbm4b:s5+s2], $0x80, v8, vm0, $0xb8;
	[tilespmem:$0x18200] =	vst v63  }
0x327: {  	s19 =	simm.s32 $0xF980;
	v7 =	vadd.s32 v5, v7  }
0x328: {  	[tilespmem:s19], [sflag:$0x2] =	stream.indirect_vreg.gather [hbm4b:s17+s2], $0x80, v8, vm0, $0xb8;
	[tilespmem:$0x18200] =	vst v63  }
0x329: {  	_ = 	snop  }
0x32a: {  	[tilespmem:s1], [sflag:$0x2] =	stream.indirect_vreg.gather [hbm4b:s18+s2], $0x80, v8, vm0, $0xb8;
	[tilespmem:$0x18200] =	vst v63  }
0x32b: {  	_ = 	snop  }
0x32c: {  	[tilespmem:s25], [sflag:$0x2] =	stream.indirect_vreg.gather [hbm4b:s5+s2], $0x80, v7, vm0, $0xb8;
	[tilespmem:$0x18200] =	vst v63  }
0x32d: {  	_ = 	snop  }
0x32e: {  	[tilespmem:s9], [sflag:$0x2] =	stream.indirect_vreg.gather [hbm4b:s17+s2], $0x80, v7, vm0, $0xb8;
	[tilespmem:$0x18200] =	vst v63  }
0x32f: {  	_ = 	snop  }
0x330: {  	[tilespmem:s31], [sflag:$0x2] =	stream.indirect_vreg.gather [hbm4b:s18+s2], $0x80, v7, vm0, $0xb8;
	[tilespmem:$0x18200] =	vst v63  }
0x331: {  	v7 =	vld [tilespmem:$0xE0];
	_ =	sdelay $0x4  }
0x332: {  	v8 =	vshrl.u32 v7, $0x3  }
0x333: {  	v8 =	vmul.u32 $0x30, v8  }
0x334: {  	v7 =	vand.u32 $0x7, v7  }
0x335: {  	v7 =	vor.u32 v7, v8  }
0x336: {  	v8 =	vperm.xlane v7, v4;
	_ =	sdelay $0x1  }
0x337: {  	v8 =	vadd.s32 v5, v8;
	_ =	sdelay $0x3  }
0x338: {  	s21 =	simm.s32 $0x12180;
	v7 =	vperm.xlane v7, v6  }
0x339: {  	[tilespmem:s21], [sflag:$0x2] =	stream.indirect_vreg.gather [hbm4b:s5+s2], $0x80, v8, vm0, $0xb8;
	[tilespmem:$0x18200] =	vst v63  }
0x33a: {  	v7 =	vadd.s32 v5, v7  }
0x33b: {  	[tilespmem:s10], [sflag:$0x2] =	stream.indirect_vreg.gather [hbm4b:s17+s2], $0x80, v8, vm0, $0xb8;
	[tilespmem:$0x18200] =	vst v63  }
0x33c: {  	_ = 	snop  }
0x33d: {  	[tilespmem:s13], [sflag:$0x2] =	stream.indirect_vreg.gather [hbm4b:s18+s2], $0x80, v8, vm0, $0xb8;
	[tilespmem:$0x18200] =	vst v63  }
0x33e: {  	_ = 	snop  }
0x33f: {  	[tilespmem:s14], [sflag:$0x2] =	stream.indirect_vreg.gather [hbm4b:s5+s2], $0x80, v7, vm0, $0xb8;
	[tilespmem:$0x18200] =	vst v63  }
0x340: {  	_ = 	snop  }
0x341: {  	[tilespmem:s16], [sflag:$0x2] =	stream.indirect_vreg.gather [hbm4b:s17+s2], $0x80, v7, vm0, $0xb8;
	[tilespmem:$0x18200] =	vst v63  }
0x342: {  	s24 =	simm.s32 $0x14980  }
0x343: {  	[tilespmem:s24], [sflag:$0x2] =	stream.indirect_vreg.gather [hbm4b:s18+s2], $0x80, v7, vm0, $0xb8;
	[tilespmem:$0x18200] =	vst v63  }
0x344: {  	v7 =	vld [tilespmem:$0xF0];
	_ =	sdelay $0x4  }
0x345: {  	v8 =	vshrl.u32 v7, $0x3  }
0x346: {  	v8 =	vmul.u32 $0x30, v8  }
0x347: {  	v7 =	vand.u32 $0x7, v7  }
0x348: {  	v7 =	vor.u32 v7, v8  }
0x349: {  	v8 =	vperm.xlane v7, v4;
	_ =	sdelay $0x1  }
0x34a: {  	v8 =	vadd.s32 v5, v8;
	_ =	sdelay $0x3  }
0x34b: {  	s25 =	simm.s32 $0x15180;
	v7 =	vperm.xlane v7, v6  }
0x34c: {  	[tilespmem:s25], [sflag:$0x2] =	stream.indirect_vreg.gather [hbm4b:s5+s2], $0x80, v8, vm0, $0xb8;
	[tilespmem:$0x18200] =	vst v63  }
0x34d: {  	v7 =	vadd.s32 v5, v7  }
0x34e: {  	[tilespmem:s20], [sflag:$0x2] =	stream.indirect_vreg.gather [hbm4b:s17+s2], $0x80, v8, vm0, $0xb8;
	[tilespmem:$0x18200] =	vst v63  }
0x34f: {  	_ = 	snop  }
0x350: {  	[tilespmem:s22], [sflag:$0x2] =	stream.indirect_vreg.gather [hbm4b:s18+s2], $0x80, v8, vm0, $0xb8;
	[tilespmem:$0x18200] =	vst v63  }
0x351: {  	_ = 	snop  }
0x352: {  	[tilespmem:s23], [sflag:$0x2] =	stream.indirect_vreg.gather [hbm4b:s5+s2], $0x80, v7, vm0, $0xb8;
	[tilespmem:$0x18200] =	vst v63  }
0x353: {  	_ = 	snop  }
0x354: {  	[tilespmem:s26], [sflag:$0x2] =	stream.indirect_vreg.gather [hbm4b:s17+s2], $0x80, v7, vm0, $0xb8;
	[tilespmem:$0x18200] =	vst v63  }
0x355: {  	s26 =	simm.s32 $0x17980  }
0x356: {  	[tilespmem:s26], [sflag:$0x2] =	stream.indirect_vreg.gather [hbm4b:s18+s2], $0x80, v7, vm0, $0xb8;
	[tilespmem:$0x18200] =	vst v63  }
0x357: {  	s0 =	rddreg [dreg:$0x9];
	_ =	swait.ge [sflag:s4], $0xC000  }
0x358: {  	[sflag:s4] =	ssyncset.done $0x0  }
0x359: {  	s28 =	sadd.s32 $0x3000, s8;
	s29 =	simm.s32 $0x180;
	[sflag:s4] =	ssyncadd.s32 $0xFFFF4000  }
0x35a: {  	[hbm4b:s28+s2] =	stream.linear.scatter [tilespmem:s29], [sflag:$0x3], $0xC000, $0x38;
	[tilespmem:$0x18200] =	vst v63  }
0x35b: {  	_ =	swait.ge [sflag:s6], $0xC000  }
0x35c: {  	[sflag:s6] =	ssyncset.done $0x0  }
0x35d: {  	[sflag:s6] =	ssyncadd.s32 $0xFFFF4000  }
0x35e: {  	v7 =	vld [tilespmem:$0x100];
	_ =	sdelay $0x4  }
0x35f: {  	v8 =	vshrl.u32 v7, $0x3  }
0x360: {  	v8 =	vmul.u32 $0x30, v8  }
0x361: {  	v7 =	vand.u32 $0x7, v7  }
0x362: {  	v7 =	vor.u32 v7, v8  }
0x363: {  	v8 =	vperm.xlane v7, v4;
	_ =	sdelay $0x1  }
0x364: {  	v8 =	vadd.s32 v5, v8;
	_ =	sdelay $0x3  }
0x365: {  	v7 =	vperm.xlane v7, v6  }
0x366: {  	[tilespmem:s29], [sflag:$0x1] =	stream.indirect_vreg.gather [hbm4b:s5+s2], $0x80, v8, vm0, $0xb8;
	[tilespmem:$0x18200] =	vst v63  }
0x367: {  	s9 =	simm.s32 $0x980;
	v7 =	vadd.s32 v5, v7  }
0x368: {  	[tilespmem:s9], [sflag:$0x1] =	stream.indirect_vreg.gather [hbm4b:s17+s2], $0x80, v8, vm0, $0xb8;
	[tilespmem:$0x18200] =	vst v63  }
0x369: {  	s11 =	simm.s32 $0x1180  }
0x36a: {  	[tilespmem:s11], [sflag:$0x1] =	stream.indirect_vreg.gather [hbm4b:s18+s2], $0x80, v8, vm0, $0xb8;
	[tilespmem:$0x18200] =	vst v63  }
0x36b: {  	s22 =	simm.s32 $0x1980  }
0x36c: {  	[tilespmem:s22], [sflag:$0x1] =	stream.indirect_vreg.gather [hbm4b:s5+s2], $0x80, v7, vm0, $0xb8;
	[tilespmem:$0x18200] =	vst v63  }
0x36d: {  	s23 =	simm.s32 $0x2180  }
0x36e: {  	[tilespmem:s23], [sflag:$0x1] =	stream.indirect_vreg.gather [hbm4b:s17+s2], $0x80, v7, vm0, $0xb8;
	[tilespmem:$0x18200] =	vst v63  }
0x36f: {  	s13 =	simm.s32 $0x2980  }
0x370: {  	[tilespmem:s13], [sflag:$0x1] =	stream.indirect_vreg.gather [hbm4b:s18+s2], $0x80, v7, vm0, $0xb8;
	[tilespmem:$0x18200] =	vst v63  }
0x371: {  	v7 =	vld [tilespmem:$0x110];
	_ =	sdelay $0x4  }
0x372: {  	v8 =	vshrl.u32 v7, $0x3  }
0x373: {  	v8 =	vmul.u32 $0x30, v8  }
0x374: {  	v7 =	vand.u32 $0x7, v7  }
0x375: {  	v7 =	vor.u32 v7, v8  }
0x376: {  	v8 =	vperm.xlane v7, v4;
	_ =	sdelay $0x1  }
0x377: {  	v8 =	vadd.s32 v5, v8;
	_ =	sdelay $0x3  }
0x378: {  	s24 =	simm.s32 $0x3180;
	v7 =	vperm.xlane v7, v6  }
0x379: {  	[tilespmem:s24], [sflag:$0x1] =	stream.indirect_vreg.gather [hbm4b:s5+s2], $0x80, v8, vm0, $0xb8;
	[tilespmem:$0x18200] =	vst v63  }
0x37a: {  	s14 =	simm.s32 $0x3980;
	v7 =	vadd.s32 v5, v7  }
0x37b: {  	[tilespmem:s14], [sflag:$0x1] =	stream.indirect_vreg.gather [hbm4b:s17+s2], $0x80, v8, vm0, $0xb8;
	[tilespmem:$0x18200] =	vst v63  }
0x37c: {  	s25 =	simm.s32 $0x4180  }
0x37d: {  	[tilespmem:s25], [sflag:$0x1] =	stream.indirect_vreg.gather [hbm4b:s18+s2], $0x80, v8, vm0, $0xb8;
	[tilespmem:$0x18200] =	vst v63  }
0x37e: {  	s26 =	simm.s32 $0x4980  }
0x37f: {  	[tilespmem:s26], [sflag:$0x1] =	stream.indirect_vreg.gather [hbm4b:s5+s2], $0x80, v7, vm0, $0xb8;
	[tilespmem:$0x18200] =	vst v63  }
0x380: {  	s10 =	simm.s32 $0x5180  }
0x381: {  	[tilespmem:s10], [sflag:$0x1] =	stream.indirect_vreg.gather [hbm4b:s17+s2], $0x80, v7, vm0, $0xb8;
	[tilespmem:$0x18200] =	vst v63  }
0x382: {  	s28 =	simm.s32 $0x5980  }
0x383: {  	[tilespmem:s28], [sflag:$0x1] =	stream.indirect_vreg.gather [hbm4b:s18+s2], $0x80, v7, vm0, $0xb8;
	[tilespmem:$0x18200] =	vst v63  }
0x384: {  	v7 =	vld [tilespmem:$0x120];
	_ =	sdelay $0x4  }
0x385: {  	v8 =	vshrl.u32 v7, $0x3  }
0x386: {  	v8 =	vmul.u32 $0x30, v8  }
0x387: {  	v7 =	vand.u32 $0x7, v7  }
0x388: {  	v7 =	vor.u32 v7, v8  }
0x389: {  	v8 =	vperm.xlane v7, v4;
	_ =	sdelay $0x1  }
0x38a: {  	v8 =	vadd.s32 v5, v8;
	_ =	sdelay $0x3  }
0x38b: {  	s31 =	simm.s32 $0x6180;
	v7 =	vperm.xlane v7, v6  }
0x38c: {  	[tilespmem:s31], [sflag:$0x1] =	stream.indirect_vreg.gather [hbm4b:s5+s2], $0x80, v8, vm0, $0xb8;
	[tilespmem:$0x18200] =	vst v63  }
0x38d: {  	s7 =	simm.s32 $0x6980;
	v7 =	vadd.s32 v5, v7  }
0x38e: {  	[tilespmem:s7], [sflag:$0x1] =	stream.indirect_vreg.gather [hbm4b:s17+s2], $0x80, v8, vm0, $0xb8;
	[tilespmem:$0x18200] =	vst v63  }
0x38f: {  	s20 =	simm.s32 $0x7180  }
0x390: {  	[tilespmem:s20], [sflag:$0x1] =	stream.indirect_vreg.gather [hbm4b:s18+s2], $0x80, v8, vm0, $0xb8;
	[tilespmem:$0x18200] =	vst v63  }
0x391: {  	s1 =	simm.s32 $0x7980  }
0x392: {  	[tilespmem:s1], [sflag:$0x1] =	stream.indirect_vreg.gather [hbm4b:s5+s2], $0x80, v7, vm0, $0xb8;
	[tilespmem:$0x18200] =	vst v63  }
0x393: {  	s15 =	simm.s32 $0x8180  }
0x394: {  	[tilespmem:s15], [sflag:$0x1] =	stream.indirect_vreg.gather [hbm4b:s17+s2], $0x80, v7, vm0, $0xb8;
	[tilespmem:$0x18200] =	vst v63  }
0x395: {  	s21 =	simm.s32 $0x8980  }
0x396: {  	[tilespmem:s21], [sflag:$0x1] =	stream.indirect_vreg.gather [hbm4b:s18+s2], $0x80, v7, vm0, $0xb8;
	[tilespmem:$0x18200] =	vst v63  }
0x397: {  	v7 =	vld [tilespmem:$0x130];
	_ =	sdelay $0x4  }
0x398: {  	v8 =	vshrl.u32 v7, $0x3  }
0x399: {  	v8 =	vmul.u32 $0x30, v8  }
0x39a: {  	v7 =	vand.u32 $0x7, v7  }
0x39b: {  	v7 =	vor.u32 v7, v8  }
0x39c: {  	v8 =	vperm.xlane v7, v4;
	_ =	sdelay $0x1  }
0x39d: {  	v8 =	vadd.s32 v5, v8;
	_ =	sdelay $0x3  }
0x39e: {  	s30 =	simm.s32 $0x9180;
	v7 =	vperm.xlane v7, v6  }
0x39f: {  	[tilespmem:s30], [sflag:$0x1] =	stream.indirect_vreg.gather [hbm4b:s5+s2], $0x80, v8, vm0, $0xb8;
	[tilespmem:$0x18200] =	vst v63  }
0x3a0: {  	s19 =	simm.s32 $0x9980;
	v7 =	vadd.s32 v5, v7  }
0x3a1: {  	[tilespmem:s19], [sflag:$0x1] =	stream.indirect_vreg.gather [hbm4b:s17+s2], $0x80, v8, vm0, $0xb8;
	[tilespmem:$0x18200] =	vst v63  }
0x3a2: {  	s16 =	simm.s32 $0xA180  }
0x3a3: {  	[tilespmem:s16], [sflag:$0x1] =	stream.indirect_vreg.gather [hbm4b:s18+s2], $0x80, v8, vm0, $0xb8;
	[tilespmem:$0x18200] =	vst v63  }
0x3a4: {  	s29 =	simm.s32 $0xA980  }
0x3a5: {  	[tilespmem:s29], [sflag:$0x1] =	stream.indirect_vreg.gather [hbm4b:s5+s2], $0x80, v7, vm0, $0xb8;
	[tilespmem:$0x18200] =	vst v63  }
0x3a6: {  	s30 =	simm.s32 $0xB180  }
0x3a7: {  	[tilespmem:s30], [sflag:$0x1] =	stream.indirect_vreg.gather [hbm4b:s17+s2], $0x80, v7, vm0, $0xb8;
	[tilespmem:$0x18200] =	vst v63  }
0x3a8: {  	s17 =	simm.s32 $0xB980  }
0x3a9: {  	[tilespmem:s17], [sflag:$0x1] =	stream.indirect_vreg.gather [hbm4b:s18+s2], $0x80, v7, vm0, $0xb8;
	[tilespmem:$0x18200] =	vst v63  }
0x3aa: {  	s18 =	simm.s32 $0x2  }
0x3ab: {  	_ =	swait.ge [sflag:s18], $0xC000  }
0x3ac: {  	[sflag:s18] =	ssyncset.done $0x0  }
0x3ad: {  	s17 =	sadd.s32 $0x4800, s8;
	[sflag:s18] =	ssyncadd.s32 $0xFFFF4000;
	s18 =	simm.s32 $0xC180  }
0x3ae: {  	[hbm4b:s17+s2] =	stream.linear.scatter [tilespmem:s18], [sflag:$0x3], $0xC000, $0x38;
	[tilespmem:$0x18200] =	vst v63  }
0x3af: {  	_ =	swait.ge [sflag:s6], $0xC000  }
0x3b0: {  	[sflag:s6] =	ssyncset.done $0x0  }
0x3b1: {  	[sflag:s6] =	ssyncadd.s32 $0xFFFF4000  }
0x3b2: {  	_ =	swait.ge [sflag:s4], $0xC000  }
0x3b3: {  	[sflag:s4] =	ssyncset.done $0x0  }
0x3b4: {  	[sflag:s4] =	ssyncadd.s32 $0xFFFF4000  }
0x3b5: {  	v7 =	vld [tilespmem:$0x18180];
	_ =	sdelay $0x4  }
0x3b6: {  	v8 =	vshrl.u32 v7, $0x3  }
0x3b7: {  	v8 =	vmul.u32 $0x30, v8  }
0x3b8: {  	v7 =	vand.u32 $0x7, v7  }
0x3b9: {  	v7 =	vor.u32 v7, v8  }
0x3ba: {  	v8 =	vperm.xlane v7, v4;
	_ =	sdelay $0x1  }
0x3bb: {  	v8 =	vadd.s32 v5, v8;
	_ =	sdelay $0x3  }
0x3bc: {  	s18 =	simm.s32 $0x180;
	v7 =	vperm.xlane v7, v6  }
0x3bd: {  	[hbm4b:s8+s2] =	stream.indirect_vreg.scatter [tilespmem:s18], [sflag:$0x1], $0x80, v8, vm0, $0xb8;
	[tilespmem:$0x18200] =	vst v63  }
0x3be: {  	v7 =	vadd.s32 v5, v7;
	s18 =	sadd.s32 $0x100, s8  }
0x3bf: {  	[hbm4b:s18+s2] =	stream.indirect_vreg.scatter [tilespmem:s9], [sflag:$0x1], $0x80, v8, vm0, $0xb8;
	[tilespmem:$0x18200] =	vst v63  }
0x3c0: {  	s9 =	sadd.s32 $0x200, s8  }
0x3c1: {  	[hbm4b:s9+s2] =	stream.indirect_vreg.scatter [tilespmem:s11], [sflag:$0x1], $0x80, v8, vm0, $0xb8;
	[tilespmem:$0x18200] =	vst v63  }
0x3c2: {  	_ = 	snop  }
0x3c3: {  	[hbm4b:s8+s2] =	stream.indirect_vreg.scatter [tilespmem:s22], [sflag:$0x1], $0x80, v7, vm0, $0xb8;
	[tilespmem:$0x18200] =	vst v63  }
0x3c4: {  	_ = 	snop  }
0x3c5: {  	[hbm4b:s18+s2] =	stream.indirect_vreg.scatter [tilespmem:s23], [sflag:$0x1], $0x80, v7, vm0, $0xb8;
	[tilespmem:$0x18200] =	vst v63  }
0x3c6: {  	_ = 	snop  }
0x3c7: {  	[hbm4b:s9+s2] =	stream.indirect_vreg.scatter [tilespmem:s13], [sflag:$0x1], $0x80, v7, vm0, $0xb8;
	[tilespmem:$0x18200] =	vst v63  }
0x3c8: {  	v7 =	vld [tilespmem:$0x18190];
	_ =	sdelay $0x4  }
0x3c9: {  	v8 =	vshrl.u32 v7, $0x3  }
0x3ca: {  	v8 =	vmul.u32 $0x30, v8  }
0x3cb: {  	v7 =	vand.u32 $0x7, v7  }
0x3cc: {  	v7 =	vor.u32 v7, v8  }
0x3cd: {  	v8 =	vperm.xlane v7, v4;
	_ =	sdelay $0x1  }
0x3ce: {  	v8 =	vadd.s32 v5, v8;
	_ =	sdelay $0x3  }
0x3cf: {  	v7 =	vperm.xlane v7, v6  }
0x3d0: {  	[hbm4b:s8+s2] =	stream.indirect_vreg.scatter [tilespmem:s24], [sflag:$0x1], $0x80, v8, vm0, $0xb8;
	[tilespmem:$0x18200] =	vst v63  }
0x3d1: {  	v7 =	vadd.s32 v5, v7  }
0x3d2: {  	[hbm4b:s18+s2] =	stream.indirect_vreg.scatter [tilespmem:s14], [sflag:$0x1], $0x80, v8, vm0, $0xb8;
	[tilespmem:$0x18200] =	vst v63  }
0x3d3: {  	_ = 	snop  }
0x3d4: {  	[hbm4b:s9+s2] =	stream.indirect_vreg.scatter [tilespmem:s25], [sflag:$0x1], $0x80, v8, vm0, $0xb8;
	[tilespmem:$0x18200] =	vst v63  }
0x3d5: {  	_ = 	snop  }
0x3d6: {  	[hbm4b:s8+s2] =	stream.indirect_vreg.scatter [tilespmem:s26], [sflag:$0x1], $0x80, v7, vm0, $0xb8;
	[tilespmem:$0x18200] =	vst v63  }
0x3d7: {  	_ = 	snop  }
0x3d8: {  	[hbm4b:s18+s2] =	stream.indirect_vreg.scatter [tilespmem:s10], [sflag:$0x1], $0x80, v7, vm0, $0xb8;
	[tilespmem:$0x18200] =	vst v63  }
0x3d9: {  	_ = 	snop  }
0x3da: {  	[hbm4b:s9+s2] =	stream.indirect_vreg.scatter [tilespmem:s28], [sflag:$0x1], $0x80, v7, vm0, $0xb8;
	[tilespmem:$0x18200] =	vst v63  }
0x3db: {  	v7 =	vld [tilespmem:$0x181A0];
	_ =	sdelay $0x4  }
0x3dc: {  	v8 =	vshrl.u32 v7, $0x3  }
0x3dd: {  	v8 =	vmul.u32 $0x30, v8  }
0x3de: {  	v7 =	vand.u32 $0x7, v7  }
0x3df: {  	v7 =	vor.u32 v7, v8  }
0x3e0: {  	v8 =	vperm.xlane v7, v4;
	_ =	sdelay $0x1  }
0x3e1: {  	v8 =	vadd.s32 v5, v8;
	_ =	sdelay $0x3  }
0x3e2: {  	v7 =	vperm.xlane v7, v6  }
0x3e3: {  	[hbm4b:s8+s2] =	stream.indirect_vreg.scatter [tilespmem:s31], [sflag:$0x1], $0x80, v8, vm0, $0xb8;
	[tilespmem:$0x18200] =	vst v63  }
0x3e4: {  	v7 =	vadd.s32 v5, v7  }
0x3e5: {  	[hbm4b:s18+s2] =	stream.indirect_vreg.scatter [tilespmem:s7], [sflag:$0x1], $0x80, v8, vm0, $0xb8;
	[tilespmem:$0x18200] =	vst v63  }
0x3e6: {  	_ = 	snop  }
0x3e7: {  	[hbm4b:s9+s2] =	stream.indirect_vreg.scatter [tilespmem:s20], [sflag:$0x1], $0x80, v8, vm0, $0xb8;
	[tilespmem:$0x18200] =	vst v63  }
0x3e8: {  	_ = 	snop  }
0x3e9: {  	[hbm4b:s8+s2] =	stream.indirect_vreg.scatter [tilespmem:s1], [sflag:$0x1], $0x80, v7, vm0, $0xb8;
	[tilespmem:$0x18200] =	vst v63  }
0x3ea: {  	_ = 	snop  }
0x3eb: {  	[hbm4b:s18+s2] =	stream.indirect_vreg.scatter [tilespmem:s15], [sflag:$0x1], $0x80, v7, vm0, $0xb8;
	[tilespmem:$0x18200] =	vst v63  }
0x3ec: {  	_ = 	snop  }
0x3ed: {  	[hbm4b:s9+s2] =	stream.indirect_vreg.scatter [tilespmem:s21], [sflag:$0x1], $0x80, v7, vm0, $0xb8;
	[tilespmem:$0x18200] =	vst v63  }
0x3ee: {  	v7 =	vld [tilespmem:$0x181B0];
	_ =	sdelay $0x4  }
0x3ef: {  	v8 =	vshrl.u32 v7, $0x3  }
0x3f0: {  	v8 =	vmul.u32 $0x30, v8  }
0x3f1: {  	v7 =	vand.u32 $0x7, v7  }
0x3f2: {  	v7 =	vor.u32 v7, v8  }
0x3f3: {  	v8 =	vperm.xlane v7, v4;
	_ =	sdelay $0x1  }
0x3f4: {  	v8 =	vadd.s32 v5, v8;
	_ =	sdelay $0x3  }
0x3f5: {  	s28 =	simm.s32 $0x9180;
	v7 =	vperm.xlane v7, v6  }
0x3f6: {  	[hbm4b:s8+s2] =	stream.indirect_vreg.scatter [tilespmem:s28], [sflag:$0x1], $0x80, v8, vm0, $0xb8;
	[tilespmem:$0x18200] =	vst v63  }
0x3f7: {  	v7 =	vadd.s32 v5, v7  }
0x3f8: {  	[hbm4b:s18+s2] =	stream.indirect_vreg.scatter [tilespmem:s19], [sflag:$0x1], $0x80, v8, vm0, $0xb8;
	[tilespmem:$0x18200] =	vst v63  }
0x3f9: {  	_ = 	snop  }
0x3fa: {  	[hbm4b:s9+s2] =	stream.indirect_vreg.scatter [tilespmem:s16], [sflag:$0x1], $0x80, v8, vm0, $0xb8;
	[tilespmem:$0x18200] =	vst v63  }
0x3fb: {  	_ = 	snop  }
0x3fc: {  	[hbm4b:s8+s2] =	stream.indirect_vreg.scatter [tilespmem:s29], [sflag:$0x1], $0x80, v7, vm0, $0xb8;
	[tilespmem:$0x18200] =	vst v63  }
0x3fd: {  	p0 =	sne.s32 s0, $0x1  }
0x3fe: {  	[hbm4b:s18+s2] =	stream.indirect_vreg.scatter [tilespmem:s30], [sflag:$0x1], $0x80, v7, vm0, $0xb8;
	[tilespmem:$0x18200] =	vst v63  }
.Ltmp0:
0x3ff: {  	s31 =	simm.s32 $0xB980;
	(pc) =	sbr.rel @p0 .LBB2_1-.Ltmp0, $4  }
0x400: {  	[hbm4b:s9+s2] =	stream.indirect_vreg.scatter [tilespmem:s31], [sflag:$0x1], $0x80, v7, vm0, $0xb8;
	[tilespmem:$0x18200] =	vst v63  }
0x401: {  	_ =	swait.ge [sflag:s4], $0xC000  }
0x402: {  	[sflag:s4] =	ssyncset.done $0x0  }
0x403: {  	s0 =	sadd.s32 $0xFFFFFFFF, s0;
	[sflag:s4] =	ssyncadd.s32 $0xFFFF4000  }
0x404: {  	_ =	sfence.sel $0x180000  }
0x405: {  	[bflag:$0x0] =	sbarrier.arrive $0xFFFF  }
0x406: {  	_ =	strace $0x90000047  }
0x407: {  	s0 =	stileid.u32;
	[bflag:$0x2] =	sbarrier.arrive $0xFFFF  }
0x408: {  	p0 =	sne.s32 s0, $0x0;
	s0 =	rddreg [dreg:$0x2]  }
0x409: {  	s0 =	sadd.s32 @!p0 $0x100000, s0  }
0x40a: {  	[sflag:s0] =	ssyncadd.tile.s32 @!p0 $0x1;
	_ =	shalt  }
.Lfunc_end2:
_tile_overlayer_lowered:
.L_overlay_start_2:
0x40b: {  	(tag) =	ssettag $0x2  }
0x40c: {  	s0 =	rddreg [dreg:$0x0];
	s2 =	stileid.u32  }
0x40d: {  	s1 =	rddreg [dreg:$0x1];
	p0 =	sne.s32 s2, $0x0  }
0x40e: {  	s3 =	rddreg [dreg:$0x2];
	[bflag:$0x3] =	sbarrier.arrive $0xFFFF;
	s2 =	simm.s32 @!p0 $0x1C03  }
0x40f: {  	[timem:s3], [sflag:s2] =	dma.local @!p0 [hbm:s0], s1  }
0x410: {  	s0 =	simm.s32 @!p0 $0x3  }
0x411: {  	_ =	swait.ge @!p0 [sflag:s0], s1  }
0x412: {  	s1 =	ssub.s32 @!p0 $0x0, s1;
	[sflag:s0] =	ssyncset.done @!p0 $0x0  }
0x413: {  	[sflag:s0] =	ssyncadd.s32 @!p0 s1  }
0x414: {  	[bflag:$0x3] =	sbarrier.arrive $0xFFFF  }
0x415: {  	_ =	shalt  }

</sc_bundles>
